<compile_context>
chip_gen: v7x
topology: tpu7x:2x2x1
jax: 0.10.2.dev20260603
libtpu: 0.0.44.dev20260713+nightly
codegen_flags: <defaults>
</compile_context>

<pallas_src>
import functools

import jax
import jax.numpy as jnp
from jax import lax
from jax.experimental import pallas as pl
from jax.experimental.pallas import tpu as pltpu
from jax.experimental.pallas import tpu_sc as plsc

_NC = 2
_NS = 16
_NW = _NC * _NS
_B = 128

_mesh = plsc.VectorSubcoreMesh(
    core_axis_name="c", subcore_axis_name="s", num_cores=_NC, num_subcores=_NS
)


def _make_sc_degree(n_pad, eb_rows, width):
  rows_per_sub = n_pad // _NS
  rows_per_w = eb_rows // _NW

  @functools.partial(
      pl.kernel,
      mesh=_mesh,
      out_type=jax.ShapeDtypeStruct((_NC * n_pad, width), jnp.float32),
      scratch_types=[
          pltpu.VMEM((rows_per_w, _B), jnp.int32),
          pltpu.VMEM((_B, width), jnp.float32),
          pltpu.VMEM_SHARED((n_pad, width), jnp.float32),
      ],
  )
  def deg_kernel(dst_hbm, zeros_hbm, ones_hbm, out_hbm, dst_v, ones_v, deg_sh):
    cid = lax.axis_index("c")
    sid = lax.axis_index("s")
    wid = sid * _NC + cid
    pltpu.sync_copy(
        zeros_hbm.at[pl.ds(sid * rows_per_sub, rows_per_sub)],
        deg_sh.at[pl.ds(sid * rows_per_sub, rows_per_sub)],
    )
    pltpu.sync_copy(ones_hbm, ones_v)
    pltpu.sync_copy(dst_hbm.at[pl.ds(wid * rows_per_w, rows_per_w)], dst_v)
    plsc.subcore_barrier()

    def body(j, carry):
      pltpu.sync_copy(ones_v, deg_sh.at[dst_v.at[j]], add=True)
      return carry

    lax.fori_loop(0, rows_per_w, body, 0)
    plsc.subcore_barrier()
    pltpu.sync_copy(
        deg_sh.at[pl.ds(sid * rows_per_sub, rows_per_sub)],
        out_hbm.at[pl.ds(cid * n_pad + sid * rows_per_sub, rows_per_sub)],
    )

  return deg_kernel


def _make_sc_aggregate(n, n_pad, eb_rows, h_half):
  rows_per_sub = (n // _NS) // 8 * 8
  tail = n - rows_per_sub * _NS
  rows_per_w = eb_rows // _NS

  @functools.partial(
      pl.kernel,
      mesh=_mesh,
      out_type=jax.ShapeDtypeStruct((_NC * n, h_half), jnp.float32),
      scratch_types=[
          pltpu.VMEM((rows_per_w // 2, _B), jnp.int32),
          pltpu.VMEM((rows_per_w // 2, _B), jnp.int32),
          pltpu.VMEM((_B, h_half), jnp.float32),
          pltpu.VMEM((_B, h_half), jnp.float32),
          pltpu.VMEM_SHARED((n_pad, h_half), jnp.float32),
          pltpu.SemaphoreType.DMA,
      ],
  )
  def agg_kernel(g_hbm, src_hbm, dst_hbm, out_hbm, src_v, dst_v, rows_a,
                 rows_b, acc_sh, sem_a):
    cid = lax.axis_index("c")
    sid = lax.axis_index("s")
    pltpu.sync_copy(
        g_hbm.at[pl.ds(cid * n + sid * rows_per_sub, rows_per_sub)],
        acc_sh.at[pl.ds(sid * rows_per_sub, rows_per_sub)],
    )
    if tail:
      @pl.when(sid == 0)
      def _():
        pltpu.sync_copy(
            g_hbm.at[pl.ds(cid * n + rows_per_sub * _NS, tail)],
            acc_sh.at[pl.ds(rows_per_sub * _NS, tail)],
        )
    plsc.subcore_barrier()

    half_rows = rows_per_w // 2
    n_pairs = half_rows // 2

    for chunk in range(2):
      base = sid * rows_per_w + chunk * half_rows
      pltpu.sync_copy(
          src_hbm.at[pl.ds(cid * (_NS * rows_per_w) + base, half_rows)], src_v
      )
      pltpu.sync_copy(dst_hbm.at[pl.ds(base, half_rows)], dst_v)

      pltpu.async_copy(g_hbm.at[src_v.at[0]], rows_a, sem_a)

      def ebody(i, carry):
        j = 2 * i
        pltpu.async_copy(g_hbm.at[src_v.at[j + 1]], rows_b, sem_a)
        pltpu.make_async_copy(g_hbm.at[src_v.at[j]], rows_a, sem_a).wait()
        pltpu.sync_copy(rows_a, acc_sh.at[dst_v.at[j]], add=True)

        @pl.when(i < n_pairs - 1)
        def _():
          pltpu.async_copy(g_hbm.at[src_v.at[j + 2]], rows_a, sem_a)

        pltpu.make_async_copy(g_hbm.at[src_v.at[j + 1]], rows_b, sem_a).wait()
        pltpu.sync_copy(rows_b, acc_sh.at[dst_v.at[j + 1]], add=True)
        return carry

      lax.fori_loop(0, n_pairs, ebody, 0)
    plsc.subcore_barrier()
    pltpu.sync_copy(
        acc_sh.at[pl.ds(sid * rows_per_sub, rows_per_sub)],
        out_hbm.at[pl.ds(cid * n + sid * rows_per_sub, rows_per_sub)],
    )
    if tail:
      @pl.when(sid == 0)
      def _():
        pltpu.sync_copy(
            acc_sh.at[pl.ds(rows_per_sub * _NS, tail)],
            out_hbm.at[pl.ds(cid * n + rows_per_sub * _NS, tail)],
        )

  return agg_kernel


def _tc0_body(x_ref, w_ref, deg_ref, g_ref, dinv_ref):
  dinv = lax.rsqrt(deg_ref[:, 0:1] + 1.0)
  g_ref[...] = dinv * jnp.dot(
      x_ref[...], w_ref[...], preferred_element_type=jnp.float32
  )
  dinv_ref[...] = jnp.broadcast_to(dinv, dinv_ref.shape)


def _tc_layer_body(accl_ref, accr_ref, dinv_ref, b_ref, w_ref, g_ref):
  dinv = dinv_ref[:, 0:1]
  t = jnp.concatenate([accl_ref[...], accr_ref[...]], axis=1)
  t = jnp.maximum(dinv * t + b_ref[...], 0.0)
  g_ref[...] = dinv * jnp.dot(
      t, w_ref[...], preferred_element_type=jnp.float32
  )


def _tc_final_body(accl_ref, accr_ref, dinv_ref, b_ref, out_ref):
  dinv = dinv_ref[:, 0:1]
  t = dinv * jnp.concatenate([accl_ref[...], accr_ref[...]], axis=1) + b_ref[...]
  m = jnp.max(t, axis=1, keepdims=True)
  u = t - m
  out_ref[...] = u - jnp.log(jnp.sum(jnp.exp(u), axis=1, keepdims=True))


def kernel(x, edge_index, W1, b1, W2, b2, W3, b3):
  n, d = x.shape
  h = W1.shape[1]
  e = edge_index.shape[1]
  hh = h // 2
  rb = 1000
  ng = n // rb
  n_pad = ((n + 16 + 127) // 128) * 128
  e_pad = ((e + _NW * _B - 1) // (_NW * _B)) * (_NW * _B)
  eb_rows = e_pad // _B

  src = edge_index[0]
  dst = edge_index[1]
  pad = e_pad - e
  src2 = jnp.concatenate([src, jnp.zeros((pad,), jnp.int32)]).reshape(eb_rows, _B)
  dst2 = jnp.concatenate(
      [dst, jnp.full((pad,), n, jnp.int32)]
  ).reshape(eb_rows, _B)
  src2x2 = jnp.concatenate([src2, src2 + n], axis=0)

  zeros128 = jnp.zeros((n_pad, 128), jnp.float32)
  ones128 = jnp.ones((_B, 128), jnp.float32)

  sc_deg = _make_sc_degree(n_pad, eb_rows, 128)
  sc_agg = _make_sc_aggregate(n, n_pad, eb_rows, hh)

  degp = sc_deg(dst2, zeros128, ones128)
  degsum = (degp[:n_pad, :8] + degp[n_pad:, :8])[:n]

  tc0 = pl.pallas_call(
      _tc0_body,
      grid=(ng, _NC),
      in_specs=[
          pl.BlockSpec((rb, d), lambda i, c: (i, 0)),
          pl.BlockSpec((d, hh), lambda i, c: (0, c)),
          pl.BlockSpec((rb, 8), lambda i, c: (i, 0)),
      ],
      out_specs=[
          pl.BlockSpec((rb, hh), lambda i, c: (c * ng + i, 0)),
          pl.BlockSpec((rb, 8), lambda i, c: (i, 0)),
      ],
      out_shape=[
          jax.ShapeDtypeStruct((_NC * n, hh), jnp.float32),
          jax.ShapeDtypeStruct((n, 8), jnp.float32),
      ],
  )
  g1, dinv8 = tc0(x, W1, degsum)

  def tc_layer(acc, w, b):
    return pl.pallas_call(
        _tc_layer_body,
        grid=(ng, _NC),
        in_specs=[
            pl.BlockSpec((rb, hh), lambda i, c: (i, 0)),
            pl.BlockSpec((rb, hh), lambda i, c: (ng + i, 0)),
            pl.BlockSpec((rb, 8), lambda i, c: (i, 0)),
            pl.BlockSpec((1, h), lambda i, c: (0, 0)),
            pl.BlockSpec((h, hh), lambda i, c: (0, c)),
        ],
        out_specs=pl.BlockSpec((rb, hh), lambda i, c: (c * ng + i, 0)),
        out_shape=jax.ShapeDtypeStruct((_NC * n, hh), jnp.float32),
    )(acc, acc, dinv8, b.reshape(1, h), w)

  acc1 = sc_agg(g1, src2x2, dst2)
  g2 = tc_layer(acc1, W2, b1)
  acc2 = sc_agg(g2, src2x2, dst2)
  g3 = tc_layer(acc2, W3, b2)
  acc3 = sc_agg(g3, src2x2, dst2)

  out = pl.pallas_call(
      _tc_final_body,
      grid=(ng,),
      in_specs=[
          pl.BlockSpec((rb, hh), lambda i: (i, 0)),
          pl.BlockSpec((rb, hh), lambda i: (ng + i, 0)),
          pl.BlockSpec((rb, 8), lambda i: (i, 0)),
          pl.BlockSpec((1, h), lambda i: (0, 0)),
      ],
      out_specs=pl.BlockSpec((rb, h), lambda i: (i, 0)),
      out_shape=jax.ShapeDtypeStruct((n, h), jnp.float32),
  )(acc3, acc3, dinv8, b3.reshape(1, h))
  return out

# --- scband reference (transcript-rebuilt; emitter-appended) ---
"""Pipeline reference for scband-basic-gnn-43181601193999 (READ-ONLY COPY).

The authoritative reference and input builder live on the scoring server;
editing this copy changes nothing except your own understanding.
"""

import jax, jax.numpy as jnp
import numpy as np

N = 10000
E = 160000
D = 256
H = 256


def setup_inputs(seed: int = 0) -> dict:
    key = jax.random.key(seed)
    ks = jax.random.split(key, 8)
    x = jax.random.normal(ks[0], (N, D), dtype=jnp.float32)
    edge_index = jax.random.randint(ks[1], (2, E), 0, N, dtype=jnp.int32)
    s1 = 1.0 / np.sqrt(D)
    s2 = 1.0 / np.sqrt(H)
    W1 = jax.random.normal(ks[2], (D, H), dtype=jnp.float32) * s1
    b1 = jnp.zeros((H,), dtype=jnp.float32)
    W2 = jax.random.normal(ks[3], (H, H), dtype=jnp.float32) * s2
    b2 = jnp.zeros((H,), dtype=jnp.float32)
    W3 = jax.random.normal(ks[4], (H, H), dtype=jnp.float32) * s2
    b3 = jnp.zeros((H,), dtype=jnp.float32)
    return {"x": x, "edge_index": edge_index, "W1": W1, "b1": b1, "W2": W2, "b2": b2, "W3": W3, "b3": b3}


def _gcn_conv(x, edge_index, W, b):
    # GCN-style conv (BasicGNN is abstract; instantiated with GCNConv semantics):
    # add self-loops, symmetric deg normalization, scatter-add aggregation.
    h = x @ W
    src = edge_index[0]
    dst = edge_index[1]
    loop = jnp.arange(N, dtype=src.dtype)
    src_f = jnp.concatenate([src, loop])
    dst_f = jnp.concatenate([dst, loop])
    deg = jnp.zeros((N,), dtype=jnp.float32).at[dst_f].add(1.0)
    dinv = 1.0 / jnp.sqrt(jnp.clip(deg, 1.0))
    norm = dinv[src_f] * dinv[dst_f]
    msgs = h[src_f] * norm[:, None]
    out = jnp.zeros((N, h.shape[1]), dtype=h.dtype).at[dst_f].add(msgs)
    return out + b


def reference(x, edge_index, W1, b1, W2, b2, W3, b3):
    # layer 1
    h = _gcn_conv(x, edge_index, W1, b1)
    h = jax.nn.relu(h)  # dropout p=0.0 is identity
    # layer 2
    h = _gcn_conv(h, edge_index, W2, b2)
    h = jax.nn.relu(h)
    # layer 3 (last layer, jk=None -> no act/norm/dropout)
    h = _gcn_conv(h, edge_index, W3, b3)
    return jax.nn.log_softmax(h, axis=1)

if __name__ == "__main__":
    import jax
    _d = setup_inputs()
    print(jax.jit(kernel)(*tuple(_d.values())))

</pallas_src>

<mosaic_0001>
#map = affine_map<(d0, d1) -> (0, 0)>
module attributes {stable_mosaic.version = 14 : i64} {
  func.func @agg_kernel(%arg0: i32, %arg1: i32, %arg2: memref<20000x128xf32, #tpu.memory_space<hbm>>, %arg3: memref<2560x128xi32, #tpu.memory_space<hbm>>, %arg4: memref<1280x128xi32, #tpu.memory_space<hbm>>, %arg5: memref<20000x128xf32, #tpu.memory_space<hbm>>, %arg6: memref<40x128xi32, #tpu.memory_space<vmem>>, %arg7: memref<40x128xi32, #tpu.memory_space<vmem>>, %arg8: memref<128x128xf32, #tpu.memory_space<vmem>>, %arg9: memref<128x128xf32, #tpu.memory_space<vmem>>, %arg10: memref<10112x128xf32, #tpu.memory_space<vmem_shared>>, %arg11: memref<!tpu.dma_semaphore, #tpu.memory_space<semaphore_mem>>) attributes {dimension_semantics = [#tpu.dimension_semantics<core_parallel>, #tpu.dimension_semantics<subcore_parallel>], iteration_bounds = array<i64: 2, 16>, scalar_prefetch = 0 : i64, scratch_operands = 6 : i64, tpu.core_type = #tpu.core_type<sc_vector_subcore>, window_params = [{transform_indices = #map}, {transform_indices = #map}, {transform_indices = #map}, {transform_indices = #map}]} {
    %mul3A = arith.constant 10000 : i32
    %mul3A_0 = arith.muli %arg0, %mul3A : i32
    %mul3A_1 = arith.constant 624 : i32
    %mul3A_2 = arith.muli %arg1, %mul3A_1 : i32
    %add3A = arith.addi %mul3A_0, %mul3A_2 : i32
    %mul3A_3 = arith.constant 624 : i32
    %mul3A_4 = arith.muli %arg1, %mul3A_3 : i32
    "tpu.region"() ({
      %run_scoped3A = tpu.sem_alloc : memref<!tpu.dma_semaphore, #tpu.memory_space<semaphore_mem>>
      %dma_start3A_58 = arith.constant 0 : i32
      %dma_start3A_59 = tpu.memref_slice %arg10[%mul3A_4, %dma_start3A_58] : memref<10112x128xf32, #tpu.memory_space<vmem_shared>> -> memref<624x128xf32, #tpu.memory_space<vmem_shared>>
      %dma_start3A_60 = arith.constant 0 : i32
      %dma_start3A_61 = tpu.memref_slice %arg2[%add3A, %dma_start3A_60] : memref<20000x128xf32, #tpu.memory_space<hbm>> -> memref<624x128xf32, #tpu.memory_space<hbm>>
      tpu.enqueue_dma source(%dma_start3A_61 : memref<624x128xf32, #tpu.memory_space<hbm>>) target(%dma_start3A_59 : memref<624x128xf32, #tpu.memory_space<vmem_shared>>) target_semaphore(%run_scoped3A : memref<!tpu.dma_semaphore, #tpu.memory_space<semaphore_mem>>)
      %dma_wait3A = arith.constant 0 : i32
      %dma_wait3A_62 = tpu.memref_slice %arg10[%mul3A_4, %dma_wait3A] : memref<10112x128xf32, #tpu.memory_space<vmem_shared>> -> memref<624x128xf32, #tpu.memory_space<vmem_shared>>
      %dma_wait3A_63 = arith.constant 0 : i32
      %dma_wait3A_64 = tpu.memref_slice %arg2[%add3A, %dma_wait3A_63] : memref<20000x128xf32, #tpu.memory_space<hbm>> -> memref<624x128xf32, #tpu.memory_space<hbm>>
      tpu.wait_dma2 semaphore(%run_scoped3A : memref<!tpu.dma_semaphore, #tpu.memory_space<semaphore_mem>>) src(%dma_wait3A_64 : memref<624x128xf32, #tpu.memory_space<hbm>>) dst(%dma_wait3A_62 : memref<624x128xf32, #tpu.memory_space<vmem_shared>>)
      tpu.yield
    }) : () -> ()
    %eq3A = arith.constant 0 : i32
    %eq3A_5 = arith.cmpi eq, %arg1, %eq3A : i32
    %convert_element_type3A = arith.extui %eq3A_5 : i1 to i32
    %cond3A = arith.constant 0 : i32
    %cond3A_6 = arith.cmpi ne, %convert_element_type3A, %cond3A : i32
    scf.if %cond3A_6 {
      %mul3A_58 = arith.constant 10000 : i32
      %mul3A_59 = arith.muli %arg0, %mul3A_58 : i32
      %add3A_60 = arith.constant 9984 : i32
      %add3A_61 = arith.addi %mul3A_59, %add3A_60 : i32
      "tpu.region"() ({
        %run_scoped3A = tpu.sem_alloc : memref<!tpu.dma_semaphore, #tpu.memory_space<semaphore_mem>>
        %dma_start3A_62 = arith.constant 9984 : i32
        %dma_start3A_63 = arith.constant 0 : i32
        %dma_start3A_64 = tpu.memref_slice %arg10[%dma_start3A_62, %dma_start3A_63] : memref<10112x128xf32, #tpu.memory_space<vmem_shared>> -> memref<16x128xf32, #tpu.memory_space<vmem_shared>>
        %dma_start3A_65 = arith.constant 0 : i32
        %dma_start3A_66 = tpu.memref_slice %arg2[%add3A_61, %dma_start3A_65] : memref<20000x128xf32, #tpu.memory_space<hbm>> -> memref<16x128xf32, #tpu.memory_space<hbm>>
        tpu.enqueue_dma source(%dma_start3A_66 : memref<16x128xf32, #tpu.memory_space<hbm>>) target(%dma_start3A_64 : memref<16x128xf32, #tpu.memory_space<vmem_shared>>) target_semaphore(%run_scoped3A : memref<!tpu.dma_semaphore, #tpu.memory_space<semaphore_mem>>)
        %dma_wait3A = arith.constant 9984 : i32
        %dma_wait3A_67 = arith.constant 0 : i32
        %dma_wait3A_68 = tpu.memref_slice %arg10[%dma_wait3A, %dma_wait3A_67] : memref<10112x128xf32, #tpu.memory_space<vmem_shared>> -> memref<16x128xf32, #tpu.memory_space<vmem_shared>>
        %dma_wait3A_69 = arith.constant 0 : i32
        %dma_wait3A_70 = tpu.memref_slice %arg2[%add3A_61, %dma_wait3A_69] : memref<20000x128xf32, #tpu.memory_space<hbm>> -> memref<16x128xf32, #tpu.memory_space<hbm>>
        tpu.wait_dma2 semaphore(%run_scoped3A : memref<!tpu.dma_semaphore, #tpu.memory_space<semaphore_mem>>) src(%dma_wait3A_70 : memref<16x128xf32, #tpu.memory_space<hbm>>) dst(%dma_wait3A_68 : memref<16x128xf32, #tpu.memory_space<vmem_shared>>)
        tpu.yield
      }) : () -> ()
    } else {
    }
    %barrier3A = arith.constant 0 : index
    tpu.barrier barrier_id(%barrier3A)
    %mul3A_7 = arith.constant 80 : i32
    %mul3A_8 = arith.muli %arg1, %mul3A_7 : i32
    %add3A_9 = arith.constant 0 : i32
    %add3A_10 = arith.addi %mul3A_8, %add3A_9 : i32
    %mul3A_11 = arith.constant 1280 : i32
    %mul3A_12 = arith.muli %arg0, %mul3A_11 : i32
    %add3A_13 = arith.addi %mul3A_12, %add3A_10 : i32
    "tpu.region"() ({
      %run_scoped3A = tpu.sem_alloc : memref<!tpu.dma_semaphore, #tpu.memory_space<semaphore_mem>>
      %dma_start3A_58 = arith.constant 0 : i32
      %dma_start3A_59 = tpu.memref_slice %arg3[%add3A_13, %dma_start3A_58] : memref<2560x128xi32, #tpu.memory_space<hbm>> -> memref<40x128xi32, #tpu.memory_space<hbm>>
      %dma_start3A_60 = arith.constant 0 : i32
      %dma_start3A_61 = tpu.memref_slice %arg3[%add3A_13, %dma_start3A_60] : memref<2560x128xi32, #tpu.memory_space<hbm>> -> memref<40x128xi32, #tpu.memory_space<hbm>>
      tpu.enqueue_dma source(%dma_start3A_61 : memref<40x128xi32, #tpu.memory_space<hbm>>) target(%arg6 : memref<40x128xi32, #tpu.memory_space<vmem>>) target_semaphore(%run_scoped3A : memref<!tpu.dma_semaphore, #tpu.memory_space<semaphore_mem>>)
      %dma_wait3A = arith.constant 0 : i32
      %dma_wait3A_62 = tpu.memref_slice %arg3[%add3A_13, %dma_wait3A] : memref<2560x128xi32, #tpu.memory_space<hbm>> -> memref<40x128xi32, #tpu.memory_space<hbm>>
      %dma_wait3A_63 = arith.constant 0 : i32
      %dma_wait3A_64 = tpu.memref_slice %arg3[%add3A_13, %dma_wait3A_63] : memref<2560x128xi32, #tpu.memory_space<hbm>> -> memref<40x128xi32, #tpu.memory_space<hbm>>
      tpu.wait_dma2 semaphore(%run_scoped3A : memref<!tpu.dma_semaphore, #tpu.memory_space<semaphore_mem>>) src(%dma_wait3A_64 : memref<40x128xi32, #tpu.memory_space<hbm>>) dst(%arg6 : memref<40x128xi32, #tpu.memory_space<vmem>>)
      tpu.yield
    }) : () -> ()
    "tpu.region"() ({
      %run_scoped3A = tpu.sem_alloc : memref<!tpu.dma_semaphore, #tpu.memory_space<semaphore_mem>>
      %dma_start3A_58 = arith.constant 0 : i32
      %dma_start3A_59 = tpu.memref_slice %arg4[%add3A_10, %dma_start3A_58] : memref<1280x128xi32, #tpu.memory_space<hbm>> -> memref<40x128xi32, #tpu.memory_space<hbm>>
      %dma_start3A_60 = arith.constant 0 : i32
      %dma_start3A_61 = tpu.memref_slice %arg4[%add3A_10, %dma_start3A_60] : memref<1280x128xi32, #tpu.memory_space<hbm>> -> memref<40x128xi32, #tpu.memory_space<hbm>>
      tpu.enqueue_dma source(%dma_start3A_61 : memref<40x128xi32, #tpu.memory_space<hbm>>) target(%arg7 : memref<40x128xi32, #tpu.memory_space<vmem>>) target_semaphore(%run_scoped3A : memref<!tpu.dma_semaphore, #tpu.memory_space<semaphore_mem>>)
      %dma_wait3A = arith.constant 0 : i32
      %dma_wait3A_62 = tpu.memref_slice %arg4[%add3A_10, %dma_wait3A] : memref<1280x128xi32, #tpu.memory_space<hbm>> -> memref<40x128xi32, #tpu.memory_space<hbm>>
      %dma_wait3A_63 = arith.constant 0 : i32
      %dma_wait3A_64 = tpu.memref_slice %arg4[%add3A_10, %dma_wait3A_63] : memref<1280x128xi32, #tpu.memory_space<hbm>> -> memref<40x128xi32, #tpu.memory_space<hbm>>
      tpu.wait_dma2 semaphore(%run_scoped3A : memref<!tpu.dma_semaphore, #tpu.memory_space<semaphore_mem>>) src(%dma_wait3A_64 : memref<40x128xi32, #tpu.memory_space<hbm>>) dst(%arg7 : memref<40x128xi32, #tpu.memory_space<vmem>>)
      tpu.yield
    }) : () -> ()
    %dma_start3A = arith.constant 0 : i32
    %dma_start3A_14 = arith.constant 0 : i32
    %dma_start3A_15 = tpu.memref_slice %arg6[%dma_start3A, %dma_start3A_14] : memref<40x128xi32, #tpu.memory_space<vmem>> -> memref<1x128xi32, #tpu.memory_space<vmem>>
    %dma_start3A_16 = tpu.memref_squeeze %dma_start3A_15 : memref<1x128xi32, #tpu.memory_space<vmem>> -> memref<128xi32, #tpu.memory_space<vmem>>
    %dma_start3A_17 = arith.constant 0 : i32
    %dma_start3A_18 = arith.constant 0 : i32
    %dma_start3A_19 = tpu.memref_slice %arg2[%dma_start3A_17, %dma_start3A_18] : memref<20000x128xf32, #tpu.memory_space<hbm>> -> memref<20000x128xf32, #tpu.memory_space<hbm>>
    tpu.enqueue_indirect_dma source(%dma_start3A_19 : memref<20000x128xf32, #tpu.memory_space<hbm>>) target(%arg8 : memref<128x128xf32, #tpu.memory_space<vmem>>) offsets(%dma_start3A_16 : memref<128xi32, #tpu.memory_space<vmem>>) semaphore(%arg11 : memref<!tpu.dma_semaphore, #tpu.memory_space<semaphore_mem>>)
    %scan3A = arith.constant 0 : i32
    %scan3A_20 = arith.constant 0 : i32
    %scan3A_21 = arith.constant 20 : i32
    %scan3A_22 = arith.addi %scan3A_20, %scan3A_21 : i32
    %scan3A_23 = arith.constant 1 : i32
    scf.for %scan3A_58 = %scan3A_20 to %scan3A_22 step %scan3A_23  : i32 {
      %mul3A_59 = arith.constant 2 : i32
      %mul3A_60 = arith.muli %mul3A_59, %scan3A_58 : i32
      %add3A_61 = arith.constant 1 : i32
      %add3A_62 = arith.addi %mul3A_60, %add3A_61 : i32
      %dma_start3A_63 = arith.constant 0 : i32
      %dma_start3A_64 = tpu.memref_slice %arg6[%add3A_62, %dma_start3A_63] : memref<40x128xi32, #tpu.memory_space<vmem>> -> memref<1x128xi32, #tpu.memory_space<vmem>>
      %dma_start3A_65 = tpu.memref_squeeze %dma_start3A_64 : memref<1x128xi32, #tpu.memory_space<vmem>> -> memref<128xi32, #tpu.memory_space<vmem>>
      %dma_start3A_66 = arith.constant 0 : i32
      %dma_start3A_67 = arith.constant 0 : i32
      %dma_start3A_68 = tpu.memref_slice %arg2[%dma_start3A_66, %dma_start3A_67] : memref<20000x128xf32, #tpu.memory_space<hbm>> -> memref<20000x128xf32, #tpu.memory_space<hbm>>
      tpu.enqueue_indirect_dma source(%dma_start3A_68 : memref<20000x128xf32, #tpu.memory_space<hbm>>) target(%arg9 : memref<128x128xf32, #tpu.memory_space<vmem>>) offsets(%dma_start3A_65 : memref<128xi32, #tpu.memory_space<vmem>>) semaphore(%arg11 : memref<!tpu.dma_semaphore, #tpu.memory_space<semaphore_mem>>)
      %dma_wait3A = arith.constant 0 : i32
      %dma_wait3A_69 = tpu.memref_slice %arg6[%mul3A_60, %dma_wait3A] : memref<40x128xi32, #tpu.memory_space<vmem>> -> memref<1x128xi32, #tpu.memory_space<vmem>>
      %dma_wait3A_70 = tpu.memref_squeeze %dma_wait3A_69 : memref<1x128xi32, #tpu.memory_space<vmem>> -> memref<128xi32, #tpu.memory_space<vmem>>
      %dma_wait3A_71 = arith.constant 0 : i32
      %dma_wait3A_72 = arith.constant 0 : i32
      %dma_wait3A_73 = tpu.memref_slice %arg2[%dma_wait3A_71, %dma_wait3A_72] : memref<20000x128xf32, #tpu.memory_space<hbm>> -> memref<20000x128xf32, #tpu.memory_space<hbm>>
      tpu.wait_indirect_dma semaphore(%arg11 : memref<!tpu.dma_semaphore, #tpu.memory_space<semaphore_mem>>) src(%dma_wait3A_73 : memref<20000x128xf32, #tpu.memory_space<hbm>>) dst(%arg8 : memref<128x128xf32, #tpu.memory_space<vmem>>)
      "tpu.region"() ({
        %run_scoped3A = tpu.sem_alloc : memref<!tpu.dma_semaphore, #tpu.memory_space<semaphore_mem>>
        %dma_start3A_88 = arith.constant 0 : i32
        %dma_start3A_89 = tpu.memref_slice %arg7[%mul3A_60, %dma_start3A_88] : memref<40x128xi32, #tpu.memory_space<vmem>> -> memref<1x128xi32, #tpu.memory_space<vmem>>
        %dma_start3A_90 = tpu.memref_squeeze %dma_start3A_89 : memref<1x128xi32, #tpu.memory_space<vmem>> -> memref<128xi32, #tpu.memory_space<vmem>>
        %dma_start3A_91 = arith.constant 0 : i32
        %dma_start3A_92 = arith.constant 0 : i32
        %dma_start3A_93 = tpu.memref_slice %arg10[%dma_start3A_91, %dma_start3A_92] : memref<10112x128xf32, #tpu.memory_space<vmem_shared>> -> memref<10112x128xf32, #tpu.memory_space<vmem_shared>>
        tpu.enqueue_indirect_dma source(%arg8 : memref<128x128xf32, #tpu.memory_space<vmem>>) target(%dma_start3A_93 : memref<10112x128xf32, #tpu.memory_space<vmem_shared>>) offsets(%dma_start3A_90 : memref<128xi32, #tpu.memory_space<vmem>>) semaphore(%run_scoped3A : memref<!tpu.dma_semaphore, #tpu.memory_space<semaphore_mem>>) {add = true}
        %dma_wait3A_94 = arith.constant 0 : i32
        %dma_wait3A_95 = tpu.memref_slice %arg7[%mul3A_60, %dma_wait3A_94] : memref<40x128xi32, #tpu.memory_space<vmem>> -> memref<1x128xi32, #tpu.memory_space<vmem>>
        %dma_wait3A_96 = tpu.memref_squeeze %dma_wait3A_95 : memref<1x128xi32, #tpu.memory_space<vmem>> -> memref<128xi32, #tpu.memory_space<vmem>>
        %dma_wait3A_97 = arith.constant 0 : i32
        %dma_wait3A_98 = arith.constant 0 : i32
        %dma_wait3A_99 = tpu.memref_slice %arg10[%dma_wait3A_97, %dma_wait3A_98] : memref<10112x128xf32, #tpu.memory_space<vmem_shared>> -> memref<10112x128xf32, #tpu.memory_space<vmem_shared>>
        tpu.wait_indirect_dma semaphore(%run_scoped3A : memref<!tpu.dma_semaphore, #tpu.memory_space<semaphore_mem>>) src(%arg8 : memref<128x128xf32, #tpu.memory_space<vmem>>) dst(%dma_wait3A_99 : memref<10112x128xf32, #tpu.memory_space<vmem_shared>>)
        tpu.yield
      }) : () -> ()
      %lt3A = arith.constant 19 : i32
      %lt3A_74 = arith.cmpi slt, %scan3A_58, %lt3A : i32
      %convert_element_type3A_75 = arith.extui %lt3A_74 : i1 to i32
      %cond3A_76 = arith.constant 0 : i32
      %cond3A_77 = arith.cmpi ne, %convert_element_type3A_75, %cond3A_76 : i32
      scf.if %cond3A_77 {
        %add3A_88 = arith.constant 2 : i32
        %add3A_89 = arith.addi %mul3A_60, %add3A_88 : i32
        %dma_start3A_90 = arith.constant 0 : i32
        %dma_start3A_91 = tpu.memref_slice %arg6[%add3A_89, %dma_start3A_90] : memref<40x128xi32, #tpu.memory_space<vmem>> -> memref<1x128xi32, #tpu.memory_space<vmem>>
        %dma_start3A_92 = tpu.memref_squeeze %dma_start3A_91 : memref<1x128xi32, #tpu.memory_space<vmem>> -> memref<128xi32, #tpu.memory_space<vmem>>
        %dma_start3A_93 = arith.constant 0 : i32
        %dma_start3A_94 = arith.constant 0 : i32
        %dma_start3A_95 = tpu.memref_slice %arg2[%dma_start3A_93, %dma_start3A_94] : memref<20000x128xf32, #tpu.memory_space<hbm>> -> memref<20000x128xf32, #tpu.memory_space<hbm>>
        tpu.enqueue_indirect_dma source(%dma_start3A_95 : memref<20000x128xf32, #tpu.memory_space<hbm>>) target(%arg8 : memref<128x128xf32, #tpu.memory_space<vmem>>) offsets(%dma_start3A_92 : memref<128xi32, #tpu.memory_space<vmem>>) semaphore(%arg11 : memref<!tpu.dma_semaphore, #tpu.memory_space<semaphore_mem>>)
      } else {
      }
      %add3A_78 = arith.constant 1 : i32
      %add3A_79 = arith.addi %mul3A_60, %add3A_78 : i32
      %dma_wait3A_80 = arith.constant 0 : i32
      %dma_wait3A_81 = tpu.memref_slice %arg6[%add3A_79, %dma_wait3A_80] : memref<40x128xi32, #tpu.memory_space<vmem>> -> memref<1x128xi32, #tpu.memory_space<vmem>>
      %dma_wait3A_82 = tpu.memref_squeeze %dma_wait3A_81 : memref<1x128xi32, #tpu.memory_space<vmem>> -> memref<128xi32, #tpu.memory_space<vmem>>
      %dma_wait3A_83 = arith.constant 0 : i32
      %dma_wait3A_84 = arith.constant 0 : i32
      %dma_wait3A_85 = tpu.memref_slice %arg2[%dma_wait3A_83, %dma_wait3A_84] : memref<20000x128xf32, #tpu.memory_space<hbm>> -> memref<20000x128xf32, #tpu.memory_space<hbm>>
      tpu.wait_indirect_dma semaphore(%arg11 : memref<!tpu.dma_semaphore, #tpu.memory_space<semaphore_mem>>) src(%dma_wait3A_85 : memref<20000x128xf32, #tpu.memory_space<hbm>>) dst(%arg9 : memref<128x128xf32, #tpu.memory_space<vmem>>)
      %add3A_86 = arith.constant 1 : i32
      %add3A_87 = arith.addi %mul3A_60, %add3A_86 : i32
      "tpu.region"() ({
        %run_scoped3A = tpu.sem_alloc : memref<!tpu.dma_semaphore, #tpu.memory_space<semaphore_mem>>
        %dma_start3A_88 = arith.constant 0 : i32
        %dma_start3A_89 = tpu.memref_slice %arg7[%add3A_87, %dma_start3A_88] : memref<40x128xi32, #tpu.memory_space<vmem>> -> memref<1x128xi32, #tpu.memory_space<vmem>>
        %dma_start3A_90 = tpu.memref_squeeze %dma_start3A_89 : memref<1x128xi32, #tpu.memory_space<vmem>> -> memref<128xi32, #tpu.memory_space<vmem>>
        %dma_start3A_91 = arith.constant 0 : i32
        %dma_start3A_92 = arith.constant 0 : i32
        %dma_start3A_93 = tpu.memref_slice %arg10[%dma_start3A_91, %dma_start3A_92] : memref<10112x128xf32, #tpu.memory_space<vmem_shared>> -> memref<10112x128xf32, #tpu.memory_space<vmem_shared>>
        tpu.enqueue_indirect_dma source(%arg9 : memref<128x128xf32, #tpu.memory_space<vmem>>) target(%dma_start3A_93 : memref<10112x128xf32, #tpu.memory_space<vmem_shared>>) offsets(%dma_start3A_90 : memref<128xi32, #tpu.memory_space<vmem>>) semaphore(%run_scoped3A : memref<!tpu.dma_semaphore, #tpu.memory_space<semaphore_mem>>) {add = true}
        %dma_wait3A_94 = arith.constant 0 : i32
        %dma_wait3A_95 = tpu.memref_slice %arg7[%add3A_87, %dma_wait3A_94] : memref<40x128xi32, #tpu.memory_space<vmem>> -> memref<1x128xi32, #tpu.memory_space<vmem>>
        %dma_wait3A_96 = tpu.memref_squeeze %dma_wait3A_95 : memref<1x128xi32, #tpu.memory_space<vmem>> -> memref<128xi32, #tpu.memory_space<vmem>>
        %dma_wait3A_97 = arith.constant 0 : i32
        %dma_wait3A_98 = arith.constant 0 : i32
        %dma_wait3A_99 = tpu.memref_slice %arg10[%dma_wait3A_97, %dma_wait3A_98] : memref<10112x128xf32, #tpu.memory_space<vmem_shared>> -> memref<10112x128xf32, #tpu.memory_space<vmem_shared>>
        tpu.wait_indirect_dma semaphore(%run_scoped3A : memref<!tpu.dma_semaphore, #tpu.memory_space<semaphore_mem>>) src(%arg9 : memref<128x128xf32, #tpu.memory_space<vmem>>) dst(%dma_wait3A_99 : memref<10112x128xf32, #tpu.memory_space<vmem_shared>>)
        tpu.yield
      }) : () -> ()
    }
    %scan3A_24 = arith.constant 20 : i32
    %mul3A_25 = arith.constant 80 : i32
    %mul3A_26 = arith.muli %arg1, %mul3A_25 : i32
    %add3A_27 = arith.constant 40 : i32
    %add3A_28 = arith.addi %mul3A_26, %add3A_27 : i32
    %mul3A_29 = arith.constant 1280 : i32
    %mul3A_30 = arith.muli %arg0, %mul3A_29 : i32
    %add3A_31 = arith.addi %mul3A_30, %add3A_28 : i32
    "tpu.region"() ({
      %run_scoped3A = tpu.sem_alloc : memref<!tpu.dma_semaphore, #tpu.memory_space<semaphore_mem>>
      %dma_start3A_58 = arith.constant 0 : i32
      %dma_start3A_59 = tpu.memref_slice %arg3[%add3A_31, %dma_start3A_58] : memref<2560x128xi32, #tpu.memory_space<hbm>> -> memref<40x128xi32, #tpu.memory_space<hbm>>
      %dma_start3A_60 = arith.constant 0 : i32
      %dma_start3A_61 = tpu.memref_slice %arg3[%add3A_31, %dma_start3A_60] : memref<2560x128xi32, #tpu.memory_space<hbm>> -> memref<40x128xi32, #tpu.memory_space<hbm>>
      tpu.enqueue_dma source(%dma_start3A_61 : memref<40x128xi32, #tpu.memory_space<hbm>>) target(%arg6 : memref<40x128xi32, #tpu.memory_space<vmem>>) target_semaphore(%run_scoped3A : memref<!tpu.dma_semaphore, #tpu.memory_space<semaphore_mem>>)
      %dma_wait3A = arith.constant 0 : i32
      %dma_wait3A_62 = tpu.memref_slice %arg3[%add3A_31, %dma_wait3A] : memref<2560x128xi32, #tpu.memory_space<hbm>> -> memref<40x128xi32, #tpu.memory_space<hbm>>
      %dma_wait3A_63 = arith.constant 0 : i32
      %dma_wait3A_64 = tpu.memref_slice %arg3[%add3A_31, %dma_wait3A_63] : memref<2560x128xi32, #tpu.memory_space<hbm>> -> memref<40x128xi32, #tpu.memory_space<hbm>>
      tpu.wait_dma2 semaphore(%run_scoped3A : memref<!tpu.dma_semaphore, #tpu.memory_space<semaphore_mem>>) src(%dma_wait3A_64 : memref<40x128xi32, #tpu.memory_space<hbm>>) dst(%arg6 : memref<40x128xi32, #tpu.memory_space<vmem>>)
      tpu.yield
    }) : () -> ()
    "tpu.region"() ({
      %run_scoped3A = tpu.sem_alloc : memref<!tpu.dma_semaphore, #tpu.memory_space<semaphore_mem>>
      %dma_start3A_58 = arith.constant 0 : i32
      %dma_start3A_59 = tpu.memref_slice %arg4[%add3A_28, %dma_start3A_58] : memref<1280x128xi32, #tpu.memory_space<hbm>> -> memref<40x128xi32, #tpu.memory_space<hbm>>
      %dma_start3A_60 = arith.constant 0 : i32
      %dma_start3A_61 = tpu.memref_slice %arg4[%add3A_28, %dma_start3A_60] : memref<1280x128xi32, #tpu.memory_space<hbm>> -> memref<40x128xi32, #tpu.memory_space<hbm>>
      tpu.enqueue_dma source(%dma_start3A_61 : memref<40x128xi32, #tpu.memory_space<hbm>>) target(%arg7 : memref<40x128xi32, #tpu.memory_space<vmem>>) target_semaphore(%run_scoped3A : memref<!tpu.dma_semaphore, #tpu.memory_space<semaphore_mem>>)
      %dma_wait3A = arith.constant 0 : i32
      %dma_wait3A_62 = tpu.memref_slice %arg4[%add3A_28, %dma_wait3A] : memref<1280x128xi32, #tpu.memory_space<hbm>> -> memref<40x128xi32, #tpu.memory_space<hbm>>
      %dma_wait3A_63 = arith.constant 0 : i32
      %dma_wait3A_64 = tpu.memref_slice %arg4[%add3A_28, %dma_wait3A_63] : memref<1280x128xi32, #tpu.memory_space<hbm>> -> memref<40x128xi32, #tpu.memory_space<hbm>>
      tpu.wait_dma2 semaphore(%run_scoped3A : memref<!tpu.dma_semaphore, #tpu.memory_space<semaphore_mem>>) src(%dma_wait3A_64 : memref<40x128xi32, #tpu.memory_space<hbm>>) dst(%arg7 : memref<40x128xi32, #tpu.memory_space<vmem>>)
      tpu.yield
    }) : () -> ()
    %dma_start3A_32 = arith.constant 0 : i32
    %dma_start3A_33 = arith.constant 0 : i32
    %dma_start3A_34 = tpu.memref_slice %arg6[%dma_start3A_32, %dma_start3A_33] : memref<40x128xi32, #tpu.memory_space<vmem>> -> memref<1x128xi32, #tpu.memory_space<vmem>>
    %dma_start3A_35 = tpu.memref_squeeze %dma_start3A_34 : memref<1x128xi32, #tpu.memory_space<vmem>> -> memref<128xi32, #tpu.memory_space<vmem>>
    %dma_start3A_36 = arith.constant 0 : i32
    %dma_start3A_37 = arith.constant 0 : i32
    %dma_start3A_38 = tpu.memref_slice %arg2[%dma_start3A_36, %dma_start3A_37] : memref<20000x128xf32, #tpu.memory_space<hbm>> -> memref<20000x128xf32, #tpu.memory_space<hbm>>
    tpu.enqueue_indirect_dma source(%dma_start3A_38 : memref<20000x128xf32, #tpu.memory_space<hbm>>) target(%arg8 : memref<128x128xf32, #tpu.memory_space<vmem>>) offsets(%dma_start3A_35 : memref<128xi32, #tpu.memory_space<vmem>>) semaphore(%arg11 : memref<!tpu.dma_semaphore, #tpu.memory_space<semaphore_mem>>)
    %scan3A_39 = arith.constant 0 : i32
    %scan3A_40 = arith.constant 0 : i32
    %scan3A_41 = arith.constant 20 : i32
    %scan3A_42 = arith.addi %scan3A_40, %scan3A_41 : i32
    %scan3A_43 = arith.constant 1 : i32
    scf.for %scan3A_58 = %scan3A_40 to %scan3A_42 step %scan3A_43  : i32 {
      %mul3A_59 = arith.constant 2 : i32
      %mul3A_60 = arith.muli %mul3A_59, %scan3A_58 : i32
      %add3A_61 = arith.constant 1 : i32
      %add3A_62 = arith.addi %mul3A_60, %add3A_61 : i32
      %dma_start3A_63 = arith.constant 0 : i32
      %dma_start3A_64 = tpu.memref_slice %arg6[%add3A_62, %dma_start3A_63] : memref<40x128xi32, #tpu.memory_space<vmem>> -> memref<1x128xi32, #tpu.memory_space<vmem>>
      %dma_start3A_65 = tpu.memref_squeeze %dma_start3A_64 : memref<1x128xi32, #tpu.memory_space<vmem>> -> memref<128xi32, #tpu.memory_space<vmem>>
      %dma_start3A_66 = arith.constant 0 : i32
      %dma_start3A_67 = arith.constant 0 : i32
      %dma_start3A_68 = tpu.memref_slice %arg2[%dma_start3A_66, %dma_start3A_67] : memref<20000x128xf32, #tpu.memory_space<hbm>> -> memref<20000x128xf32, #tpu.memory_space<hbm>>
      tpu.enqueue_indirect_dma source(%dma_start3A_68 : memref<20000x128xf32, #tpu.memory_space<hbm>>) target(%arg9 : memref<128x128xf32, #tpu.memory_space<vmem>>) offsets(%dma_start3A_65 : memref<128xi32, #tpu.memory_space<vmem>>) semaphore(%arg11 : memref<!tpu.dma_semaphore, #tpu.memory_space<semaphore_mem>>)
      %dma_wait3A = arith.constant 0 : i32
      %dma_wait3A_69 = tpu.memref_slice %arg6[%mul3A_60, %dma_wait3A] : memref<40x128xi32, #tpu.memory_space<vmem>> -> memref<1x128xi32, #tpu.memory_space<vmem>>
      %dma_wait3A_70 = tpu.memref_squeeze %dma_wait3A_69 : memref<1x128xi32, #tpu.memory_space<vmem>> -> memref<128xi32, #tpu.memory_space<vmem>>
      %dma_wait3A_71 = arith.constant 0 : i32
      %dma_wait3A_72 = arith.constant 0 : i32
      %dma_wait3A_73 = tpu.memref_slice %arg2[%dma_wait3A_71, %dma_wait3A_72] : memref<20000x128xf32, #tpu.memory_space<hbm>> -> memref<20000x128xf32, #tpu.memory_space<hbm>>
      tpu.wait_indirect_dma semaphore(%arg11 : memref<!tpu.dma_semaphore, #tpu.memory_space<semaphore_mem>>) src(%dma_wait3A_73 : memref<20000x128xf32, #tpu.memory_space<hbm>>) dst(%arg8 : memref<128x128xf32, #tpu.memory_space<vmem>>)
      "tpu.region"() ({
        %run_scoped3A = tpu.sem_alloc : memref<!tpu.dma_semaphore, #tpu.memory_space<semaphore_mem>>
        %dma_start3A_88 = arith.constant 0 : i32
        %dma_start3A_89 = tpu.memref_slice %arg7[%mul3A_60, %dma_start3A_88] : memref<40x128xi32, #tpu.memory_space<vmem>> -> memref<1x128xi32, #tpu.memory_space<vmem>>
        %dma_start3A_90 = tpu.memref_squeeze %dma_start3A_89 : memref<1x128xi32, #tpu.memory_space<vmem>> -> memref<128xi32, #tpu.memory_space<vmem>>
        %dma_start3A_91 = arith.constant 0 : i32
        %dma_start3A_92 = arith.constant 0 : i32
        %dma_start3A_93 = tpu.memref_slice %arg10[%dma_start3A_91, %dma_start3A_92] : memref<10112x128xf32, #tpu.memory_space<vmem_shared>> -> memref<10112x128xf32, #tpu.memory_space<vmem_shared>>
        tpu.enqueue_indirect_dma source(%arg8 : memref<128x128xf32, #tpu.memory_space<vmem>>) target(%dma_start3A_93 : memref<10112x128xf32, #tpu.memory_space<vmem_shared>>) offsets(%dma_start3A_90 : memref<128xi32, #tpu.memory_space<vmem>>) semaphore(%run_scoped3A : memref<!tpu.dma_semaphore, #tpu.memory_space<semaphore_mem>>) {add = true}
        %dma_wait3A_94 = arith.constant 0 : i32
        %dma_wait3A_95 = tpu.memref_slice %arg7[%mul3A_60, %dma_wait3A_94] : memref<40x128xi32, #tpu.memory_space<vmem>> -> memref<1x128xi32, #tpu.memory_space<vmem>>
        %dma_wait3A_96 = tpu.memref_squeeze %dma_wait3A_95 : memref<1x128xi32, #tpu.memory_space<vmem>> -> memref<128xi32, #tpu.memory_space<vmem>>
        %dma_wait3A_97 = arith.constant 0 : i32
        %dma_wait3A_98 = arith.constant 0 : i32
        %dma_wait3A_99 = tpu.memref_slice %arg10[%dma_wait3A_97, %dma_wait3A_98] : memref<10112x128xf32, #tpu.memory_space<vmem_shared>> -> memref<10112x128xf32, #tpu.memory_space<vmem_shared>>
        tpu.wait_indirect_dma semaphore(%run_scoped3A : memref<!tpu.dma_semaphore, #tpu.memory_space<semaphore_mem>>) src(%arg8 : memref<128x128xf32, #tpu.memory_space<vmem>>) dst(%dma_wait3A_99 : memref<10112x128xf32, #tpu.memory_space<vmem_shared>>)
        tpu.yield
      }) : () -> ()
      %lt3A = arith.constant 19 : i32
      %lt3A_74 = arith.cmpi slt, %scan3A_58, %lt3A : i32
      %convert_element_type3A_75 = arith.extui %lt3A_74 : i1 to i32
      %cond3A_76 = arith.constant 0 : i32
      %cond3A_77 = arith.cmpi ne, %convert_element_type3A_75, %cond3A_76 : i32
      scf.if %cond3A_77 {
        %add3A_88 = arith.constant 2 : i32
        %add3A_89 = arith.addi %mul3A_60, %add3A_88 : i32
        %dma_start3A_90 = arith.constant 0 : i32
        %dma_start3A_91 = tpu.memref_slice %arg6[%add3A_89, %dma_start3A_90] : memref<40x128xi32, #tpu.memory_space<vmem>> -> memref<1x128xi32, #tpu.memory_space<vmem>>
        %dma_start3A_92 = tpu.memref_squeeze %dma_start3A_91 : memref<1x128xi32, #tpu.memory_space<vmem>> -> memref<128xi32, #tpu.memory_space<vmem>>
        %dma_start3A_93 = arith.constant 0 : i32
        %dma_start3A_94 = arith.constant 0 : i32
        %dma_start3A_95 = tpu.memref_slice %arg2[%dma_start3A_93, %dma_start3A_94] : memref<20000x128xf32, #tpu.memory_space<hbm>> -> memref<20000x128xf32, #tpu.memory_space<hbm>>
        tpu.enqueue_indirect_dma source(%dma_start3A_95 : memref<20000x128xf32, #tpu.memory_space<hbm>>) target(%arg8 : memref<128x128xf32, #tpu.memory_space<vmem>>) offsets(%dma_start3A_92 : memref<128xi32, #tpu.memory_space<vmem>>) semaphore(%arg11 : memref<!tpu.dma_semaphore, #tpu.memory_space<semaphore_mem>>)
      } else {
      }
      %add3A_78 = arith.constant 1 : i32
      %add3A_79 = arith.addi %mul3A_60, %add3A_78 : i32
      %dma_wait3A_80 = arith.constant 0 : i32
      %dma_wait3A_81 = tpu.memref_slice %arg6[%add3A_79, %dma_wait3A_80] : memref<40x128xi32, #tpu.memory_space<vmem>> -> memref<1x128xi32, #tpu.memory_space<vmem>>
      %dma_wait3A_82 = tpu.memref_squeeze %dma_wait3A_81 : memref<1x128xi32, #tpu.memory_space<vmem>> -> memref<128xi32, #tpu.memory_space<vmem>>
      %dma_wait3A_83 = arith.constant 0 : i32
      %dma_wait3A_84 = arith.constant 0 : i32
      %dma_wait3A_85 = tpu.memref_slice %arg2[%dma_wait3A_83, %dma_wait3A_84] : memref<20000x128xf32, #tpu.memory_space<hbm>> -> memref<20000x128xf32, #tpu.memory_space<hbm>>
      tpu.wait_indirect_dma semaphore(%arg11 : memref<!tpu.dma_semaphore, #tpu.memory_space<semaphore_mem>>) src(%dma_wait3A_85 : memref<20000x128xf32, #tpu.memory_space<hbm>>) dst(%arg9 : memref<128x128xf32, #tpu.memory_space<vmem>>)
      %add3A_86 = arith.constant 1 : i32
      %add3A_87 = arith.addi %mul3A_60, %add3A_86 : i32
      "tpu.region"() ({
        %run_scoped3A = tpu.sem_alloc : memref<!tpu.dma_semaphore, #tpu.memory_space<semaphore_mem>>
        %dma_start3A_88 = arith.constant 0 : i32
        %dma_start3A_89 = tpu.memref_slice %arg7[%add3A_87, %dma_start3A_88] : memref<40x128xi32, #tpu.memory_space<vmem>> -> memref<1x128xi32, #tpu.memory_space<vmem>>
        %dma_start3A_90 = tpu.memref_squeeze %dma_start3A_89 : memref<1x128xi32, #tpu.memory_space<vmem>> -> memref<128xi32, #tpu.memory_space<vmem>>
        %dma_start3A_91 = arith.constant 0 : i32
        %dma_start3A_92 = arith.constant 0 : i32
        %dma_start3A_93 = tpu.memref_slice %arg10[%dma_start3A_91, %dma_start3A_92] : memref<10112x128xf32, #tpu.memory_space<vmem_shared>> -> memref<10112x128xf32, #tpu.memory_space<vmem_shared>>
        tpu.enqueue_indirect_dma source(%arg9 : memref<128x128xf32, #tpu.memory_space<vmem>>) target(%dma_start3A_93 : memref<10112x128xf32, #tpu.memory_space<vmem_shared>>) offsets(%dma_start3A_90 : memref<128xi32, #tpu.memory_space<vmem>>) semaphore(%run_scoped3A : memref<!tpu.dma_semaphore, #tpu.memory_space<semaphore_mem>>) {add = true}
        %dma_wait3A_94 = arith.constant 0 : i32
        %dma_wait3A_95 = tpu.memref_slice %arg7[%add3A_87, %dma_wait3A_94] : memref<40x128xi32, #tpu.memory_space<vmem>> -> memref<1x128xi32, #tpu.memory_space<vmem>>
        %dma_wait3A_96 = tpu.memref_squeeze %dma_wait3A_95 : memref<1x128xi32, #tpu.memory_space<vmem>> -> memref<128xi32, #tpu.memory_space<vmem>>
        %dma_wait3A_97 = arith.constant 0 : i32
        %dma_wait3A_98 = arith.constant 0 : i32
        %dma_wait3A_99 = tpu.memref_slice %arg10[%dma_wait3A_97, %dma_wait3A_98] : memref<10112x128xf32, #tpu.memory_space<vmem_shared>> -> memref<10112x128xf32, #tpu.memory_space<vmem_shared>>
        tpu.wait_indirect_dma semaphore(%run_scoped3A : memref<!tpu.dma_semaphore, #tpu.memory_space<semaphore_mem>>) src(%arg9 : memref<128x128xf32, #tpu.memory_space<vmem>>) dst(%dma_wait3A_99 : memref<10112x128xf32, #tpu.memory_space<vmem_shared>>)
        tpu.yield
      }) : () -> ()
    }
    %scan3A_44 = arith.constant 20 : i32
    %barrier3A_45 = arith.constant 0 : index
    tpu.barrier barrier_id(%barrier3A_45)
    %mul3A_46 = arith.constant 624 : i32
    %mul3A_47 = arith.muli %arg1, %mul3A_46 : i32
    %mul3A_48 = arith.constant 10000 : i32
    %mul3A_49 = arith.muli %arg0, %mul3A_48 : i32
    %mul3A_50 = arith.constant 624 : i32
    %mul3A_51 = arith.muli %arg1, %mul3A_50 : i32
    %add3A_52 = arith.addi %mul3A_49, %mul3A_51 : i32
    "tpu.region"() ({
      %run_scoped3A = tpu.sem_alloc : memref<!tpu.dma_semaphore, #tpu.memory_space<semaphore_mem>>
      %dma_start3A_58 = arith.constant 0 : i32
      %dma_start3A_59 = tpu.memref_slice %arg5[%add3A_52, %dma_start3A_58] : memref<20000x128xf32, #tpu.memory_space<hbm>> -> memref<624x128xf32, #tpu.memory_space<hbm>>
      %dma_start3A_60 = arith.constant 0 : i32
      %dma_start3A_61 = tpu.memref_slice %arg10[%mul3A_47, %dma_start3A_60] : memref<10112x128xf32, #tpu.memory_space<vmem_shared>> -> memref<624x128xf32, #tpu.memory_space<vmem_shared>>
      tpu.enqueue_dma source(%dma_start3A_61 : memref<624x128xf32, #tpu.memory_space<vmem_shared>>) target(%dma_start3A_59 : memref<624x128xf32, #tpu.memory_space<hbm>>) target_semaphore(%run_scoped3A : memref<!tpu.dma_semaphore, #tpu.memory_space<semaphore_mem>>)
      %dma_wait3A = arith.constant 0 : i32
      %dma_wait3A_62 = tpu.memref_slice %arg5[%add3A_52, %dma_wait3A] : memref<20000x128xf32, #tpu.memory_space<hbm>> -> memref<624x128xf32, #tpu.memory_space<hbm>>
      %dma_wait3A_63 = arith.constant 0 : i32
      %dma_wait3A_64 = tpu.memref_slice %arg10[%mul3A_47, %dma_wait3A_63] : memref<10112x128xf32, #tpu.memory_space<vmem_shared>> -> memref<624x128xf32, #tpu.memory_space<vmem_shared>>
      tpu.wait_dma2 semaphore(%run_scoped3A : memref<!tpu.dma_semaphore, #tpu.memory_space<semaphore_mem>>) src(%dma_wait3A_64 : memref<624x128xf32, #tpu.memory_space<vmem_shared>>) dst(%dma_wait3A_62 : memref<624x128xf32, #tpu.memory_space<hbm>>)
      tpu.yield
    }) : () -> ()
    %eq3A_53 = arith.constant 0 : i32
    %eq3A_54 = arith.cmpi eq, %arg1, %eq3A_53 : i32
    %convert_element_type3A_55 = arith.extui %eq3A_54 : i1 to i32
    %cond3A_56 = arith.constant 0 : i32
    %cond3A_57 = arith.cmpi ne, %convert_element_type3A_55, %cond3A_56 : i32
    scf.if %cond3A_57 {
      %mul3A_58 = arith.constant 10000 : i32
      %mul3A_59 = arith.muli %arg0, %mul3A_58 : i32
      %add3A_60 = arith.constant 9984 : i32
      %add3A_61 = arith.addi %mul3A_59, %add3A_60 : i32
      "tpu.region"() ({
        %run_scoped3A = tpu.sem_alloc : memref<!tpu.dma_semaphore, #tpu.memory_space<semaphore_mem>>
        %dma_start3A_62 = arith.constant 0 : i32
        %dma_start3A_63 = tpu.memref_slice %arg5[%add3A_61, %dma_start3A_62] : memref<20000x128xf32, #tpu.memory_space<hbm>> -> memref<16x128xf32, #tpu.memory_space<hbm>>
        %dma_start3A_64 = arith.constant 9984 : i32
        %dma_start3A_65 = arith.constant 0 : i32
        %dma_start3A_66 = tpu.memref_slice %arg10[%dma_start3A_64, %dma_start3A_65] : memref<10112x128xf32, #tpu.memory_space<vmem_shared>> -> memref<16x128xf32, #tpu.memory_space<vmem_shared>>
        tpu.enqueue_dma source(%dma_start3A_66 : memref<16x128xf32, #tpu.memory_space<vmem_shared>>) target(%dma_start3A_63 : memref<16x128xf32, #tpu.memory_space<hbm>>) target_semaphore(%run_scoped3A : memref<!tpu.dma_semaphore, #tpu.memory_space<semaphore_mem>>)
        %dma_wait3A = arith.constant 0 : i32
        %dma_wait3A_67 = tpu.memref_slice %arg5[%add3A_61, %dma_wait3A] : memref<20000x128xf32, #tpu.memory_space<hbm>> -> memref<16x128xf32, #tpu.memory_space<hbm>>
        %dma_wait3A_68 = arith.constant 9984 : i32
        %dma_wait3A_69 = arith.constant 0 : i32
        %dma_wait3A_70 = tpu.memref_slice %arg10[%dma_wait3A_68, %dma_wait3A_69] : memref<10112x128xf32, #tpu.memory_space<vmem_shared>> -> memref<16x128xf32, #tpu.memory_space<vmem_shared>>
        tpu.wait_dma2 semaphore(%run_scoped3A : memref<!tpu.dma_semaphore, #tpu.memory_space<semaphore_mem>>) src(%dma_wait3A_70 : memref<16x128xf32, #tpu.memory_space<vmem_shared>>) dst(%dma_wait3A_67 : memref<16x128xf32, #tpu.memory_space<hbm>>)
        tpu.yield
      }) : () -> ()
    } else {
    }
    return
  }
}

#map = affine_map<(d0, d1) -> (0, 0)>
module attributes {stable_mosaic.version = 14 : i64} {
  func.func @agg_kernel(%arg0: i32, %arg1: i32, %arg2: memref<20000x128xf32, #tpu.memory_space<hbm>>, %arg3: memref<2560x128xi32, #tpu.memory_space<hbm>>, %arg4: memref<1280x128xi32, #tpu.memory_space<hbm>>, %arg5: memref<20000x128xf32, #tpu.memory_space<hbm>>, %arg6: memref<40x128xi32, #tpu.memory_space<vmem>>, %arg7: memref<40x128xi32, #tpu.memory_space<vmem>>, %arg8: memref<128x128xf32, #tpu.memory_space<vmem>>, %arg9: memref<128x128xf32, #tpu.memory_space<vmem>>, %arg10: memref<10112x128xf32, #tpu.memory_space<vmem_shared>>, %arg11: memref<!tpu.dma_semaphore, #tpu.memory_space<semaphore_mem>>) attributes {dimension_semantics = [#tpu.dimension_semantics<core_parallel>, #tpu.dimension_semantics<subcore_parallel>], iteration_bounds = array<i64: 2, 16>, scalar_prefetch = 0 : i64, scratch_operands = 6 : i64, tpu.core_type = #tpu.core_type<sc_vector_subcore>, window_params = [{transform_indices = #map}, {transform_indices = #map}, {transform_indices = #map}, {transform_indices = #map}]} {
    %mul3A = arith.constant 10000 : i32
    %mul3A_0 = arith.muli %arg0, %mul3A : i32
    %mul3A_1 = arith.constant 624 : i32
    %mul3A_2 = arith.muli %arg1, %mul3A_1 : i32
    %add3A = arith.addi %mul3A_0, %mul3A_2 : i32
    %mul3A_3 = arith.constant 624 : i32
    %mul3A_4 = arith.muli %arg1, %mul3A_3 : i32
    "tpu.region"() ({
      %run_scoped3A = tpu.sem_alloc : memref<!tpu.dma_semaphore, #tpu.memory_space<semaphore_mem>>
      %dma_start3A_58 = arith.constant 0 : i32
      %dma_start3A_59 = tpu.memref_slice %arg10[%mul3A_4, %dma_start3A_58] : memref<10112x128xf32, #tpu.memory_space<vmem_shared>> -> memref<624x128xf32, #tpu.memory_space<vmem_shared>>
      %dma_start3A_60 = arith.constant 0 : i32
      %dma_start3A_61 = tpu.memref_slice %arg2[%add3A, %dma_start3A_60] : memref<20000x128xf32, #tpu.memory_space<hbm>> -> memref<624x128xf32, #tpu.memory_space<hbm>>
      tpu.enqueue_dma source(%dma_start3A_61 : memref<624x128xf32, #tpu.memory_space<hbm>>) target(%dma_start3A_59 : memref<624x128xf32, #tpu.memory_space<vmem_shared>>) target_semaphore(%run_scoped3A : memref<!tpu.dma_semaphore, #tpu.memory_space<semaphore_mem>>)
      %dma_wait3A = arith.constant 0 : i32
      %dma_wait3A_62 = tpu.memref_slice %arg10[%mul3A_4, %dma_wait3A] : memref<10112x128xf32, #tpu.memory_space<vmem_shared>> -> memref<624x128xf32, #tpu.memory_space<vmem_shared>>
      %dma_wait3A_63 = arith.constant 0 : i32
      %dma_wait3A_64 = tpu.memref_slice %arg2[%add3A, %dma_wait3A_63] : memref<20000x128xf32, #tpu.memory_space<hbm>> -> memref<624x128xf32, #tpu.memory_space<hbm>>
      tpu.wait_dma2 semaphore(%run_scoped3A : memref<!tpu.dma_semaphore, #tpu.memory_space<semaphore_mem>>) src(%dma_wait3A_64 : memref<624x128xf32, #tpu.memory_space<hbm>>) dst(%dma_wait3A_62 : memref<624x128xf32, #tpu.memory_space<vmem_shared>>)
      tpu.yield
    }) : () -> ()
    %eq3A = arith.constant 0 : i32
    %eq3A_5 = arith.cmpi eq, %arg1, %eq3A : i32
    %convert_element_type3A = arith.extui %eq3A_5 : i1 to i32
    %cond3A = arith.constant 0 : i32
    %cond3A_6 = arith.cmpi ne, %convert_element_type3A, %cond3A : i32
    scf.if %cond3A_6 {
      %mul3A_58 = arith.constant 10000 : i32
      %mul3A_59 = arith.muli %arg0, %mul3A_58 : i32
      %add3A_60 = arith.constant 9984 : i32
      %add3A_61 = arith.addi %mul3A_59, %add3A_60 : i32
      "tpu.region"() ({
        %run_scoped3A = tpu.sem_alloc : memref<!tpu.dma_semaphore, #tpu.memory_space<semaphore_mem>>
        %dma_start3A_62 = arith.constant 9984 : i32
        %dma_start3A_63 = arith.constant 0 : i32
        %dma_start3A_64 = tpu.memref_slice %arg10[%dma_start3A_62, %dma_start3A_63] : memref<10112x128xf32, #tpu.memory_space<vmem_shared>> -> memref<16x128xf32, #tpu.memory_space<vmem_shared>>
        %dma_start3A_65 = arith.constant 0 : i32
        %dma_start3A_66 = tpu.memref_slice %arg2[%add3A_61, %dma_start3A_65] : memref<20000x128xf32, #tpu.memory_space<hbm>> -> memref<16x128xf32, #tpu.memory_space<hbm>>
        tpu.enqueue_dma source(%dma_start3A_66 : memref<16x128xf32, #tpu.memory_space<hbm>>) target(%dma_start3A_64 : memref<16x128xf32, #tpu.memory_space<vmem_shared>>) target_semaphore(%run_scoped3A : memref<!tpu.dma_semaphore, #tpu.memory_space<semaphore_mem>>)
        %dma_wait3A = arith.constant 9984 : i32
        %dma_wait3A_67 = arith.constant 0 : i32
        %dma_wait3A_68 = tpu.memref_slice %arg10[%dma_wait3A, %dma_wait3A_67] : memref<10112x128xf32, #tpu.memory_space<vmem_shared>> -> memref<16x128xf32, #tpu.memory_space<vmem_shared>>
        %dma_wait3A_69 = arith.constant 0 : i32
        %dma_wait3A_70 = tpu.memref_slice %arg2[%add3A_61, %dma_wait3A_69] : memref<20000x128xf32, #tpu.memory_space<hbm>> -> memref<16x128xf32, #tpu.memory_space<hbm>>
        tpu.wait_dma2 semaphore(%run_scoped3A : memref<!tpu.dma_semaphore, #tpu.memory_space<semaphore_mem>>) src(%dma_wait3A_70 : memref<16x128xf32, #tpu.memory_space<hbm>>) dst(%dma_wait3A_68 : memref<16x128xf32, #tpu.memory_space<vmem_shared>>)
        tpu.yield
      }) : () -> ()
    } else {
    }
    %barrier3A = arith.constant 0 : index
    tpu.barrier barrier_id(%barrier3A)
    %mul3A_7 = arith.constant 80 : i32
    %mul3A_8 = arith.muli %arg1, %mul3A_7 : i32
    %add3A_9 = arith.constant 0 : i32
    %add3A_10 = arith.addi %mul3A_8, %add3A_9 : i32
    %mul3A_11 = arith.constant 1280 : i32
    %mul3A_12 = arith.muli %arg0, %mul3A_11 : i32
    %add3A_13 = arith.addi %mul3A_12, %add3A_10 : i32
    "tpu.region"() ({
      %run_scoped3A = tpu.sem_alloc : memref<!tpu.dma_semaphore, #tpu.memory_space<semaphore_mem>>
      %dma_start3A_58 = arith.constant 0 : i32
      %dma_start3A_59 = tpu.memref_slice %arg3[%add3A_13, %dma_start3A_58] : memref<2560x128xi32, #tpu.memory_space<hbm>> -> memref<40x128xi32, #tpu.memory_space<hbm>>
      %dma_start3A_60 = arith.constant 0 : i32
      %dma_start3A_61 = tpu.memref_slice %arg3[%add3A_13, %dma_start3A_60] : memref<2560x128xi32, #tpu.memory_space<hbm>> -> memref<40x128xi32, #tpu.memory_space<hbm>>
      tpu.enqueue_dma source(%dma_start3A_61 : memref<40x128xi32, #tpu.memory_space<hbm>>) target(%arg6 : memref<40x128xi32, #tpu.memory_space<vmem>>) target_semaphore(%run_scoped3A : memref<!tpu.dma_semaphore, #tpu.memory_space<semaphore_mem>>)
      %dma_wait3A = arith.constant 0 : i32
      %dma_wait3A_62 = tpu.memref_slice %arg3[%add3A_13, %dma_wait3A] : memref<2560x128xi32, #tpu.memory_space<hbm>> -> memref<40x128xi32, #tpu.memory_space<hbm>>
      %dma_wait3A_63 = arith.constant 0 : i32
      %dma_wait3A_64 = tpu.memref_slice %arg3[%add3A_13, %dma_wait3A_63] : memref<2560x128xi32, #tpu.memory_space<hbm>> -> memref<40x128xi32, #tpu.memory_space<hbm>>
      tpu.wait_dma2 semaphore(%run_scoped3A : memref<!tpu.dma_semaphore, #tpu.memory_space<semaphore_mem>>) src(%dma_wait3A_64 : memref<40x128xi32, #tpu.memory_space<hbm>>) dst(%arg6 : memref<40x128xi32, #tpu.memory_space<vmem>>)
      tpu.yield
    }) : () -> ()
    "tpu.region"() ({
      %run_scoped3A = tpu.sem_alloc : memref<!tpu.dma_semaphore, #tpu.memory_space<semaphore_mem>>
      %dma_start3A_58 = arith.constant 0 : i32
      %dma_start3A_59 = tpu.memref_slice %arg4[%add3A_10, %dma_start3A_58] : memref<1280x128xi32, #tpu.memory_space<hbm>> -> memref<40x128xi32, #tpu.memory_space<hbm>>
      %dma_start3A_60 = arith.constant 0 : i32
      %dma_start3A_61 = tpu.memref_slice %arg4[%add3A_10, %dma_start3A_60] : memref<1280x128xi32, #tpu.memory_space<hbm>> -> memref<40x128xi32, #tpu.memory_space<hbm>>
      tpu.enqueue_dma source(%dma_start3A_61 : memref<40x128xi32, #tpu.memory_space<hbm>>) target(%arg7 : memref<40x128xi32, #tpu.memory_space<vmem>>) target_semaphore(%run_scoped3A : memref<!tpu.dma_semaphore, #tpu.memory_space<semaphore_mem>>)
      %dma_wait3A = arith.constant 0 : i32
      %dma_wait3A_62 = tpu.memref_slice %arg4[%add3A_10, %dma_wait3A] : memref<1280x128xi32, #tpu.memory_space<hbm>> -> memref<40x128xi32, #tpu.memory_space<hbm>>
      %dma_wait3A_63 = arith.constant 0 : i32
      %dma_wait3A_64 = tpu.memref_slice %arg4[%add3A_10, %dma_wait3A_63] : memref<1280x128xi32, #tpu.memory_space<hbm>> -> memref<40x128xi32, #tpu.memory_space<hbm>>
      tpu.wait_dma2 semaphore(%run_scoped3A : memref<!tpu.dma_semaphore, #tpu.memory_space<semaphore_mem>>) src(%dma_wait3A_64 : memref<40x128xi32, #tpu.memory_space<hbm>>) dst(%arg7 : memref<40x128xi32, #tpu.memory_space<vmem>>)
      tpu.yield
    }) : () -> ()
    %dma_start3A = arith.constant 0 : i32
    %dma_start3A_14 = arith.constant 0 : i32
    %dma_start3A_15 = tpu.memref_slice %arg6[%dma_start3A, %dma_start3A_14] : memref<40x128xi32, #tpu.memory_space<vmem>> -> memref<1x128xi32, #tpu.memory_space<vmem>>
    %dma_start3A_16 = tpu.memref_squeeze %dma_start3A_15 : memref<1x128xi32, #tpu.memory_space<vmem>> -> memref<128xi32, #tpu.memory_space<vmem>>
    %dma_start3A_17 = arith.constant 0 : i32
    %dma_start3A_18 = arith.constant 0 : i32
    %dma_start3A_19 = tpu.memref_slice %arg2[%dma_start3A_17, %dma_start3A_18] : memref<20000x128xf32, #tpu.memory_space<hbm>> -> memref<20000x128xf32, #tpu.memory_space<hbm>>
    tpu.enqueue_indirect_dma source(%dma_start3A_19 : memref<20000x128xf32, #tpu.memory_space<hbm>>) target(%arg8 : memref<128x128xf32, #tpu.memory_space<vmem>>) offsets(%dma_start3A_16 : memref<128xi32, #tpu.memory_space<vmem>>) semaphore(%arg11 : memref<!tpu.dma_semaphore, #tpu.memory_space<semaphore_mem>>)
    %scan3A = arith.constant 0 : i32
    %scan3A_20 = arith.constant 0 : i32
    %scan3A_21 = arith.constant 20 : i32
    %scan3A_22 = arith.addi %scan3A_20, %scan3A_21 : i32
    %scan3A_23 = arith.constant 1 : i32
    scf.for %scan3A_58 = %scan3A_20 to %scan3A_22 step %scan3A_23  : i32 {
      %mul3A_59 = arith.constant 2 : i32
      %mul3A_60 = arith.muli %mul3A_59, %scan3A_58 : i32
      %add3A_61 = arith.constant 1 : i32
      %add3A_62 = arith.addi %mul3A_60, %add3A_61 : i32
      %dma_start3A_63 = arith.constant 0 : i32
      %dma_start3A_64 = tpu.memref_slice %arg6[%add3A_62, %dma_start3A_63] : memref<40x128xi32, #tpu.memory_space<vmem>> -> memref<1x128xi32, #tpu.memory_space<vmem>>
      %dma_start3A_65 = tpu.memref_squeeze %dma_start3A_64 : memref<1x128xi32, #tpu.memory_space<vmem>> -> memref<128xi32, #tpu.memory_space<vmem>>
      %dma_start3A_66 = arith.constant 0 : i32
      %dma_start3A_67 = arith.constant 0 : i32
      %dma_start3A_68 = tpu.memref_slice %arg2[%dma_start3A_66, %dma_start3A_67] : memref<20000x128xf32, #tpu.memory_space<hbm>> -> memref<20000x128xf32, #tpu.memory_space<hbm>>
      tpu.enqueue_indirect_dma source(%dma_start3A_68 : memref<20000x128xf32, #tpu.memory_space<hbm>>) target(%arg9 : memref<128x128xf32, #tpu.memory_space<vmem>>) offsets(%dma_start3A_65 : memref<128xi32, #tpu.memory_space<vmem>>) semaphore(%arg11 : memref<!tpu.dma_semaphore, #tpu.memory_space<semaphore_mem>>)
      %dma_wait3A = arith.constant 0 : i32
      %dma_wait3A_69 = tpu.memref_slice %arg6[%mul3A_60, %dma_wait3A] : memref<40x128xi32, #tpu.memory_space<vmem>> -> memref<1x128xi32, #tpu.memory_space<vmem>>
      %dma_wait3A_70 = tpu.memref_squeeze %dma_wait3A_69 : memref<1x128xi32, #tpu.memory_space<vmem>> -> memref<128xi32, #tpu.memory_space<vmem>>
      %dma_wait3A_71 = arith.constant 0 : i32
      %dma_wait3A_72 = arith.constant 0 : i32
      %dma_wait3A_73 = tpu.memref_slice %arg2[%dma_wait3A_71, %dma_wait3A_72] : memref<20000x128xf32, #tpu.memory_space<hbm>> -> memref<20000x128xf32, #tpu.memory_space<hbm>>
      tpu.wait_indirect_dma semaphore(%arg11 : memref<!tpu.dma_semaphore, #tpu.memory_space<semaphore_mem>>) src(%dma_wait3A_73 : memref<20000x128xf32, #tpu.memory_space<hbm>>) dst(%arg8 : memref<128x128xf32, #tpu.memory_space<vmem>>)
      "tpu.region"() ({
        %run_scoped3A = tpu.sem_alloc : memref<!tpu.dma_semaphore, #tpu.memory_space<semaphore_mem>>
        %dma_start3A_88 = arith.constant 0 : i32
        %dma_start3A_89 = tpu.memref_slice %arg7[%mul3A_60, %dma_start3A_88] : memref<40x128xi32, #tpu.memory_space<vmem>> -> memref<1x128xi32, #tpu.memory_space<vmem>>
        %dma_start3A_90 = tpu.memref_squeeze %dma_start3A_89 : memref<1x128xi32, #tpu.memory_space<vmem>> -> memref<128xi32, #tpu.memory_space<vmem>>
        %dma_start3A_91 = arith.constant 0 : i32
        %dma_start3A_92 = arith.constant 0 : i32
        %dma_start3A_93 = tpu.memref_slice %arg10[%dma_start3A_91, %dma_start3A_92] : memref<10112x128xf32, #tpu.memory_space<vmem_shared>> -> memref<10112x128xf32, #tpu.memory_space<vmem_shared>>
        tpu.enqueue_indirect_dma source(%arg8 : memref<128x128xf32, #tpu.memory_space<vmem>>) target(%dma_start3A_93 : memref<10112x128xf32, #tpu.memory_space<vmem_shared>>) offsets(%dma_start3A_90 : memref<128xi32, #tpu.memory_space<vmem>>) semaphore(%run_scoped3A : memref<!tpu.dma_semaphore, #tpu.memory_space<semaphore_mem>>) {add = true}
        %dma_wait3A_94 = arith.constant 0 : i32
        %dma_wait3A_95 = tpu.memref_slice %arg7[%mul3A_60, %dma_wait3A_94] : memref<40x128xi32, #tpu.memory_space<vmem>> -> memref<1x128xi32, #tpu.memory_space<vmem>>
        %dma_wait3A_96 = tpu.memref_squeeze %dma_wait3A_95 : memref<1x128xi32, #tpu.memory_space<vmem>> -> memref<128xi32, #tpu.memory_space<vmem>>
        %dma_wait3A_97 = arith.constant 0 : i32
        %dma_wait3A_98 = arith.constant 0 : i32
        %dma_wait3A_99 = tpu.memref_slice %arg10[%dma_wait3A_97, %dma_wait3A_98] : memref<10112x128xf32, #tpu.memory_space<vmem_shared>> -> memref<10112x128xf32, #tpu.memory_space<vmem_shared>>
        tpu.wait_indirect_dma semaphore(%run_scoped3A : memref<!tpu.dma_semaphore, #tpu.memory_space<semaphore_mem>>) src(%arg8 : memref<128x128xf32, #tpu.memory_space<vmem>>) dst(%dma_wait3A_99 : memref<10112x128xf32, #tpu.memory_space<vmem_shared>>)
        tpu.yield
      }) : () -> ()
      %lt3A = arith.constant 19 : i32
      %lt3A_74 = arith.cmpi slt, %scan3A_58, %lt3A : i32
      %convert_element_type3A_75 = arith.extui %lt3A_74 : i1 to i32
      %cond3A_76 = arith.constant 0 : i32
      %cond3A_77 = arith.cmpi ne, %convert_element_type3A_75, %cond3A_76 : i32
      scf.if %cond3A_77 {
        %add3A_88 = arith.constant 2 : i32
        %add3A_89 = arith.addi %mul3A_60, %add3A_88 : i32
        %dma_start3A_90 = arith.constant 0 : i32
        %dma_start3A_91 = tpu.memref_slice %arg6[%add3A_89, %dma_start3A_90] : memref<40x128xi32, #tpu.memory_space<vmem>> -> memref<1x128xi32, #tpu.memory_space<vmem>>
        %dma_start3A_92 = tpu.memref_squeeze %dma_start3A_91 : memref<1x128xi32, #tpu.memory_space<vmem>> -> memref<128xi32, #tpu.memory_space<vmem>>
        %dma_start3A_93 = arith.constant 0 : i32
        %dma_start3A_94 = arith.constant 0 : i32
        %dma_start3A_95 = tpu.memref_slice %arg2[%dma_start3A_93, %dma_start3A_94] : memref<20000x128xf32, #tpu.memory_space<hbm>> -> memref<20000x128xf32, #tpu.memory_space<hbm>>
        tpu.enqueue_indirect_dma source(%dma_start3A_95 : memref<20000x128xf32, #tpu.memory_space<hbm>>) target(%arg8 : memref<128x128xf32, #tpu.memory_space<vmem>>) offsets(%dma_start3A_92 : memref<128xi32, #tpu.memory_space<vmem>>) semaphore(%arg11 : memref<!tpu.dma_semaphore, #tpu.memory_space<semaphore_mem>>)
      } else {
      }
      %add3A_78 = arith.constant 1 : i32
      %add3A_79 = arith.addi %mul3A_60, %add3A_78 : i32
      %dma_wait3A_80 = arith.constant 0 : i32
      %dma_wait3A_81 = tpu.memref_slice %arg6[%add3A_79, %dma_wait3A_80] : memref<40x128xi32, #tpu.memory_space<vmem>> -> memref<1x128xi32, #tpu.memory_space<vmem>>
      %dma_wait3A_82 = tpu.memref_squeeze %dma_wait3A_81 : memref<1x128xi32, #tpu.memory_space<vmem>> -> memref<128xi32, #tpu.memory_space<vmem>>
      %dma_wait3A_83 = arith.constant 0 : i32
      %dma_wait3A_84 = arith.constant 0 : i32
      %dma_wait3A_85 = tpu.memref_slice %arg2[%dma_wait3A_83, %dma_wait3A_84] : memref<20000x128xf32, #tpu.memory_space<hbm>> -> memref<20000x128xf32, #tpu.memory_space<hbm>>
      tpu.wait_indirect_dma semaphore(%arg11 : memref<!tpu.dma_semaphore, #tpu.memory_space<semaphore_mem>>) src(%dma_wait3A_85 : memref<20000x128xf32, #tpu.memory_space<hbm>>) dst(%arg9 : memref<128x128xf32, #tpu.memory_space<vmem>>)
      %add3A_86 = arith.constant 1 : i32
      %add3A_87 = arith.addi %mul3A_60, %add3A_86 : i32
      "tpu.region"() ({
        %run_scoped3A = tpu.sem_alloc : memref<!tpu.dma_semaphore, #tpu.memory_space<semaphore_mem>>
        %dma_start3A_88 = arith.constant 0 : i32
        %dma_start3A_89 = tpu.memref_slice %arg7[%add3A_87, %dma_start3A_88] : memref<40x128xi32, #tpu.memory_space<vmem>> -> memref<1x128xi32, #tpu.memory_space<vmem>>
        %dma_start3A_90 = tpu.memref_squeeze %dma_start3A_89 : memref<1x128xi32, #tpu.memory_space<vmem>> -> memref<128xi32, #tpu.memory_space<vmem>>
        %dma_start3A_91 = arith.constant 0 : i32
        %dma_start3A_92 = arith.constant 0 : i32
        %dma_start3A_93 = tpu.memref_slice %arg10[%dma_start3A_91, %dma_start3A_92] : memref<10112x128xf32, #tpu.memory_space<vmem_shared>> -> memref<10112x128xf32, #tpu.memory_space<vmem_shared>>
        tpu.enqueue_indirect_dma source(%arg9 : memref<128x128xf32, #tpu.memory_space<vmem>>) target(%dma_start3A_93 : memref<10112x128xf32, #tpu.memory_space<vmem_shared>>) offsets(%dma_start3A_90 : memref<128xi32, #tpu.memory_space<vmem>>) semaphore(%run_scoped3A : memref<!tpu.dma_semaphore, #tpu.memory_space<semaphore_mem>>) {add = true}
        %dma_wait3A_94 = arith.constant 0 : i32
        %dma_wait3A_95 = tpu.memref_slice %arg7[%add3A_87, %dma_wait3A_94] : memref<40x128xi32, #tpu.memory_space<vmem>> -> memref<1x128xi32, #tpu.memory_space<vmem>>
        %dma_wait3A_96 = tpu.memref_squeeze %dma_wait3A_95 : memref<1x128xi32, #tpu.memory_space<vmem>> -> memref<128xi32, #tpu.memory_space<vmem>>
        %dma_wait3A_97 = arith.constant 0 : i32
        %dma_wait3A_98 = arith.constant 0 : i32
        %dma_wait3A_99 = tpu.memref_slice %arg10[%dma_wait3A_97, %dma_wait3A_98] : memref<10112x128xf32, #tpu.memory_space<vmem_shared>> -> memref<10112x128xf32, #tpu.memory_space<vmem_shared>>
        tpu.wait_indirect_dma semaphore(%run_scoped3A : memref<!tpu.dma_semaphore, #tpu.memory_space<semaphore_mem>>) src(%arg9 : memref<128x128xf32, #tpu.memory_space<vmem>>) dst(%dma_wait3A_99 : memref<10112x128xf32, #tpu.memory_space<vmem_shared>>)
        tpu.yield
      }) : () -> ()
    }
    %scan3A_24 = arith.constant 20 : i32
    %mul3A_25 = arith.constant 80 : i32
    %mul3A_26 = arith.muli %arg1, %mul3A_25 : i32
    %add3A_27 = arith.constant 40 : i32
    %add3A_28 = arith.addi %mul3A_26, %add3A_27 : i32
    %mul3A_29 = arith.constant 1280 : i32
    %mul3A_30 = arith.muli %arg0, %mul3A_29 : i32
    %add3A_31 = arith.addi %mul3A_30, %add3A_28 : i32
    "tpu.region"() ({
      %run_scoped3A = tpu.sem_alloc : memref<!tpu.dma_semaphore, #tpu.memory_space<semaphore_mem>>
      %dma_start3A_58 = arith.constant 0 : i32
      %dma_start3A_59 = tpu.memref_slice %arg3[%add3A_31, %dma_start3A_58] : memref<2560x128xi32, #tpu.memory_space<hbm>> -> memref<40x128xi32, #tpu.memory_space<hbm>>
      %dma_start3A_60 = arith.constant 0 : i32
      %dma_start3A_61 = tpu.memref_slice %arg3[%add3A_31, %dma_start3A_60] : memref<2560x128xi32, #tpu.memory_space<hbm>> -> memref<40x128xi32, #tpu.memory_space<hbm>>
      tpu.enqueue_dma source(%dma_start3A_61 : memref<40x128xi32, #tpu.memory_space<hbm>>) target(%arg6 : memref<40x128xi32, #tpu.memory_space<vmem>>) target_semaphore(%run_scoped3A : memref<!tpu.dma_semaphore, #tpu.memory_space<semaphore_mem>>)
      %dma_wait3A = arith.constant 0 : i32
      %dma_wait3A_62 = tpu.memref_slice %arg3[%add3A_31, %dma_wait3A] : memref<2560x128xi32, #tpu.memory_space<hbm>> -> memref<40x128xi32, #tpu.memory_space<hbm>>
      %dma_wait3A_63 = arith.constant 0 : i32
      %dma_wait3A_64 = tpu.memref_slice %arg3[%add3A_31, %dma_wait3A_63] : memref<2560x128xi32, #tpu.memory_space<hbm>> -> memref<40x128xi32, #tpu.memory_space<hbm>>
      tpu.wait_dma2 semaphore(%run_scoped3A : memref<!tpu.dma_semaphore, #tpu.memory_space<semaphore_mem>>) src(%dma_wait3A_64 : memref<40x128xi32, #tpu.memory_space<hbm>>) dst(%arg6 : memref<40x128xi32, #tpu.memory_space<vmem>>)
      tpu.yield
    }) : () -> ()
    "tpu.region"() ({
      %run_scoped3A = tpu.sem_alloc : memref<!tpu.dma_semaphore, #tpu.memory_space<semaphore_mem>>
      %dma_start3A_58 = arith.constant 0 : i32
      %dma_start3A_59 = tpu.memref_slice %arg4[%add3A_28, %dma_start3A_58] : memref<1280x128xi32, #tpu.memory_space<hbm>> -> memref<40x128xi32, #tpu.memory_space<hbm>>
      %dma_start3A_60 = arith.constant 0 : i32
      %dma_start3A_61 = tpu.memref_slice %arg4[%add3A_28, %dma_start3A_60] : memref<1280x128xi32, #tpu.memory_space<hbm>> -> memref<40x128xi32, #tpu.memory_space<hbm>>
      tpu.enqueue_dma source(%dma_start3A_61 : memref<40x128xi32, #tpu.memory_space<hbm>>) target(%arg7 : memref<40x128xi32, #tpu.memory_space<vmem>>) target_semaphore(%run_scoped3A : memref<!tpu.dma_semaphore, #tpu.memory_space<semaphore_mem>>)
      %dma_wait3A = arith.constant 0 : i32
      %dma_wait3A_62 = tpu.memref_slice %arg4[%add3A_28, %dma_wait3A] : memref<1280x128xi32, #tpu.memory_space<hbm>> -> memref<40x128xi32, #tpu.memory_space<hbm>>
      %dma_wait3A_63 = arith.constant 0 : i32
      %dma_wait3A_64 = tpu.memref_slice %arg4[%add3A_28, %dma_wait3A_63] : memref<1280x128xi32, #tpu.memory_space<hbm>> -> memref<40x128xi32, #tpu.memory_space<hbm>>
      tpu.wait_dma2 semaphore(%run_scoped3A : memref<!tpu.dma_semaphore, #tpu.memory_space<semaphore_mem>>) src(%dma_wait3A_64 : memref<40x128xi32, #tpu.memory_space<hbm>>) dst(%arg7 : memref<40x128xi32, #tpu.memory_space<vmem>>)
      tpu.yield
    }) : () -> ()
    %dma_start3A_32 = arith.constant 0 : i32
    %dma_start3A_33 = arith.constant 0 : i32
    %dma_start3A_34 = tpu.memref_slice %arg6[%dma_start3A_32, %dma_start3A_33] : memref<40x128xi32, #tpu.memory_space<vmem>> -> memref<1x128xi32, #tpu.memory_space<vmem>>
    %dma_start3A_35 = tpu.memref_squeeze %dma_start3A_34 : memref<1x128xi32, #tpu.memory_space<vmem>> -> memref<128xi32, #tpu.memory_space<vmem>>
    %dma_start3A_36 = arith.constant 0 : i32
    %dma_start3A_37 = arith.constant 0 : i32
    %dma_start3A_38 = tpu.memref_slice %arg2[%dma_start3A_36, %dma_start3A_37] : memref<20000x128xf32, #tpu.memory_space<hbm>> -> memref<20000x128xf32, #tpu.memory_space<hbm>>
    tpu.enqueue_indirect_dma source(%dma_start3A_38 : memref<20000x128xf32, #tpu.memory_space<hbm>>) target(%arg8 : memref<128x128xf32, #tpu.memory_space<vmem>>) offsets(%dma_start3A_35 : memref<128xi32, #tpu.memory_space<vmem>>) semaphore(%arg11 : memref<!tpu.dma_semaphore, #tpu.memory_space<semaphore_mem>>)
    %scan3A_39 = arith.constant 0 : i32
    %scan3A_40 = arith.constant 0 : i32
    %scan3A_41 = arith.constant 20 : i32
    %scan3A_42 = arith.addi %scan3A_40, %scan3A_41 : i32
    %scan3A_43 = arith.constant 1 : i32
    scf.for %scan3A_58 = %scan3A_40 to %scan3A_42 step %scan3A_43  : i32 {
      %mul3A_59 = arith.constant 2 : i32
      %mul3A_60 = arith.muli %mul3A_59, %scan3A_58 : i32
      %add3A_61 = arith.constant 1 : i32
      %add3A_62 = arith.addi %mul3A_60, %add3A_61 : i32
      %dma_start3A_63 = arith.constant 0 : i32
      %dma_start3A_64 = tpu.memref_slice %arg6[%add3A_62, %dma_start3A_63] : memref<40x128xi32, #tpu.memory_space<vmem>> -> memref<1x128xi32, #tpu.memory_space<vmem>>
      %dma_start3A_65 = tpu.memref_squeeze %dma_start3A_64 : memref<1x128xi32, #tpu.memory_space<vmem>> -> memref<128xi32, #tpu.memory_space<vmem>>
      %dma_start3A_66 = arith.constant 0 : i32
      %dma_start3A_67 = arith.constant 0 : i32
      %dma_start3A_68 = tpu.memref_slice %arg2[%dma_start3A_66, %dma_start3A_67] : memref<20000x128xf32, #tpu.memory_space<hbm>> -> memref<20000x128xf32, #tpu.memory_space<hbm>>
      tpu.enqueue_indirect_dma source(%dma_start3A_68 : memref<20000x128xf32, #tpu.memory_space<hbm>>) target(%arg9 : memref<128x128xf32, #tpu.memory_space<vmem>>) offsets(%dma_start3A_65 : memref<128xi32, #tpu.memory_space<vmem>>) semaphore(%arg11 : memref<!tpu.dma_semaphore, #tpu.memory_space<semaphore_mem>>)
      %dma_wait3A = arith.constant 0 : i32
      %dma_wait3A_69 = tpu.memref_slice %arg6[%mul3A_60, %dma_wait3A] : memref<40x128xi32, #tpu.memory_space<vmem>> -> memref<1x128xi32, #tpu.memory_space<vmem>>
      %dma_wait3A_70 = tpu.memref_squeeze %dma_wait3A_69 : memref<1x128xi32, #tpu.memory_space<vmem>> -> memref<128xi32, #tpu.memory_space<vmem>>
      %dma_wait3A_71 = arith.constant 0 : i32
      %dma_wait3A_72 = arith.constant 0 : i32
      %dma_wait3A_73 = tpu.memref_slice %arg2[%dma_wait3A_71, %dma_wait3A_72] : memref<20000x128xf32, #tpu.memory_space<hbm>> -> memref<20000x128xf32, #tpu.memory_space<hbm>>
      tpu.wait_indirect_dma semaphore(%arg11 : memref<!tpu.dma_semaphore, #tpu.memory_space<semaphore_mem>>) src(%dma_wait3A_73 : memref<20000x128xf32, #tpu.memory_space<hbm>>) dst(%arg8 : memref<128x128xf32, #tpu.memory_space<vmem>>)
      "tpu.region"() ({
        %run_scoped3A = tpu.sem_alloc : memref<!tpu.dma_semaphore, #tpu.memory_space<semaphore_mem>>
        %dma_start3A_88 = arith.constant 0 : i32
        %dma_start3A_89 = tpu.memref_slice %arg7[%mul3A_60, %dma_start3A_88] : memref<40x128xi32, #tpu.memory_space<vmem>> -> memref<1x128xi32, #tpu.memory_space<vmem>>
        %dma_start3A_90 = tpu.memref_squeeze %dma_start3A_89 : memref<1x128xi32, #tpu.memory_space<vmem>> -> memref<128xi32, #tpu.memory_space<vmem>>
        %dma_start3A_91 = arith.constant 0 : i32
        %dma_start3A_92 = arith.constant 0 : i32
        %dma_start3A_93 = tpu.memref_slice %arg10[%dma_start3A_91, %dma_start3A_92] : memref<10112x128xf32, #tpu.memory_space<vmem_shared>> -> memref<10112x128xf32, #tpu.memory_space<vmem_shared>>
        tpu.enqueue_indirect_dma source(%arg8 : memref<128x128xf32, #tpu.memory_space<vmem>>) target(%dma_start3A_93 : memref<10112x128xf32, #tpu.memory_space<vmem_shared>>) offsets(%dma_start3A_90 : memref<128xi32, #tpu.memory_space<vmem>>) semaphore(%run_scoped3A : memref<!tpu.dma_semaphore, #tpu.memory_space<semaphore_mem>>) {add = true}
        %dma_wait3A_94 = arith.constant 0 : i32
        %dma_wait3A_95 = tpu.memref_slice %arg7[%mul3A_60, %dma_wait3A_94] : memref<40x128xi32, #tpu.memory_space<vmem>> -> memref<1x128xi32, #tpu.memory_space<vmem>>
        %dma_wait3A_96 = tpu.memref_squeeze %dma_wait3A_95 : memref<1x128xi32, #tpu.memory_space<vmem>> -> memref<128xi32, #tpu.memory_space<vmem>>
        %dma_wait3A_97 = arith.constant 0 : i32
        %dma_wait3A_98 = arith.constant 0 : i32
        %dma_wait3A_99 = tpu.memref_slice %arg10[%dma_wait3A_97, %dma_wait3A_98] : memref<10112x128xf32, #tpu.memory_space<vmem_shared>> -> memref<10112x128xf32, #tpu.memory_space<vmem_shared>>
        tpu.wait_indirect_dma semaphore(%run_scoped3A : memref<!tpu.dma_semaphore, #tpu.memory_space<semaphore_mem>>) src(%arg8 : memref<128x128xf32, #tpu.memory_space<vmem>>) dst(%dma_wait3A_99 : memref<10112x128xf32, #tpu.memory_space<vmem_shared>>)
        tpu.yield
      }) : () -> ()
      %lt3A = arith.constant 19 : i32
      %lt3A_74 = arith.cmpi slt, %scan3A_58, %lt3A : i32
      %convert_element_type3A_75 = arith.extui %lt3A_74 : i1 to i32
      %cond3A_76 = arith.constant 0 : i32
      %cond3A_77 = arith.cmpi ne, %convert_element_type3A_75, %cond3A_76 : i32
      scf.if %cond3A_77 {
        %add3A_88 = arith.constant 2 : i32
        %add3A_89 = arith.addi %mul3A_60, %add3A_88 : i32
        %dma_start3A_90 = arith.constant 0 : i32
        %dma_start3A_91 = tpu.memref_slice %arg6[%add3A_89, %dma_start3A_90] : memref<40x128xi32, #tpu.memory_space<vmem>> -> memref<1x128xi32, #tpu.memory_space<vmem>>
        %dma_start3A_92 = tpu.memref_squeeze %dma_start3A_91 : memref<1x128xi32, #tpu.memory_space<vmem>> -> memref<128xi32, #tpu.memory_space<vmem>>
        %dma_start3A_93 = arith.constant 0 : i32
        %dma_start3A_94 = arith.constant 0 : i32
        %dma_start3A_95 = tpu.memref_slice %arg2[%dma_start3A_93, %dma_start3A_94] : memref<20000x128xf32, #tpu.memory_space<hbm>> -> memref<20000x128xf32, #tpu.memory_space<hbm>>
        tpu.enqueue_indirect_dma source(%dma_start3A_95 : memref<20000x128xf32, #tpu.memory_space<hbm>>) target(%arg8 : memref<128x128xf32, #tpu.memory_space<vmem>>) offsets(%dma_start3A_92 : memref<128xi32, #tpu.memory_space<vmem>>) semaphore(%arg11 : memref<!tpu.dma_semaphore, #tpu.memory_space<semaphore_mem>>)
      } else {
      }
      %add3A_78 = arith.constant 1 : i32
      %add3A_79 = arith.addi %mul3A_60, %add3A_78 : i32
      %dma_wait3A_80 = arith.constant 0 : i32
      %dma_wait3A_81 = tpu.memref_slice %arg6[%add3A_79, %dma_wait3A_80] : memref<40x128xi32, #tpu.memory_space<vmem>> -> memref<1x128xi32, #tpu.memory_space<vmem>>
      %dma_wait3A_82 = tpu.memref_squeeze %dma_wait3A_81 : memref<1x128xi32, #tpu.memory_space<vmem>> -> memref<128xi32, #tpu.memory_space<vmem>>
      %dma_wait3A_83 = arith.constant 0 : i32
      %dma_wait3A_84 = arith.constant 0 : i32
      %dma_wait3A_85 = tpu.memref_slice %arg2[%dma_wait3A_83, %dma_wait3A_84] : memref<20000x128xf32, #tpu.memory_space<hbm>> -> memref<20000x128xf32, #tpu.memory_space<hbm>>
      tpu.wait_indirect_dma semaphore(%arg11 : memref<!tpu.dma_semaphore, #tpu.memory_space<semaphore_mem>>) src(%dma_wait3A_85 : memref<20000x128xf32, #tpu.memory_space<hbm>>) dst(%arg9 : memref<128x128xf32, #tpu.memory_space<vmem>>)
      %add3A_86 = arith.constant 1 : i32
      %add3A_87 = arith.addi %mul3A_60, %add3A_86 : i32
      "tpu.region"() ({
        %run_scoped3A = tpu.sem_alloc : memref<!tpu.dma_semaphore, #tpu.memory_space<semaphore_mem>>
        %dma_start3A_88 = arith.constant 0 : i32
        %dma_start3A_89 = tpu.memref_slice %arg7[%add3A_87, %dma_start3A_88] : memref<40x128xi32, #tpu.memory_space<vmem>> -> memref<1x128xi32, #tpu.memory_space<vmem>>
        %dma_start3A_90 = tpu.memref_squeeze %dma_start3A_89 : memref<1x128xi32, #tpu.memory_space<vmem>> -> memref<128xi32, #tpu.memory_space<vmem>>
        %dma_start3A_91 = arith.constant 0 : i32
        %dma_start3A_92 = arith.constant 0 : i32
        %dma_start3A_93 = tpu.memref_slice %arg10[%dma_start3A_91, %dma_start3A_92] : memref<10112x128xf32, #tpu.memory_space<vmem_shared>> -> memref<10112x128xf32, #tpu.memory_space<vmem_shared>>
        tpu.enqueue_indirect_dma source(%arg9 : memref<128x128xf32, #tpu.memory_space<vmem>>) target(%dma_start3A_93 : memref<10112x128xf32, #tpu.memory_space<vmem_shared>>) offsets(%dma_start3A_90 : memref<128xi32, #tpu.memory_space<vmem>>) semaphore(%run_scoped3A : memref<!tpu.dma_semaphore, #tpu.memory_space<semaphore_mem>>) {add = true}
        %dma_wait3A_94 = arith.constant 0 : i32
        %dma_wait3A_95 = tpu.memref_slice %arg7[%add3A_87, %dma_wait3A_94] : memref<40x128xi32, #tpu.memory_space<vmem>> -> memref<1x128xi32, #tpu.memory_space<vmem>>
        %dma_wait3A_96 = tpu.memref_squeeze %dma_wait3A_95 : memref<1x128xi32, #tpu.memory_space<vmem>> -> memref<128xi32, #tpu.memory_space<vmem>>
        %dma_wait3A_97 = arith.constant 0 : i32
        %dma_wait3A_98 = arith.constant 0 : i32
        %dma_wait3A_99 = tpu.memref_slice %arg10[%dma_wait3A_97, %dma_wait3A_98] : memref<10112x128xf32, #tpu.memory_space<vmem_shared>> -> memref<10112x128xf32, #tpu.memory_space<vmem_shared>>
        tpu.wait_indirect_dma semaphore(%run_scoped3A : memref<!tpu.dma_semaphore, #tpu.memory_space<semaphore_mem>>) src(%arg9 : memref<128x128xf32, #tpu.memory_space<vmem>>) dst(%dma_wait3A_99 : memref<10112x128xf32, #tpu.memory_space<vmem_shared>>)
        tpu.yield
      }) : () -> ()
    }
    %scan3A_44 = arith.constant 20 : i32
    %barrier3A_45 = arith.constant 0 : index
    tpu.barrier barrier_id(%barrier3A_45)
    %mul3A_46 = arith.constant 624 : i32
    %mul3A_47 = arith.muli %arg1, %mul3A_46 : i32
    %mul3A_48 = arith.constant 10000 : i32
    %mul3A_49 = arith.muli %arg0, %mul3A_48 : i32
    %mul3A_50 = arith.constant 624 : i32
    %mul3A_51 = arith.muli %arg1, %mul3A_50 : i32
    %add3A_52 = arith.addi %mul3A_49, %mul3A_51 : i32
    "tpu.region"() ({
      %run_scoped3A = tpu.sem_alloc : memref<!tpu.dma_semaphore, #tpu.memory_space<semaphore_mem>>
      %dma_start3A_58 = arith.constant 0 : i32
      %dma_start3A_59 = tpu.memref_slice %arg5[%add3A_52, %dma_start3A_58] : memref<20000x128xf32, #tpu.memory_space<hbm>> -> memref<624x128xf32, #tpu.memory_space<hbm>>
      %dma_start3A_60 = arith.constant 0 : i32
      %dma_start3A_61 = tpu.memref_slice %arg10[%mul3A_47, %dma_start3A_60] : memref<10112x128xf32, #tpu.memory_space<vmem_shared>> -> memref<624x128xf32, #tpu.memory_space<vmem_shared>>
      tpu.enqueue_dma source(%dma_start3A_61 : memref<624x128xf32, #tpu.memory_space<vmem_shared>>) target(%dma_start3A_59 : memref<624x128xf32, #tpu.memory_space<hbm>>) target_semaphore(%run_scoped3A : memref<!tpu.dma_semaphore, #tpu.memory_space<semaphore_mem>>)
      %dma_wait3A = arith.constant 0 : i32
      %dma_wait3A_62 = tpu.memref_slice %arg5[%add3A_52, %dma_wait3A] : memref<20000x128xf32, #tpu.memory_space<hbm>> -> memref<624x128xf32, #tpu.memory_space<hbm>>
      %dma_wait3A_63 = arith.constant 0 : i32
      %dma_wait3A_64 = tpu.memref_slice %arg10[%mul3A_47, %dma_wait3A_63] : memref<10112x128xf32, #tpu.memory_space<vmem_shared>> -> memref<624x128xf32, #tpu.memory_space<vmem_shared>>
      tpu.wait_dma2 semaphore(%run_scoped3A : memref<!tpu.dma_semaphore, #tpu.memory_space<semaphore_mem>>) src(%dma_wait3A_64 : memref<624x128xf32, #tpu.memory_space<vmem_shared>>) dst(%dma_wait3A_62 : memref<624x128xf32, #tpu.memory_space<hbm>>)
      tpu.yield
    }) : () -> ()
    %eq3A_53 = arith.constant 0 : i32
    %eq3A_54 = arith.cmpi eq, %arg1, %eq3A_53 : i32
    %convert_element_type3A_55 = arith.extui %eq3A_54 : i1 to i32
    %cond3A_56 = arith.constant 0 : i32
    %cond3A_57 = arith.cmpi ne, %convert_element_type3A_55, %cond3A_56 : i32
    scf.if %cond3A_57 {
      %mul3A_58 = arith.constant 10000 : i32
      %mul3A_59 = arith.muli %arg0, %mul3A_58 : i32
      %add3A_60 = arith.constant 9984 : i32
      %add3A_61 = arith.addi %mul3A_59, %add3A_60 : i32
      "tpu.region"() ({
        %run_scoped3A = tpu.sem_alloc : memref<!tpu.dma_semaphore, #tpu.memory_space<semaphore_mem>>
        %dma_start3A_62 = arith.constant 0 : i32
        %dma_start3A_63 = tpu.memref_slice %arg5[%add3A_61, %dma_start3A_62] : memref<20000x128xf32, #tpu.memory_space<hbm>> -> memref<16x128xf32, #tpu.memory_space<hbm>>
        %dma_start3A_64 = arith.constant 9984 : i32
        %dma_start3A_65 = arith.constant 0 : i32
        %dma_start3A_66 = tpu.memref_slice %arg10[%dma_start3A_64, %dma_start3A_65] : memref<10112x128xf32, #tpu.memory_space<vmem_shared>> -> memref<16x128xf32, #tpu.memory_space<vmem_shared>>
        tpu.enqueue_dma source(%dma_start3A_66 : memref<16x128xf32, #tpu.memory_space<vmem_shared>>) target(%dma_start3A_63 : memref<16x128xf32, #tpu.memory_space<hbm>>) target_semaphore(%run_scoped3A : memref<!tpu.dma_semaphore, #tpu.memory_space<semaphore_mem>>)
        %dma_wait3A = arith.constant 0 : i32
        %dma_wait3A_67 = tpu.memref_slice %arg5[%add3A_61, %dma_wait3A] : memref<20000x128xf32, #tpu.memory_space<hbm>> -> memref<16x128xf32, #tpu.memory_space<hbm>>
        %dma_wait3A_68 = arith.constant 9984 : i32
        %dma_wait3A_69 = arith.constant 0 : i32
        %dma_wait3A_70 = tpu.memref_slice %arg10[%dma_wait3A_68, %dma_wait3A_69] : memref<10112x128xf32, #tpu.memory_space<vmem_shared>> -> memref<16x128xf32, #tpu.memory_space<vmem_shared>>
        tpu.wait_dma2 semaphore(%run_scoped3A : memref<!tpu.dma_semaphore, #tpu.memory_space<semaphore_mem>>) src(%dma_wait3A_70 : memref<16x128xf32, #tpu.memory_space<vmem_shared>>) dst(%dma_wait3A_67 : memref<16x128xf32, #tpu.memory_space<hbm>>)
        tpu.yield
      }) : () -> ()
    } else {
    }
    return
  }
}

#map = affine_map<(d0, d1) -> (0, 0)>
module attributes {stable_mosaic.version = 14 : i64} {
  func.func @deg_kernel(%arg0: i32, %arg1: i32, %arg2: memref<1280x128xi32, #tpu.memory_space<hbm>>, %arg3: memref<10112x128xf32, #tpu.memory_space<hbm>>, %arg4: memref<128x128xf32, #tpu.memory_space<hbm>>, %arg5: memref<20224x128xf32, #tpu.memory_space<hbm>>, %arg6: memref<40x128xi32, #tpu.memory_space<vmem>>, %arg7: memref<128x128xf32, #tpu.memory_space<vmem>>, %arg8: memref<10112x128xf32, #tpu.memory_space<vmem_shared>>) attributes {dimension_semantics = [#tpu.dimension_semantics<core_parallel>, #tpu.dimension_semantics<subcore_parallel>], iteration_bounds = array<i64: 2, 16>, scalar_prefetch = 0 : i64, scratch_operands = 3 : i64, tpu.core_type = #tpu.core_type<sc_vector_subcore>, window_params = [{transform_indices = #map}, {transform_indices = #map}, {transform_indices = #map}, {transform_indices = #map}]} {
    %mul3A = arith.constant 2 : i32
    %mul3A_0 = arith.muli %arg1, %mul3A : i32
    %add3A = arith.addi %mul3A_0, %arg0 : i32
    %mul3A_1 = arith.constant 632 : i32
    %mul3A_2 = arith.muli %arg1, %mul3A_1 : i32
    %mul3A_3 = arith.constant 632 : i32
    %mul3A_4 = arith.muli %arg1, %mul3A_3 : i32
    "tpu.region"() ({
      %run_scoped3A = tpu.sem_alloc : memref<!tpu.dma_semaphore, #tpu.memory_space<semaphore_mem>>
      %dma_start3A = arith.constant 0 : i32
      %dma_start3A_20 = tpu.memref_slice %arg8[%mul3A_4, %dma_start3A] : memref<10112x128xf32, #tpu.memory_space<vmem_shared>> -> memref<632x128xf32, #tpu.memory_space<vmem_shared>>
      %dma_start3A_21 = arith.constant 0 : i32
      %dma_start3A_22 = tpu.memref_slice %arg3[%mul3A_2, %dma_start3A_21] : memref<10112x128xf32, #tpu.memory_space<hbm>> -> memref<632x128xf32, #tpu.memory_space<hbm>>
      tpu.enqueue_dma source(%dma_start3A_22 : memref<632x128xf32, #tpu.memory_space<hbm>>) target(%dma_start3A_20 : memref<632x128xf32, #tpu.memory_space<vmem_shared>>) target_semaphore(%run_scoped3A : memref<!tpu.dma_semaphore, #tpu.memory_space<semaphore_mem>>)
      %dma_wait3A = arith.constant 0 : i32
      %dma_wait3A_23 = tpu.memref_slice %arg8[%mul3A_4, %dma_wait3A] : memref<10112x128xf32, #tpu.memory_space<vmem_shared>> -> memref<632x128xf32, #tpu.memory_space<vmem_shared>>
      %dma_wait3A_24 = arith.constant 0 : i32
      %dma_wait3A_25 = tpu.memref_slice %arg3[%mul3A_2, %dma_wait3A_24] : memref<10112x128xf32, #tpu.memory_space<hbm>> -> memref<632x128xf32, #tpu.memory_space<hbm>>
      tpu.wait_dma2 semaphore(%run_scoped3A : memref<!tpu.dma_semaphore, #tpu.memory_space<semaphore_mem>>) src(%dma_wait3A_25 : memref<632x128xf32, #tpu.memory_space<hbm>>) dst(%dma_wait3A_23 : memref<632x128xf32, #tpu.memory_space<vmem_shared>>)
      tpu.yield
    }) : () -> ()
    "tpu.region"() ({
      %run_scoped3A = tpu.sem_alloc : memref<!tpu.dma_semaphore, #tpu.memory_space<semaphore_mem>>
      tpu.enqueue_dma source(%arg4 : memref<128x128xf32, #tpu.memory_space<hbm>>) target(%arg7 : memref<128x128xf32, #tpu.memory_space<vmem>>) target_semaphore(%run_scoped3A : memref<!tpu.dma_semaphore, #tpu.memory_space<semaphore_mem>>)
      tpu.wait_dma2 semaphore(%run_scoped3A : memref<!tpu.dma_semaphore, #tpu.memory_space<semaphore_mem>>) src(%arg4 : memref<128x128xf32, #tpu.memory_space<hbm>>) dst(%arg7 : memref<128x128xf32, #tpu.memory_space<vmem>>)
      tpu.yield
    }) : () -> ()
    %mul3A_5 = arith.constant 40 : i32
    %mul3A_6 = arith.muli %add3A, %mul3A_5 : i32
    "tpu.region"() ({
      %run_scoped3A = tpu.sem_alloc : memref<!tpu.dma_semaphore, #tpu.memory_space<semaphore_mem>>
      %dma_start3A = arith.constant 0 : i32
      %dma_start3A_20 = tpu.memref_slice %arg2[%mul3A_6, %dma_start3A] : memref<1280x128xi32, #tpu.memory_space<hbm>> -> memref<40x128xi32, #tpu.memory_space<hbm>>
      %dma_start3A_21 = arith.constant 0 : i32
      %dma_start3A_22 = tpu.memref_slice %arg2[%mul3A_6, %dma_start3A_21] : memref<1280x128xi32, #tpu.memory_space<hbm>> -> memref<40x128xi32, #tpu.memory_space<hbm>>
      tpu.enqueue_dma source(%dma_start3A_22 : memref<40x128xi32, #tpu.memory_space<hbm>>) target(%arg6 : memref<40x128xi32, #tpu.memory_space<vmem>>) target_semaphore(%run_scoped3A : memref<!tpu.dma_semaphore, #tpu.memory_space<semaphore_mem>>)
      %dma_wait3A = arith.constant 0 : i32
      %dma_wait3A_23 = tpu.memref_slice %arg2[%mul3A_6, %dma_wait3A] : memref<1280x128xi32, #tpu.memory_space<hbm>> -> memref<40x128xi32, #tpu.memory_space<hbm>>
      %dma_wait3A_24 = arith.constant 0 : i32
      %dma_wait3A_25 = tpu.memref_slice %arg2[%mul3A_6, %dma_wait3A_24] : memref<1280x128xi32, #tpu.memory_space<hbm>> -> memref<40x128xi32, #tpu.memory_space<hbm>>
      tpu.wait_dma2 semaphore(%run_scoped3A : memref<!tpu.dma_semaphore, #tpu.memory_space<semaphore_mem>>) src(%dma_wait3A_25 : memref<40x128xi32, #tpu.memory_space<hbm>>) dst(%arg6 : memref<40x128xi32, #tpu.memory_space<vmem>>)
      tpu.yield
    }) : () -> ()
    %barrier3A = arith.constant 0 : index
    tpu.barrier barrier_id(%barrier3A)
    %scan3A = arith.constant 0 : i32
    %scan3A_7 = arith.constant 0 : i32
    %scan3A_8 = arith.constant 40 : i32
    %scan3A_9 = arith.addi %scan3A_7, %scan3A_8 : i32
    %scan3A_10 = arith.constant 1 : i32
    scf.for %scan3A_20 = %scan3A_7 to %scan3A_9 step %scan3A_10  : i32 {
      "tpu.region"() ({
        %run_scoped3A = tpu.sem_alloc : memref<!tpu.dma_semaphore, #tpu.memory_space<semaphore_mem>>
        %dma_start3A = arith.constant 0 : i32
        %dma_start3A_21 = tpu.memref_slice %arg6[%scan3A_20, %dma_start3A] : memref<40x128xi32, #tpu.memory_space<vmem>> -> memref<1x128xi32, #tpu.memory_space<vmem>>
        %dma_start3A_22 = tpu.memref_squeeze %dma_start3A_21 : memref<1x128xi32, #tpu.memory_space<vmem>> -> memref<128xi32, #tpu.memory_space<vmem>>
        %dma_start3A_23 = arith.constant 0 : i32
        %dma_start3A_24 = arith.constant 0 : i32
        %dma_start3A_25 = tpu.memref_slice %arg8[%dma_start3A_23, %dma_start3A_24] : memref<10112x128xf32, #tpu.memory_space<vmem_shared>> -> memref<10112x128xf32, #tpu.memory_space<vmem_shared>>
        tpu.enqueue_indirect_dma source(%arg7 : memref<128x128xf32, #tpu.memory_space<vmem>>) target(%dma_start3A_25 : memref<10112x128xf32, #tpu.memory_space<vmem_shared>>) offsets(%dma_start3A_22 : memref<128xi32, #tpu.memory_space<vmem>>) semaphore(%run_scoped3A : memref<!tpu.dma_semaphore, #tpu.memory_space<semaphore_mem>>) {add = true}
        %dma_wait3A = arith.constant 0 : i32
        %dma_wait3A_26 = tpu.memref_slice %arg6[%scan3A_20, %dma_wait3A] : memref<40x128xi32, #tpu.memory_space<vmem>> -> memref<1x128xi32, #tpu.memory_space<vmem>>
        %dma_wait3A_27 = tpu.memref_squeeze %dma_wait3A_26 : memref<1x128xi32, #tpu.memory_space<vmem>> -> memref<128xi32, #tpu.memory_space<vmem>>
        %dma_wait3A_28 = arith.constant 0 : i32
        %dma_wait3A_29 = arith.constant 0 : i32
        %dma_wait3A_30 = tpu.memref_slice %arg8[%dma_wait3A_28, %dma_wait3A_29] : memref<10112x128xf32, #tpu.memory_space<vmem_shared>> -> memref<10112x128xf32, #tpu.memory_space<vmem_shared>>
        tpu.wait_indirect_dma semaphore(%run_scoped3A : memref<!tpu.dma_semaphore, #tpu.memory_space<semaphore_mem>>) src(%arg7 : memref<128x128xf32, #tpu.memory_space<vmem>>) dst(%dma_wait3A_30 : memref<10112x128xf32, #tpu.memory_space<vmem_shared>>)
        tpu.yield
      }) : () -> ()
    }
    %scan3A_11 = arith.constant 40 : i32
    %barrier3A_12 = arith.constant 0 : index
    tpu.barrier barrier_id(%barrier3A_12)
    %mul3A_13 = arith.constant 632 : i32
    %mul3A_14 = arith.muli %arg1, %mul3A_13 : i32
    %mul3A_15 = arith.constant 10112 : i32
    %mul3A_16 = arith.muli %arg0, %mul3A_15 : i32
    %mul3A_17 = arith.constant 632 : i32
    %mul3A_18 = arith.muli %arg1, %mul3A_17 : i32
    %add3A_19 = arith.addi %mul3A_16, %mul3A_18 : i32
    "tpu.region"() ({
      %run_scoped3A = tpu.sem_alloc : memref<!tpu.dma_semaphore, #tpu.memory_space<semaphore_mem>>
      %dma_start3A = arith.constant 0 : i32
      %dma_start3A_20 = tpu.memref_slice %arg5[%add3A_19, %dma_start3A] : memref<20224x128xf32, #tpu.memory_space<hbm>> -> memref<632x128xf32, #tpu.memory_space<hbm>>
      %dma_start3A_21 = arith.constant 0 : i32
      %dma_start3A_22 = tpu.memref_slice %arg8[%mul3A_14, %dma_start3A_21] : memref<10112x128xf32, #tpu.memory_space<vmem_shared>> -> memref<632x128xf32, #tpu.memory_space<vmem_shared>>
      tpu.enqueue_dma source(%dma_start3A_22 : memref<632x128xf32, #tpu.memory_space<vmem_shared>>) target(%dma_start3A_20 : memref<632x128xf32, #tpu.memory_space<hbm>>) target_semaphore(%run_scoped3A : memref<!tpu.dma_semaphore, #tpu.memory_space<semaphore_mem>>)
      %dma_wait3A = arith.constant 0 : i32
      %dma_wait3A_23 = tpu.memref_slice %arg5[%add3A_19, %dma_wait3A] : memref<20224x128xf32, #tpu.memory_space<hbm>> -> memref<632x128xf32, #tpu.memory_space<hbm>>
      %dma_wait3A_24 = arith.constant 0 : i32
      %dma_wait3A_25 = tpu.memref_slice %arg8[%mul3A_14, %dma_wait3A_24] : memref<10112x128xf32, #tpu.memory_space<vmem_shared>> -> memref<632x128xf32, #tpu.memory_space<vmem_shared>>
      tpu.wait_dma2 semaphore(%run_scoped3A : memref<!tpu.dma_semaphore, #tpu.memory_space<semaphore_mem>>) src(%dma_wait3A_25 : memref<632x128xf32, #tpu.memory_space<vmem_shared>>) dst(%dma_wait3A_23 : memref<632x128xf32, #tpu.memory_space<hbm>>)
      tpu.yield
    }) : () -> ()
    return
  }
}

#map = affine_map<(d0, d1) -> (0, 0)>
module attributes {stable_mosaic.version = 14 : i64} {
  func.func @agg_kernel(%arg0: i32, %arg1: i32, %arg2: memref<20000x128xf32, #tpu.memory_space<hbm>>, %arg3: memref<2560x128xi32, #tpu.memory_space<hbm>>, %arg4: memref<1280x128xi32, #tpu.memory_space<hbm>>, %arg5: memref<20000x128xf32, #tpu.memory_space<hbm>>, %arg6: memref<40x128xi32, #tpu.memory_space<vmem>>, %arg7: memref<40x128xi32, #tpu.memory_space<vmem>>, %arg8: memref<128x128xf32, #tpu.memory_space<vmem>>, %arg9: memref<128x128xf32, #tpu.memory_space<vmem>>, %arg10: memref<10112x128xf32, #tpu.memory_space<vmem_shared>>, %arg11: memref<!tpu.dma_semaphore, #tpu.memory_space<semaphore_mem>>) attributes {dimension_semantics = [#tpu.dimension_semantics<core_parallel>, #tpu.dimension_semantics<subcore_parallel>], iteration_bounds = array<i64: 2, 16>, scalar_prefetch = 0 : i64, scratch_operands = 6 : i64, tpu.core_type = #tpu.core_type<sc_vector_subcore>, window_params = [{transform_indices = #map}, {transform_indices = #map}, {transform_indices = #map}, {transform_indices = #map}]} {
    %mul3A = arith.constant 10000 : i32
    %mul3A_0 = arith.muli %arg0, %mul3A : i32
    %mul3A_1 = arith.constant 624 : i32
    %mul3A_2 = arith.muli %arg1, %mul3A_1 : i32
    %add3A = arith.addi %mul3A_0, %mul3A_2 : i32
    %mul3A_3 = arith.constant 624 : i32
    %mul3A_4 = arith.muli %arg1, %mul3A_3 : i32
    "tpu.region"() ({
      %run_scoped3A = tpu.sem_alloc : memref<!tpu.dma_semaphore, #tpu.memory_space<semaphore_mem>>
      %dma_start3A_58 = arith.constant 0 : i32
      %dma_start3A_59 = tpu.memref_slice %arg10[%mul3A_4, %dma_start3A_58] : memref<10112x128xf32, #tpu.memory_space<vmem_shared>> -> memref<624x128xf32, #tpu.memory_space<vmem_shared>>
      %dma_start3A_60 = arith.constant 0 : i32
      %dma_start3A_61 = tpu.memref_slice %arg2[%add3A, %dma_start3A_60] : memref<20000x128xf32, #tpu.memory_space<hbm>> -> memref<624x128xf32, #tpu.memory_space<hbm>>
      tpu.enqueue_dma source(%dma_start3A_61 : memref<624x128xf32, #tpu.memory_space<hbm>>) target(%dma_start3A_59 : memref<624x128xf32, #tpu.memory_space<vmem_shared>>) target_semaphore(%run_scoped3A : memref<!tpu.dma_semaphore, #tpu.memory_space<semaphore_mem>>)
      %dma_wait3A = arith.constant 0 : i32
      %dma_wait3A_62 = tpu.memref_slice %arg10[%mul3A_4, %dma_wait3A] : memref<10112x128xf32, #tpu.memory_space<vmem_shared>> -> memref<624x128xf32, #tpu.memory_space<vmem_shared>>
      %dma_wait3A_63 = arith.constant 0 : i32
      %dma_wait3A_64 = tpu.memref_slice %arg2[%add3A, %dma_wait3A_63] : memref<20000x128xf32, #tpu.memory_space<hbm>> -> memref<624x128xf32, #tpu.memory_space<hbm>>
      tpu.wait_dma2 semaphore(%run_scoped3A : memref<!tpu.dma_semaphore, #tpu.memory_space<semaphore_mem>>) src(%dma_wait3A_64 : memref<624x128xf32, #tpu.memory_space<hbm>>) dst(%dma_wait3A_62 : memref<624x128xf32, #tpu.memory_space<vmem_shared>>)
      tpu.yield
    }) : () -> ()
    %eq3A = arith.constant 0 : i32
    %eq3A_5 = arith.cmpi eq, %arg1, %eq3A : i32
    %convert_element_type3A = arith.extui %eq3A_5 : i1 to i32
    %cond3A = arith.constant 0 : i32
    %cond3A_6 = arith.cmpi ne, %convert_element_type3A, %cond3A : i32
    scf.if %cond3A_6 {
      %mul3A_58 = arith.constant 10000 : i32
      %mul3A_59 = arith.muli %arg0, %mul3A_58 : i32
      %add3A_60 = arith.constant 9984 : i32
      %add3A_61 = arith.addi %mul3A_59, %add3A_60 : i32
      "tpu.region"() ({
        %run_scoped3A = tpu.sem_alloc : memref<!tpu.dma_semaphore, #tpu.memory_space<semaphore_mem>>
        %dma_start3A_62 = arith.constant 9984 : i32
        %dma_start3A_63 = arith.constant 0 : i32
        %dma_start3A_64 = tpu.memref_slice %arg10[%dma_start3A_62, %dma_start3A_63] : memref<10112x128xf32, #tpu.memory_space<vmem_shared>> -> memref<16x128xf32, #tpu.memory_space<vmem_shared>>
        %dma_start3A_65 = arith.constant 0 : i32
        %dma_start3A_66 = tpu.memref_slice %arg2[%add3A_61, %dma_start3A_65] : memref<20000x128xf32, #tpu.memory_space<hbm>> -> memref<16x128xf32, #tpu.memory_space<hbm>>
        tpu.enqueue_dma source(%dma_start3A_66 : memref<16x128xf32, #tpu.memory_space<hbm>>) target(%dma_start3A_64 : memref<16x128xf32, #tpu.memory_space<vmem_shared>>) target_semaphore(%run_scoped3A : memref<!tpu.dma_semaphore, #tpu.memory_space<semaphore_mem>>)
        %dma_wait3A = arith.constant 9984 : i32
        %dma_wait3A_67 = arith.constant 0 : i32
        %dma_wait3A_68 = tpu.memref_slice %arg10[%dma_wait3A, %dma_wait3A_67] : memref<10112x128xf32, #tpu.memory_space<vmem_shared>> -> memref<16x128xf32, #tpu.memory_space<vmem_shared>>
        %dma_wait3A_69 = arith.constant 0 : i32
        %dma_wait3A_70 = tpu.memref_slice %arg2[%add3A_61, %dma_wait3A_69] : memref<20000x128xf32, #tpu.memory_space<hbm>> -> memref<16x128xf32, #tpu.memory_space<hbm>>
        tpu.wait_dma2 semaphore(%run_scoped3A : memref<!tpu.dma_semaphore, #tpu.memory_space<semaphore_mem>>) src(%dma_wait3A_70 : memref<16x128xf32, #tpu.memory_space<hbm>>) dst(%dma_wait3A_68 : memref<16x128xf32, #tpu.memory_space<vmem_shared>>)
        tpu.yield
      }) : () -> ()
    } else {
    }
    %barrier3A = arith.constant 0 : index
    tpu.barrier barrier_id(%barrier3A)
    %mul3A_7 = arith.constant 80 : i32
    %mul3A_8 = arith.muli %arg1, %mul3A_7 : i32
    %add3A_9 = arith.constant 0 : i32
    %add3A_10 = arith.addi %mul3A_8, %add3A_9 : i32
    %mul3A_11 = arith.constant 1280 : i32
    %mul3A_12 = arith.muli %arg0, %mul3A_11 : i32
    %add3A_13 = arith.addi %mul3A_12, %add3A_10 : i32
    "tpu.region"() ({
      %run_scoped3A = tpu.sem_alloc : memref<!tpu.dma_semaphore, #tpu.memory_space<semaphore_mem>>
      %dma_start3A_58 = arith.constant 0 : i32
      %dma_start3A_59 = tpu.memref_slice %arg3[%add3A_13, %dma_start3A_58] : memref<2560x128xi32, #tpu.memory_space<hbm>> -> memref<40x128xi32, #tpu.memory_space<hbm>>
      %dma_start3A_60 = arith.constant 0 : i32
      %dma_start3A_61 = tpu.memref_slice %arg3[%add3A_13, %dma_start3A_60] : memref<2560x128xi32, #tpu.memory_space<hbm>> -> memref<40x128xi32, #tpu.memory_space<hbm>>
      tpu.enqueue_dma source(%dma_start3A_61 : memref<40x128xi32, #tpu.memory_space<hbm>>) target(%arg6 : memref<40x128xi32, #tpu.memory_space<vmem>>) target_semaphore(%run_scoped3A : memref<!tpu.dma_semaphore, #tpu.memory_space<semaphore_mem>>)
      %dma_wait3A = arith.constant 0 : i32
      %dma_wait3A_62 = tpu.memref_slice %arg3[%add3A_13, %dma_wait3A] : memref<2560x128xi32, #tpu.memory_space<hbm>> -> memref<40x128xi32, #tpu.memory_space<hbm>>
      %dma_wait3A_63 = arith.constant 0 : i32
      %dma_wait3A_64 = tpu.memref_slice %arg3[%add3A_13, %dma_wait3A_63] : memref<2560x128xi32, #tpu.memory_space<hbm>> -> memref<40x128xi32, #tpu.memory_space<hbm>>
      tpu.wait_dma2 semaphore(%run_scoped3A : memref<!tpu.dma_semaphore, #tpu.memory_space<semaphore_mem>>) src(%dma_wait3A_64 : memref<40x128xi32, #tpu.memory_space<hbm>>) dst(%arg6 : memref<40x128xi32, #tpu.memory_space<vmem>>)
      tpu.yield
    }) : () -> ()
    "tpu.region"() ({
      %run_scoped3A = tpu.sem_alloc : memref<!tpu.dma_semaphore, #tpu.memory_space<semaphore_mem>>
      %dma_start3A_58 = arith.constant 0 : i32
      %dma_start3A_59 = tpu.memref_slice %arg4[%add3A_10, %dma_start3A_58] : memref<1280x128xi32, #tpu.memory_space<hbm>> -> memref<40x128xi32, #tpu.memory_space<hbm>>
      %dma_start3A_60 = arith.constant 0 : i32
      %dma_start3A_61 = tpu.memref_slice %arg4[%add3A_10, %dma_start3A_60] : memref<1280x128xi32, #tpu.memory_space<hbm>> -> memref<40x128xi32, #tpu.memory_space<hbm>>
      tpu.enqueue_dma source(%dma_start3A_61 : memref<40x128xi32, #tpu.memory_space<hbm>>) target(%arg7 : memref<40x128xi32, #tpu.memory_space<vmem>>) target_semaphore(%run_scoped3A : memref<!tpu.dma_semaphore, #tpu.memory_space<semaphore_mem>>)
      %dma_wait3A = arith.constant 0 : i32
      %dma_wait3A_62 = tpu.memref_slice %arg4[%add3A_10, %dma_wait3A] : memref<1280x128xi32, #tpu.memory_space<hbm>> -> memref<40x128xi32, #tpu.memory_space<hbm>>
      %dma_wait3A_63 = arith.constant 0 : i32
      %dma_wait3A_64 = tpu.memref_slice %arg4[%add3A_10, %dma_wait3A_63] : memref<1280x128xi32, #tpu.memory_space<hbm>> -> memref<40x128xi32, #tpu.memory_space<hbm>>
      tpu.wait_dma2 semaphore(%run_scoped3A : memref<!tpu.dma_semaphore, #tpu.memory_space<semaphore_mem>>) src(%dma_wait3A_64 : memref<40x128xi32, #tpu.memory_space<hbm>>) dst(%arg7 : memref<40x128xi32, #tpu.memory_space<vmem>>)
      tpu.yield
    }) : () -> ()
    %dma_start3A = arith.constant 0 : i32
    %dma_start3A_14 = arith.constant 0 : i32
    %dma_start3A_15 = tpu.memref_slice %arg6[%dma_start3A, %dma_start3A_14] : memref<40x128xi32, #tpu.memory_space<vmem>> -> memref<1x128xi32, #tpu.memory_space<vmem>>
    %dma_start3A_16 = tpu.memref_squeeze %dma_start3A_15 : memref<1x128xi32, #tpu.memory_space<vmem>> -> memref<128xi32, #tpu.memory_space<vmem>>
    %dma_start3A_17 = arith.constant 0 : i32
    %dma_start3A_18 = arith.constant 0 : i32
    %dma_start3A_19 = tpu.memref_slice %arg2[%dma_start3A_17, %dma_start3A_18] : memref<20000x128xf32, #tpu.memory_space<hbm>> -> memref<20000x128xf32, #tpu.memory_space<hbm>>
    tpu.enqueue_indirect_dma source(%dma_start3A_19 : memref<20000x128xf32, #tpu.memory_space<hbm>>) target(%arg8 : memref<128x128xf32, #tpu.memory_space<vmem>>) offsets(%dma_start3A_16 : memref<128xi32, #tpu.memory_space<vmem>>) semaphore(%arg11 : memref<!tpu.dma_semaphore, #tpu.memory_space<semaphore_mem>>)
    %scan3A = arith.constant 0 : i32
    %scan3A_20 = arith.constant 0 : i32
    %scan3A_21 = arith.constant 20 : i32
    %scan3A_22 = arith.addi %scan3A_20, %scan3A_21 : i32
    %scan3A_23 = arith.constant 1 : i32
    scf.for %scan3A_58 = %scan3A_20 to %scan3A_22 step %scan3A_23  : i32 {
      %mul3A_59 = arith.constant 2 : i32
      %mul3A_60 = arith.muli %mul3A_59, %scan3A_58 : i32
      %add3A_61 = arith.constant 1 : i32
      %add3A_62 = arith.addi %mul3A_60, %add3A_61 : i32
      %dma_start3A_63 = arith.constant 0 : i32
      %dma_start3A_64 = tpu.memref_slice %arg6[%add3A_62, %dma_start3A_63] : memref<40x128xi32, #tpu.memory_space<vmem>> -> memref<1x128xi32, #tpu.memory_space<vmem>>
      %dma_start3A_65 = tpu.memref_squeeze %dma_start3A_64 : memref<1x128xi32, #tpu.memory_space<vmem>> -> memref<128xi32, #tpu.memory_space<vmem>>
      %dma_start3A_66 = arith.constant 0 : i32
      %dma_start3A_67 = arith.constant 0 : i32
      %dma_start3A_68 = tpu.memref_slice %arg2[%dma_start3A_66, %dma_start3A_67] : memref<20000x128xf32, #tpu.memory_space<hbm>> -> memref<20000x128xf32, #tpu.memory_space<hbm>>
      tpu.enqueue_indirect_dma source(%dma_start3A_68 : memref<20000x128xf32, #tpu.memory_space<hbm>>) target(%arg9 : memref<128x128xf32, #tpu.memory_space<vmem>>) offsets(%dma_start3A_65 : memref<128xi32, #tpu.memory_space<vmem>>) semaphore(%arg11 : memref<!tpu.dma_semaphore, #tpu.memory_space<semaphore_mem>>)
      %dma_wait3A = arith.constant 0 : i32
      %dma_wait3A_69 = tpu.memref_slice %arg6[%mul3A_60, %dma_wait3A] : memref<40x128xi32, #tpu.memory_space<vmem>> -> memref<1x128xi32, #tpu.memory_space<vmem>>
      %dma_wait3A_70 = tpu.memref_squeeze %dma_wait3A_69 : memref<1x128xi32, #tpu.memory_space<vmem>> -> memref<128xi32, #tpu.memory_space<vmem>>
      %dma_wait3A_71 = arith.constant 0 : i32
      %dma_wait3A_72 = arith.constant 0 : i32
      %dma_wait3A_73 = tpu.memref_slice %arg2[%dma_wait3A_71, %dma_wait3A_72] : memref<20000x128xf32, #tpu.memory_space<hbm>> -> memref<20000x128xf32, #tpu.memory_space<hbm>>
      tpu.wait_indirect_dma semaphore(%arg11 : memref<!tpu.dma_semaphore, #tpu.memory_space<semaphore_mem>>) src(%dma_wait3A_73 : memref<20000x128xf32, #tpu.memory_space<hbm>>) dst(%arg8 : memref<128x128xf32, #tpu.memory_space<vmem>>)
      "tpu.region"() ({
        %run_scoped3A = tpu.sem_alloc : memref<!tpu.dma_semaphore, #tpu.memory_space<semaphore_mem>>
        %dma_start3A_88 = arith.constant 0 : i32
        %dma_start3A_89 = tpu.memref_slice %arg7[%mul3A_60, %dma_start3A_88] : memref<40x128xi32, #tpu.memory_space<vmem>> -> memref<1x128xi32, #tpu.memory_space<vmem>>
        %dma_start3A_90 = tpu.memref_squeeze %dma_start3A_89 : memref<1x128xi32, #tpu.memory_space<vmem>> -> memref<128xi32, #tpu.memory_space<vmem>>
        %dma_start3A_91 = arith.constant 0 : i32
        %dma_start3A_92 = arith.constant 0 : i32
        %dma_start3A_93 = tpu.memref_slice %arg10[%dma_start3A_91, %dma_start3A_92] : memref<10112x128xf32, #tpu.memory_space<vmem_shared>> -> memref<10112x128xf32, #tpu.memory_space<vmem_shared>>
        tpu.enqueue_indirect_dma source(%arg8 : memref<128x128xf32, #tpu.memory_space<vmem>>) target(%dma_start3A_93 : memref<10112x128xf32, #tpu.memory_space<vmem_shared>>) offsets(%dma_start3A_90 : memref<128xi32, #tpu.memory_space<vmem>>) semaphore(%run_scoped3A : memref<!tpu.dma_semaphore, #tpu.memory_space<semaphore_mem>>) {add = true}
        %dma_wait3A_94 = arith.constant 0 : i32
        %dma_wait3A_95 = tpu.memref_slice %arg7[%mul3A_60, %dma_wait3A_94] : memref<40x128xi32, #tpu.memory_space<vmem>> -> memref<1x128xi32, #tpu.memory_space<vmem>>
        %dma_wait3A_96 = tpu.memref_squeeze %dma_wait3A_95 : memref<1x128xi32, #tpu.memory_space<vmem>> -> memref<128xi32, #tpu.memory_space<vmem>>
        %dma_wait3A_97 = arith.constant 0 : i32
        %dma_wait3A_98 = arith.constant 0 : i32
        %dma_wait3A_99 = tpu.memref_slice %arg10[%dma_wait3A_97, %dma_wait3A_98] : memref<10112x128xf32, #tpu.memory_space<vmem_shared>> -> memref<10112x128xf32, #tpu.memory_space<vmem_shared>>
        tpu.wait_indirect_dma semaphore(%run_scoped3A : memref<!tpu.dma_semaphore, #tpu.memory_space<semaphore_mem>>) src(%arg8 : memref<128x128xf32, #tpu.memory_space<vmem>>) dst(%dma_wait3A_99 : memref<10112x128xf32, #tpu.memory_space<vmem_shared>>)
        tpu.yield
      }) : () -> ()
      %lt3A = arith.constant 19 : i32
      %lt3A_74 = arith.cmpi slt, %scan3A_58, %lt3A : i32
      %convert_element_type3A_75 = arith.extui %lt3A_74 : i1 to i32
      %cond3A_76 = arith.constant 0 : i32
      %cond3A_77 = arith.cmpi ne, %convert_element_type3A_75, %cond3A_76 : i32
      scf.if %cond3A_77 {
        %add3A_88 = arith.constant 2 : i32
        %add3A_89 = arith.addi %mul3A_60, %add3A_88 : i32
        %dma_start3A_90 = arith.constant 0 : i32
        %dma_start3A_91 = tpu.memref_slice %arg6[%add3A_89, %dma_start3A_90] : memref<40x128xi32, #tpu.memory_space<vmem>> -> memref<1x128xi32, #tpu.memory_space<vmem>>
        %dma_start3A_92 = tpu.memref_squeeze %dma_start3A_91 : memref<1x128xi32, #tpu.memory_space<vmem>> -> memref<128xi32, #tpu.memory_space<vmem>>
        %dma_start3A_93 = arith.constant 0 : i32
        %dma_start3A_94 = arith.constant 0 : i32
        %dma_start3A_95 = tpu.memref_slice %arg2[%dma_start3A_93, %dma_start3A_94] : memref<20000x128xf32, #tpu.memory_space<hbm>> -> memref<20000x128xf32, #tpu.memory_space<hbm>>
        tpu.enqueue_indirect_dma source(%dma_start3A_95 : memref<20000x128xf32, #tpu.memory_space<hbm>>) target(%arg8 : memref<128x128xf32, #tpu.memory_space<vmem>>) offsets(%dma_start3A_92 : memref<128xi32, #tpu.memory_space<vmem>>) semaphore(%arg11 : memref<!tpu.dma_semaphore, #tpu.memory_space<semaphore_mem>>)
      } else {
      }
      %add3A_78 = arith.constant 1 : i32
      %add3A_79 = arith.addi %mul3A_60, %add3A_78 : i32
      %dma_wait3A_80 = arith.constant 0 : i32
      %dma_wait3A_81 = tpu.memref_slice %arg6[%add3A_79, %dma_wait3A_80] : memref<40x128xi32, #tpu.memory_space<vmem>> -> memref<1x128xi32, #tpu.memory_space<vmem>>
      %dma_wait3A_82 = tpu.memref_squeeze %dma_wait3A_81 : memref<1x128xi32, #tpu.memory_space<vmem>> -> memref<128xi32, #tpu.memory_space<vmem>>
      %dma_wait3A_83 = arith.constant 0 : i32
      %dma_wait3A_84 = arith.constant 0 : i32
      %dma_wait3A_85 = tpu.memref_slice %arg2[%dma_wait3A_83, %dma_wait3A_84] : memref<20000x128xf32, #tpu.memory_space<hbm>> -> memref<20000x128xf32, #tpu.memory_space<hbm>>
      tpu.wait_indirect_dma semaphore(%arg11 : memref<!tpu.dma_semaphore, #tpu.memory_space<semaphore_mem>>) src(%dma_wait3A_85 : memref<20000x128xf32, #tpu.memory_space<hbm>>) dst(%arg9 : memref<128x128xf32, #tpu.memory_space<vmem>>)
      %add3A_86 = arith.constant 1 : i32
      %add3A_87 = arith.addi %mul3A_60, %add3A_86 : i32
      "tpu.region"() ({
        %run_scoped3A = tpu.sem_alloc : memref<!tpu.dma_semaphore, #tpu.memory_space<semaphore_mem>>
        %dma_start3A_88 = arith.constant 0 : i32
        %dma_start3A_89 = tpu.memref_slice %arg7[%add3A_87, %dma_start3A_88] : memref<40x128xi32, #tpu.memory_space<vmem>> -> memref<1x128xi32, #tpu.memory_space<vmem>>
        %dma_start3A_90 = tpu.memref_squeeze %dma_start3A_89 : memref<1x128xi32, #tpu.memory_space<vmem>> -> memref<128xi32, #tpu.memory_space<vmem>>
        %dma_start3A_91 = arith.constant 0 : i32
        %dma_start3A_92 = arith.constant 0 : i32
        %dma_start3A_93 = tpu.memref_slice %arg10[%dma_start3A_91, %dma_start3A_92] : memref<10112x128xf32, #tpu.memory_space<vmem_shared>> -> memref<10112x128xf32, #tpu.memory_space<vmem_shared>>
        tpu.enqueue_indirect_dma source(%arg9 : memref<128x128xf32, #tpu.memory_space<vmem>>) target(%dma_start3A_93 : memref<10112x128xf32, #tpu.memory_space<vmem_shared>>) offsets(%dma_start3A_90 : memref<128xi32, #tpu.memory_space<vmem>>) semaphore(%run_scoped3A : memref<!tpu.dma_semaphore, #tpu.memory_space<semaphore_mem>>) {add = true}
        %dma_wait3A_94 = arith.constant 0 : i32
        %dma_wait3A_95 = tpu.memref_slice %arg7[%add3A_87, %dma_wait3A_94] : memref<40x128xi32, #tpu.memory_space<vmem>> -> memref<1x128xi32, #tpu.memory_space<vmem>>
        %dma_wait3A_96 = tpu.memref_squeeze %dma_wait3A_95 : memref<1x128xi32, #tpu.memory_space<vmem>> -> memref<128xi32, #tpu.memory_space<vmem>>
        %dma_wait3A_97 = arith.constant 0 : i32
        %dma_wait3A_98 = arith.constant 0 : i32
        %dma_wait3A_99 = tpu.memref_slice %arg10[%dma_wait3A_97, %dma_wait3A_98] : memref<10112x128xf32, #tpu.memory_space<vmem_shared>> -> memref<10112x128xf32, #tpu.memory_space<vmem_shared>>
        tpu.wait_indirect_dma semaphore(%run_scoped3A : memref<!tpu.dma_semaphore, #tpu.memory_space<semaphore_mem>>) src(%arg9 : memref<128x128xf32, #tpu.memory_space<vmem>>) dst(%dma_wait3A_99 : memref<10112x128xf32, #tpu.memory_space<vmem_shared>>)
        tpu.yield
      }) : () -> ()
    }
    %scan3A_24 = arith.constant 20 : i32
    %mul3A_25 = arith.constant 80 : i32
    %mul3A_26 = arith.muli %arg1, %mul3A_25 : i32
    %add3A_27 = arith.constant 40 : i32
    %add3A_28 = arith.addi %mul3A_26, %add3A_27 : i32
    %mul3A_29 = arith.constant 1280 : i32
    %mul3A_30 = arith.muli %arg0, %mul3A_29 : i32
    %add3A_31 = arith.addi %mul3A_30, %add3A_28 : i32
    "tpu.region"() ({
      %run_scoped3A = tpu.sem_alloc : memref<!tpu.dma_semaphore, #tpu.memory_space<semaphore_mem>>
      %dma_start3A_58 = arith.constant 0 : i32
      %dma_start3A_59 = tpu.memref_slice %arg3[%add3A_31, %dma_start3A_58] : memref<2560x128xi32, #tpu.memory_space<hbm>> -> memref<40x128xi32, #tpu.memory_space<hbm>>
      %dma_start3A_60 = arith.constant 0 : i32
      %dma_start3A_61 = tpu.memref_slice %arg3[%add3A_31, %dma_start3A_60] : memref<2560x128xi32, #tpu.memory_space<hbm>> -> memref<40x128xi32, #tpu.memory_space<hbm>>
      tpu.enqueue_dma source(%dma_start3A_61 : memref<40x128xi32, #tpu.memory_space<hbm>>) target(%arg6 : memref<40x128xi32, #tpu.memory_space<vmem>>) target_semaphore(%run_scoped3A : memref<!tpu.dma_semaphore, #tpu.memory_space<semaphore_mem>>)
      %dma_wait3A = arith.constant 0 : i32
      %dma_wait3A_62 = tpu.memref_slice %arg3[%add3A_31, %dma_wait3A] : memref<2560x128xi32, #tpu.memory_space<hbm>> -> memref<40x128xi32, #tpu.memory_space<hbm>>
      %dma_wait3A_63 = arith.constant 0 : i32
      %dma_wait3A_64 = tpu.memref_slice %arg3[%add3A_31, %dma_wait3A_63] : memref<2560x128xi32, #tpu.memory_space<hbm>> -> memref<40x128xi32, #tpu.memory_space<hbm>>
      tpu.wait_dma2 semaphore(%run_scoped3A : memref<!tpu.dma_semaphore, #tpu.memory_space<semaphore_mem>>) src(%dma_wait3A_64 : memref<40x128xi32, #tpu.memory_space<hbm>>) dst(%arg6 : memref<40x128xi32, #tpu.memory_space<vmem>>)
      tpu.yield
    }) : () -> ()
    "tpu.region"() ({
      %run_scoped3A = tpu.sem_alloc : memref<!tpu.dma_semaphore, #tpu.memory_space<semaphore_mem>>
      %dma_start3A_58 = arith.constant 0 : i32
      %dma_start3A_59 = tpu.memref_slice %arg4[%add3A_28, %dma_start3A_58] : memref<1280x128xi32, #tpu.memory_space<hbm>> -> memref<40x128xi32, #tpu.memory_space<hbm>>
      %dma_start3A_60 = arith.constant 0 : i32
      %dma_start3A_61 = tpu.memref_slice %arg4[%add3A_28, %dma_start3A_60] : memref<1280x128xi32, #tpu.memory_space<hbm>> -> memref<40x128xi32, #tpu.memory_space<hbm>>
      tpu.enqueue_dma source(%dma_start3A_61 : memref<40x128xi32, #tpu.memory_space<hbm>>) target(%arg7 : memref<40x128xi32, #tpu.memory_space<vmem>>) target_semaphore(%run_scoped3A : memref<!tpu.dma_semaphore, #tpu.memory_space<semaphore_mem>>)
      %dma_wait3A = arith.constant 0 : i32
      %dma_wait3A_62 = tpu.memref_slice %arg4[%add3A_28, %dma_wait3A] : memref<1280x128xi32, #tpu.memory_space<hbm>> -> memref<40x128xi32, #tpu.memory_space<hbm>>
      %dma_wait3A_63 = arith.constant 0 : i32
      %dma_wait3A_64 = tpu.memref_slice %arg4[%add3A_28, %dma_wait3A_63] : memref<1280x128xi32, #tpu.memory_space<hbm>> -> memref<40x128xi32, #tpu.memory_space<hbm>>
      tpu.wait_dma2 semaphore(%run_scoped3A : memref<!tpu.dma_semaphore, #tpu.memory_space<semaphore_mem>>) src(%dma_wait3A_64 : memref<40x128xi32, #tpu.memory_space<hbm>>) dst(%arg7 : memref<40x128xi32, #tpu.memory_space<vmem>>)
      tpu.yield
    }) : () -> ()
    %dma_start3A_32 = arith.constant 0 : i32
    %dma_start3A_33 = arith.constant 0 : i32
    %dma_start3A_34 = tpu.memref_slice %arg6[%dma_start3A_32, %dma_start3A_33] : memref<40x128xi32, #tpu.memory_space<vmem>> -> memref<1x128xi32, #tpu.memory_space<vmem>>
    %dma_start3A_35 = tpu.memref_squeeze %dma_start3A_34 : memref<1x128xi32, #tpu.memory_space<vmem>> -> memref<128xi32, #tpu.memory_space<vmem>>
    %dma_start3A_36 = arith.constant 0 : i32
    %dma_start3A_37 = arith.constant 0 : i32
    %dma_start3A_38 = tpu.memref_slice %arg2[%dma_start3A_36, %dma_start3A_37] : memref<20000x128xf32, #tpu.memory_space<hbm>> -> memref<20000x128xf32, #tpu.memory_space<hbm>>
    tpu.enqueue_indirect_dma source(%dma_start3A_38 : memref<20000x128xf32, #tpu.memory_space<hbm>>) target(%arg8 : memref<128x128xf32, #tpu.memory_space<vmem>>) offsets(%dma_start3A_35 : memref<128xi32, #tpu.memory_space<vmem>>) semaphore(%arg11 : memref<!tpu.dma_semaphore, #tpu.memory_space<semaphore_mem>>)
    %scan3A_39 = arith.constant 0 : i32
    %scan3A_40 = arith.constant 0 : i32
    %scan3A_41 = arith.constant 20 : i32
    %scan3A_42 = arith.addi %scan3A_40, %scan3A_41 : i32
    %scan3A_43 = arith.constant 1 : i32
    scf.for %scan3A_58 = %scan3A_40 to %scan3A_42 step %scan3A_43  : i32 {
      %mul3A_59 = arith.constant 2 : i32
      %mul3A_60 = arith.muli %mul3A_59, %scan3A_58 : i32
      %add3A_61 = arith.constant 1 : i32
      %add3A_62 = arith.addi %mul3A_60, %add3A_61 : i32
      %dma_start3A_63 = arith.constant 0 : i32
      %dma_start3A_64 = tpu.memref_slice %arg6[%add3A_62, %dma_start3A_63] : memref<40x128xi32, #tpu.memory_space<vmem>> -> memref<1x128xi32, #tpu.memory_space<vmem>>
      %dma_start3A_65 = tpu.memref_squeeze %dma_start3A_64 : memref<1x128xi32, #tpu.memory_space<vmem>> -> memref<128xi32, #tpu.memory_space<vmem>>
      %dma_start3A_66 = arith.constant 0 : i32
      %dma_start3A_67 = arith.constant 0 : i32
      %dma_start3A_68 = tpu.memref_slice %arg2[%dma_start3A_66, %dma_start3A_67] : memref<20000x128xf32, #tpu.memory_space<hbm>> -> memref<20000x128xf32, #tpu.memory_space<hbm>>
      tpu.enqueue_indirect_dma source(%dma_start3A_68 : memref<20000x128xf32, #tpu.memory_space<hbm>>) target(%arg9 : memref<128x128xf32, #tpu.memory_space<vmem>>) offsets(%dma_start3A_65 : memref<128xi32, #tpu.memory_space<vmem>>) semaphore(%arg11 : memref<!tpu.dma_semaphore, #tpu.memory_space<semaphore_mem>>)
      %dma_wait3A = arith.constant 0 : i32
      %dma_wait3A_69 = tpu.memref_slice %arg6[%mul3A_60, %dma_wait3A] : memref<40x128xi32, #tpu.memory_space<vmem>> -> memref<1x128xi32, #tpu.memory_space<vmem>>
      %dma_wait3A_70 = tpu.memref_squeeze %dma_wait3A_69 : memref<1x128xi32, #tpu.memory_space<vmem>> -> memref<128xi32, #tpu.memory_space<vmem>>
      %dma_wait3A_71 = arith.constant 0 : i32
      %dma_wait3A_72 = arith.constant 0 : i32
      %dma_wait3A_73 = tpu.memref_slice %arg2[%dma_wait3A_71, %dma_wait3A_72] : memref<20000x128xf32, #tpu.memory_space<hbm>> -> memref<20000x128xf32, #tpu.memory_space<hbm>>
      tpu.wait_indirect_dma semaphore(%arg11 : memref<!tpu.dma_semaphore, #tpu.memory_space<semaphore_mem>>) src(%dma_wait3A_73 : memref<20000x128xf32, #tpu.memory_space<hbm>>) dst(%arg8 : memref<128x128xf32, #tpu.memory_space<vmem>>)
      "tpu.region"() ({
        %run_scoped3A = tpu.sem_alloc : memref<!tpu.dma_semaphore, #tpu.memory_space<semaphore_mem>>
        %dma_start3A_88 = arith.constant 0 : i32
        %dma_start3A_89 = tpu.memref_slice %arg7[%mul3A_60, %dma_start3A_88] : memref<40x128xi32, #tpu.memory_space<vmem>> -> memref<1x128xi32, #tpu.memory_space<vmem>>
        %dma_start3A_90 = tpu.memref_squeeze %dma_start3A_89 : memref<1x128xi32, #tpu.memory_space<vmem>> -> memref<128xi32, #tpu.memory_space<vmem>>
        %dma_start3A_91 = arith.constant 0 : i32
        %dma_start3A_92 = arith.constant 0 : i32
        %dma_start3A_93 = tpu.memref_slice %arg10[%dma_start3A_91, %dma_start3A_92] : memref<10112x128xf32, #tpu.memory_space<vmem_shared>> -> memref<10112x128xf32, #tpu.memory_space<vmem_shared>>
        tpu.enqueue_indirect_dma source(%arg8 : memref<128x128xf32, #tpu.memory_space<vmem>>) target(%dma_start3A_93 : memref<10112x128xf32, #tpu.memory_space<vmem_shared>>) offsets(%dma_start3A_90 : memref<128xi32, #tpu.memory_space<vmem>>) semaphore(%run_scoped3A : memref<!tpu.dma_semaphore, #tpu.memory_space<semaphore_mem>>) {add = true}
        %dma_wait3A_94 = arith.constant 0 : i32
        %dma_wait3A_95 = tpu.memref_slice %arg7[%mul3A_60, %dma_wait3A_94] : memref<40x128xi32, #tpu.memory_space<vmem>> -> memref<1x128xi32, #tpu.memory_space<vmem>>
        %dma_wait3A_96 = tpu.memref_squeeze %dma_wait3A_95 : memref<1x128xi32, #tpu.memory_space<vmem>> -> memref<128xi32, #tpu.memory_space<vmem>>
        %dma_wait3A_97 = arith.constant 0 : i32
        %dma_wait3A_98 = arith.constant 0 : i32
        %dma_wait3A_99 = tpu.memref_slice %arg10[%dma_wait3A_97, %dma_wait3A_98] : memref<10112x128xf32, #tpu.memory_space<vmem_shared>> -> memref<10112x128xf32, #tpu.memory_space<vmem_shared>>
        tpu.wait_indirect_dma semaphore(%run_scoped3A : memref<!tpu.dma_semaphore, #tpu.memory_space<semaphore_mem>>) src(%arg8 : memref<128x128xf32, #tpu.memory_space<vmem>>) dst(%dma_wait3A_99 : memref<10112x128xf32, #tpu.memory_space<vmem_shared>>)
        tpu.yield
      }) : () -> ()
      %lt3A = arith.constant 19 : i32
      %lt3A_74 = arith.cmpi slt, %scan3A_58, %lt3A : i32
      %convert_element_type3A_75 = arith.extui %lt3A_74 : i1 to i32
      %cond3A_76 = arith.constant 0 : i32
      %cond3A_77 = arith.cmpi ne, %convert_element_type3A_75, %cond3A_76 : i32
      scf.if %cond3A_77 {
        %add3A_88 = arith.constant 2 : i32
        %add3A_89 = arith.addi %mul3A_60, %add3A_88 : i32
        %dma_start3A_90 = arith.constant 0 : i32
        %dma_start3A_91 = tpu.memref_slice %arg6[%add3A_89, %dma_start3A_90] : memref<40x128xi32, #tpu.memory_space<vmem>> -> memref<1x128xi32, #tpu.memory_space<vmem>>
        %dma_start3A_92 = tpu.memref_squeeze %dma_start3A_91 : memref<1x128xi32, #tpu.memory_space<vmem>> -> memref<128xi32, #tpu.memory_space<vmem>>
        %dma_start3A_93 = arith.constant 0 : i32
        %dma_start3A_94 = arith.constant 0 : i32
        %dma_start3A_95 = tpu.memref_slice %arg2[%dma_start3A_93, %dma_start3A_94] : memref<20000x128xf32, #tpu.memory_space<hbm>> -> memref<20000x128xf32, #tpu.memory_space<hbm>>
        tpu.enqueue_indirect_dma source(%dma_start3A_95 : memref<20000x128xf32, #tpu.memory_space<hbm>>) target(%arg8 : memref<128x128xf32, #tpu.memory_space<vmem>>) offsets(%dma_start3A_92 : memref<128xi32, #tpu.memory_space<vmem>>) semaphore(%arg11 : memref<!tpu.dma_semaphore, #tpu.memory_space<semaphore_mem>>)
      } else {
      }
      %add3A_78 = arith.constant 1 : i32
      %add3A_79 = arith.addi %mul3A_60, %add3A_78 : i32
      %dma_wait3A_80 = arith.constant 0 : i32
      %dma_wait3A_81 = tpu.memref_slice %arg6[%add3A_79, %dma_wait3A_80] : memref<40x128xi32, #tpu.memory_space<vmem>> -> memref<1x128xi32, #tpu.memory_space<vmem>>
      %dma_wait3A_82 = tpu.memref_squeeze %dma_wait3A_81 : memref<1x128xi32, #tpu.memory_space<vmem>> -> memref<128xi32, #tpu.memory_space<vmem>>
      %dma_wait3A_83 = arith.constant 0 : i32
      %dma_wait3A_84 = arith.constant 0 : i32
      %dma_wait3A_85 = tpu.memref_slice %arg2[%dma_wait3A_83, %dma_wait3A_84] : memref<20000x128xf32, #tpu.memory_space<hbm>> -> memref<20000x128xf32, #tpu.memory_space<hbm>>
      tpu.wait_indirect_dma semaphore(%arg11 : memref<!tpu.dma_semaphore, #tpu.memory_space<semaphore_mem>>) src(%dma_wait3A_85 : memref<20000x128xf32, #tpu.memory_space<hbm>>) dst(%arg9 : memref<128x128xf32, #tpu.memory_space<vmem>>)
      %add3A_86 = arith.constant 1 : i32
      %add3A_87 = arith.addi %mul3A_60, %add3A_86 : i32
      "tpu.region"() ({
        %run_scoped3A = tpu.sem_alloc : memref<!tpu.dma_semaphore, #tpu.memory_space<semaphore_mem>>
        %dma_start3A_88 = arith.constant 0 : i32
        %dma_start3A_89 = tpu.memref_slice %arg7[%add3A_87, %dma_start3A_88] : memref<40x128xi32, #tpu.memory_space<vmem>> -> memref<1x128xi32, #tpu.memory_space<vmem>>
        %dma_start3A_90 = tpu.memref_squeeze %dma_start3A_89 : memref<1x128xi32, #tpu.memory_space<vmem>> -> memref<128xi32, #tpu.memory_space<vmem>>
        %dma_start3A_91 = arith.constant 0 : i32
        %dma_start3A_92 = arith.constant 0 : i32
        %dma_start3A_93 = tpu.memref_slice %arg10[%dma_start3A_91, %dma_start3A_92] : memref<10112x128xf32, #tpu.memory_space<vmem_shared>> -> memref<10112x128xf32, #tpu.memory_space<vmem_shared>>
        tpu.enqueue_indirect_dma source(%arg9 : memref<128x128xf32, #tpu.memory_space<vmem>>) target(%dma_start3A_93 : memref<10112x128xf32, #tpu.memory_space<vmem_shared>>) offsets(%dma_start3A_90 : memref<128xi32, #tpu.memory_space<vmem>>) semaphore(%run_scoped3A : memref<!tpu.dma_semaphore, #tpu.memory_space<semaphore_mem>>) {add = true}
        %dma_wait3A_94 = arith.constant 0 : i32
        %dma_wait3A_95 = tpu.memref_slice %arg7[%add3A_87, %dma_wait3A_94] : memref<40x128xi32, #tpu.memory_space<vmem>> -> memref<1x128xi32, #tpu.memory_space<vmem>>
        %dma_wait3A_96 = tpu.memref_squeeze %dma_wait3A_95 : memref<1x128xi32, #tpu.memory_space<vmem>> -> memref<128xi32, #tpu.memory_space<vmem>>
        %dma_wait3A_97 = arith.constant 0 : i32
        %dma_wait3A_98 = arith.constant 0 : i32
        %dma_wait3A_99 = tpu.memref_slice %arg10[%dma_wait3A_97, %dma_wait3A_98] : memref<10112x128xf32, #tpu.memory_space<vmem_shared>> -> memref<10112x128xf32, #tpu.memory_space<vmem_shared>>
        tpu.wait_indirect_dma semaphore(%run_scoped3A : memref<!tpu.dma_semaphore, #tpu.memory_space<semaphore_mem>>) src(%arg9 : memref<128x128xf32, #tpu.memory_space<vmem>>) dst(%dma_wait3A_99 : memref<10112x128xf32, #tpu.memory_space<vmem_shared>>)
        tpu.yield
      }) : () -> ()
    }
    %scan3A_44 = arith.constant 20 : i32
    %barrier3A_45 = arith.constant 0 : index
    tpu.barrier barrier_id(%barrier3A_45)
    %mul3A_46 = arith.constant 624 : i32
    %mul3A_47 = arith.muli %arg1, %mul3A_46 : i32
    %mul3A_48 = arith.constant 10000 : i32
    %mul3A_49 = arith.muli %arg0, %mul3A_48 : i32
    %mul3A_50 = arith.constant 624 : i32
    %mul3A_51 = arith.muli %arg1, %mul3A_50 : i32
    %add3A_52 = arith.addi %mul3A_49, %mul3A_51 : i32
    "tpu.region"() ({
      %run_scoped3A = tpu.sem_alloc : memref<!tpu.dma_semaphore, #tpu.memory_space<semaphore_mem>>
      %dma_start3A_58 = arith.constant 0 : i32
      %dma_start3A_59 = tpu.memref_slice %arg5[%add3A_52, %dma_start3A_58] : memref<20000x128xf32, #tpu.memory_space<hbm>> -> memref<624x128xf32, #tpu.memory_space<hbm>>
      %dma_start3A_60 = arith.constant 0 : i32
      %dma_start3A_61 = tpu.memref_slice %arg10[%mul3A_47, %dma_start3A_60] : memref<10112x128xf32, #tpu.memory_space<vmem_shared>> -> memref<624x128xf32, #tpu.memory_space<vmem_shared>>
      tpu.enqueue_dma source(%dma_start3A_61 : memref<624x128xf32, #tpu.memory_space<vmem_shared>>) target(%dma_start3A_59 : memref<624x128xf32, #tpu.memory_space<hbm>>) target_semaphore(%run_scoped3A : memref<!tpu.dma_semaphore, #tpu.memory_space<semaphore_mem>>)
      %dma_wait3A = arith.constant 0 : i32
      %dma_wait3A_62 = tpu.memref_slice %arg5[%add3A_52, %dma_wait3A] : memref<20000x128xf32, #tpu.memory_space<hbm>> -> memref<624x128xf32, #tpu.memory_space<hbm>>
      %dma_wait3A_63 = arith.constant 0 : i32
      %dma_wait3A_64 = tpu.memref_slice %arg10[%mul3A_47, %dma_wait3A_63] : memref<10112x128xf32, #tpu.memory_space<vmem_shared>> -> memref<624x128xf32, #tpu.memory_space<vmem_shared>>
      tpu.wait_dma2 semaphore(%run_scoped3A : memref<!tpu.dma_semaphore, #tpu.memory_space<semaphore_mem>>) src(%dma_wait3A_64 : memref<624x128xf32, #tpu.memory_space<vmem_shared>>) dst(%dma_wait3A_62 : memref<624x128xf32, #tpu.memory_space<hbm>>)
      tpu.yield
    }) : () -> ()
    %eq3A_53 = arith.constant 0 : i32
    %eq3A_54 = arith.cmpi eq, %arg1, %eq3A_53 : i32
    %convert_element_type3A_55 = arith.extui %eq3A_54 : i1 to i32
    %cond3A_56 = arith.constant 0 : i32
    %cond3A_57 = arith.cmpi ne, %convert_element_type3A_55, %cond3A_56 : i32
    scf.if %cond3A_57 {
      %mul3A_58 = arith.constant 10000 : i32
      %mul3A_59 = arith.muli %arg0, %mul3A_58 : i32
      %add3A_60 = arith.constant 9984 : i32
      %add3A_61 = arith.addi %mul3A_59, %add3A_60 : i32
      "tpu.region"() ({
        %run_scoped3A = tpu.sem_alloc : memref<!tpu.dma_semaphore, #tpu.memory_space<semaphore_mem>>
        %dma_start3A_62 = arith.constant 0 : i32
        %dma_start3A_63 = tpu.memref_slice %arg5[%add3A_61, %dma_start3A_62] : memref<20000x128xf32, #tpu.memory_space<hbm>> -> memref<16x128xf32, #tpu.memory_space<hbm>>
        %dma_start3A_64 = arith.constant 9984 : i32
        %dma_start3A_65 = arith.constant 0 : i32
        %dma_start3A_66 = tpu.memref_slice %arg10[%dma_start3A_64, %dma_start3A_65] : memref<10112x128xf32, #tpu.memory_space<vmem_shared>> -> memref<16x128xf32, #tpu.memory_space<vmem_shared>>
        tpu.enqueue_dma source(%dma_start3A_66 : memref<16x128xf32, #tpu.memory_space<vmem_shared>>) target(%dma_start3A_63 : memref<16x128xf32, #tpu.memory_space<hbm>>) target_semaphore(%run_scoped3A : memref<!tpu.dma_semaphore, #tpu.memory_space<semaphore_mem>>)
        %dma_wait3A = arith.constant 0 : i32
        %dma_wait3A_67 = tpu.memref_slice %arg5[%add3A_61, %dma_wait3A] : memref<20000x128xf32, #tpu.memory_space<hbm>> -> memref<16x128xf32, #tpu.memory_space<hbm>>
        %dma_wait3A_68 = arith.constant 9984 : i32
        %dma_wait3A_69 = arith.constant 0 : i32
        %dma_wait3A_70 = tpu.memref_slice %arg10[%dma_wait3A_68, %dma_wait3A_69] : memref<10112x128xf32, #tpu.memory_space<vmem_shared>> -> memref<16x128xf32, #tpu.memory_space<vmem_shared>>
        tpu.wait_dma2 semaphore(%run_scoped3A : memref<!tpu.dma_semaphore, #tpu.memory_space<semaphore_mem>>) src(%dma_wait3A_70 : memref<16x128xf32, #tpu.memory_space<vmem_shared>>) dst(%dma_wait3A_67 : memref<16x128xf32, #tpu.memory_space<hbm>>)
        tpu.yield
      }) : () -> ()
    } else {
    }
    return
  }
}

module attributes {stable_mosaic.version = 14 : i64} {
  func.func @_tc0_body(%arg0: i32, %arg1: i32, %arg2: memref<1000x256xf32, #tpu.memory_space<vmem>>, %arg3: memref<256x128xf32, #tpu.memory_space<vmem>>, %arg4: memref<1000x8xf32, #tpu.memory_space<vmem>>, %arg5: memref<1000x128xf32, #tpu.memory_space<vmem>>, %arg6: memref<1000x8xf32, #tpu.memory_space<vmem>>) attributes {dimension_semantics = [#tpu.dimension_semantics<arbitrary>, #tpu.dimension_semantics<arbitrary>], iteration_bounds = array<i64: 10, 2>, scalar_prefetch = 0 : i64, scratch_operands = 0 : i64, tpu.core_type = #tpu.core_type<tc>, window_params = [{transform_indices = @transform_0, window_bounds = array<i64: 1000, 256>}, {transform_indices = @transform_1, window_bounds = array<i64: 256, 128>}, {transform_indices = @transform_2, window_bounds = array<i64: 1000, 8>}, {transform_indices = @transform_3, window_bounds = array<i64: 1000, 128>}, {transform_indices = @transform_4, window_bounds = array<i64: 1000, 8>}]} {
    %get3A = arith.constant 0 : index
    %get3A_0 = arith.constant 0 : index
    %get3A_1 = vector.load %arg4[%get3A, %get3A_0] : memref<1000x8xf32, #tpu.memory_space<vmem>>, vector<1000x1xf32>
    %add3A = arith.constant 1.000000e+00 : f32
    %add3A_2 = vector.broadcast %add3A : f32 to vector<1000x1xf32>
    %add3A_3 = arith.addf %get3A_1, %add3A_2 : vector<1000x1xf32>
    %rsqrt3A = math.rsqrt %add3A_3 : vector<1000x1xf32>
    %get3A_4 = arith.constant 0 : index
    %get3A_5 = arith.constant 0 : index
    %get3A_6 = vector.load %arg2[%get3A_4, %get3A_5] : memref<1000x256xf32, #tpu.memory_space<vmem>>, vector<1000x256xf32>
    %get3A_7 = arith.constant 0 : index
    %get3A_8 = arith.constant 0 : index
    %get3A_9 = vector.load %arg3[%get3A_7, %get3A_8] : memref<256x128xf32, #tpu.memory_space<vmem>>, vector<256x128xf32>
    %dot_general3A = arith.constant dense<0.000000e+00> : vector<1000x128xf32>
    %dot_general3A_10 = tpu.matmul %get3A_6, %get3A_9, %dot_general3A {dimension_numbers = #tpu.dot_dimension_numbers<[1], [0], [0], [1], [0, 0, 1, 1], [], []>, transpose_lhs_hint = false} : vector<1000x256xf32>, vector<256x128xf32>, vector<1000x128xf32> -> vector<1000x128xf32>
    %mul3A = vector.broadcast %rsqrt3A : vector<1000x1xf32> to vector<1000x128xf32>
    %mul3A_11 = arith.mulf %mul3A, %dot_general3A_10 : vector<1000x128xf32>
    %swap3A = arith.constant 0 : index
    %swap3A_12 = arith.constant 0 : index
    %swap3A_13 = vector.load %arg5[%swap3A, %swap3A_12] : memref<1000x128xf32, #tpu.memory_space<vmem>>, vector<1000x128xf32>
    tpu.vector_store %arg5[%swap3A, %swap3A_12], %mul3A_11 {strides = array<i32>} : memref<1000x128xf32, #tpu.memory_space<vmem>>, vector<1000x128xf32>,
    %broadcast_in_dim3A = vector.shape_cast %rsqrt3A : vector<1000x1xf32> to vector<1000x1xf32>
    %broadcast_in_dim3A_14 = vector.broadcast %broadcast_in_dim3A : vector<1000x1xf32> to vector<1000x8xf32>
    %swap3A_15 = arith.constant 0 : index
    %swap3A_16 = arith.constant 0 : index
    %swap3A_17 = vector.load %arg6[%swap3A_15, %swap3A_16] : memref<1000x8xf32, #tpu.memory_space<vmem>>, vector<1000x8xf32>
    tpu.vector_store %arg6[%swap3A_15, %swap3A_16], %broadcast_in_dim3A_14 {strides = array<i32>} : memref<1000x8xf32, #tpu.memory_space<vmem>>, vector<1000x8xf32>,
    return
  }
  func.func @transform_0(%arg0: i32, %arg1: i32) -> (i32, i32) {
    %c0_i32 = arith.constant 0 : i32
    %c0_i32_0 = arith.constant 0 : i32
    return %arg0, %c0_i32 : i32, i32
  }
  func.func @transform_1(%arg0: i32, %arg1: i32) -> (i32, i32) {
    %c0_i32 = arith.constant 0 : i32
    %c0_i32_0 = arith.constant 0 : i32
    return %c0_i32, %arg1 : i32, i32
  }
  func.func @transform_2(%arg0: i32, %arg1: i32) -> (i32, i32) {
    %c0_i32 = arith.constant 0 : i32
    %c0_i32_0 = arith.constant 0 : i32
    return %arg0, %c0_i32 : i32, i32
  }
  func.func @transform_3(%arg0: i32, %arg1: i32) -> (i32, i32) {
    %mul3A = arith.constant 10 : i32
    %mul3A_0 = arith.muli %arg1, %mul3A : i32
    %add3A = arith.addi %mul3A_0, %arg0 : i32
    %c0_i32 = arith.constant 0 : i32
    %c0_i32_1 = arith.constant 0 : i32
    return %add3A, %c0_i32 : i32, i32
  }
  func.func @transform_4(%arg0: i32, %arg1: i32) -> (i32, i32) {
    %c0_i32 = arith.constant 0 : i32
    %c0_i32_0 = arith.constant 0 : i32
    return %arg0, %c0_i32 : i32, i32
  }
}

module attributes {stable_mosaic.version = 14 : i64} {
  func.func @_tc_layer_body(%arg0: i32, %arg1: i32, %arg2: memref<1000x128xf32, #tpu.memory_space<vmem>>, %arg3: memref<1000x128xf32, #tpu.memory_space<vmem>>, %arg4: memref<1000x8xf32, #tpu.memory_space<vmem>>, %arg5: memref<1x256xf32, #tpu.memory_space<vmem>>, %arg6: memref<256x128xf32, #tpu.memory_space<vmem>>, %arg7: memref<1000x128xf32, #tpu.memory_space<vmem>>) attributes {dimension_semantics = [#tpu.dimension_semantics<arbitrary>, #tpu.dimension_semantics<arbitrary>], iteration_bounds = array<i64: 10, 2>, scalar_prefetch = 0 : i64, scratch_operands = 0 : i64, tpu.core_type = #tpu.core_type<tc>, window_params = [{transform_indices = @transform_0, window_bounds = array<i64: 1000, 128>}, {transform_indices = @transform_1, window_bounds = array<i64: 1000, 128>}, {transform_indices = @transform_2, window_bounds = array<i64: 1000, 8>}, {pipeline_mode = #tpu.pipeline_mode<synchronous>, transform_indices = @transform_3, window_bounds = array<i64: 1, 256>}, {transform_indices = @transform_4, window_bounds = array<i64: 256, 128>}, {transform_indices = @transform_5, window_bounds = array<i64: 1000, 128>}]} {
    %get3A = arith.constant 0 : index
    %get3A_0 = arith.constant 0 : index
    %get3A_1 = vector.load %arg4[%get3A, %get3A_0] : memref<1000x8xf32, #tpu.memory_space<vmem>>, vector<1000x1xf32>
    %get3A_2 = arith.constant 0 : index
    %get3A_3 = arith.constant 0 : index
    %get3A_4 = vector.load %arg2[%get3A_2, %get3A_3] : memref<1000x128xf32, #tpu.memory_space<vmem>>, vector<1000x128xf32>
    %get3A_5 = arith.constant 0 : index
    %get3A_6 = arith.constant 0 : index
    %get3A_7 = vector.load %arg3[%get3A_5, %get3A_6] : memref<1000x128xf32, #tpu.memory_space<vmem>>, vector<1000x128xf32>
    %concatenate3A = tpu.concatenate %get3A_4, %get3A_7 in 1 : vector<1000x128xf32>, vector<1000x128xf32> -> vector<1000x256xf32>
    %mul3A = vector.broadcast %get3A_1 : vector<1000x1xf32> to vector<1000x256xf32>
    %mul3A_8 = arith.mulf %mul3A, %concatenate3A : vector<1000x256xf32>
    %get3A_9 = arith.constant 0 : index
    %get3A_10 = arith.constant 0 : index
    %get3A_11 = vector.load %arg5[%get3A_9, %get3A_10] : memref<1x256xf32, #tpu.memory_space<vmem>>, vector<1x256xf32>
    %add3A = vector.broadcast %get3A_11 : vector<1x256xf32> to vector<1000x256xf32>
    %add3A_12 = arith.addf %mul3A_8, %add3A : vector<1000x256xf32>
    %max3A = arith.constant 0.000000e+00 : f32
    %max3A_13 = vector.broadcast %max3A : f32 to vector<1000x256xf32>
    %max3A_14 = arith.maximumf %add3A_12, %max3A_13 : vector<1000x256xf32>
    %get3A_15 = arith.constant 0 : index
    %get3A_16 = arith.constant 0 : index
    %get3A_17 = vector.load %arg6[%get3A_15, %get3A_16] : memref<256x128xf32, #tpu.memory_space<vmem>>, vector<256x128xf32>
    %dot_general3A = arith.constant dense<0.000000e+00> : vector<1000x128xf32>
    %dot_general3A_18 = tpu.matmul %max3A_14, %get3A_17, %dot_general3A {dimension_numbers = #tpu.dot_dimension_numbers<[1], [0], [0], [1], [0, 0, 1, 1], [], []>, transpose_lhs_hint = false} : vector<1000x256xf32>, vector<256x128xf32>, vector<1000x128xf32> -> vector<1000x128xf32>
    %mul3A_19 = vector.broadcast %get3A_1 : vector<1000x1xf32> to vector<1000x128xf32>
    %mul3A_20 = arith.mulf %mul3A_19, %dot_general3A_18 : vector<1000x128xf32>
    %swap3A = arith.constant 0 : index
    %swap3A_21 = arith.constant 0 : index
    %swap3A_22 = vector.load %arg7[%swap3A, %swap3A_21] : memref<1000x128xf32, #tpu.memory_space<vmem>>, vector<1000x128xf32>
    tpu.vector_store %arg7[%swap3A, %swap3A_21], %mul3A_20 {strides = array<i32>} : memref<1000x128xf32, #tpu.memory_space<vmem>>, vector<1000x128xf32>,
    return
  }
  func.func @transform_0(%arg0: i32, %arg1: i32) -> (i32, i32) {
    %c0_i32 = arith.constant 0 : i32
    %c0_i32_0 = arith.constant 0 : i32
    return %arg0, %c0_i32 : i32, i32
  }
  func.func @transform_1(%arg0: i32, %arg1: i32) -> (i32, i32) {
    %add3A = arith.constant 10 : i32
    %add3A_0 = arith.addi %add3A, %arg0 : i32
    %c0_i32 = arith.constant 0 : i32
    %c0_i32_1 = arith.constant 0 : i32
    return %add3A_0, %c0_i32 : i32, i32
  }
  func.func @transform_2(%arg0: i32, %arg1: i32) -> (i32, i32) {
    %c0_i32 = arith.constant 0 : i32
    %c0_i32_0 = arith.constant 0 : i32
    return %arg0, %c0_i32 : i32, i32
  }
  func.func @transform_3(%arg0: i32, %arg1: i32) -> (i32, i32) {
    %c0_i32 = arith.constant 0 : i32
    %c0_i32_0 = arith.constant 0 : i32
    %c0_i32_1 = arith.constant 0 : i32
    return %c0_i32, %c0_i32_0 : i32, i32
  }
  func.func @transform_4(%arg0: i32, %arg1: i32) -> (i32, i32) {
    %c0_i32 = arith.constant 0 : i32
    %c0_i32_0 = arith.constant 0 : i32
    return %c0_i32, %arg1 : i32, i32
  }
  func.func @transform_5(%arg0: i32, %arg1: i32) -> (i32, i32) {
    %mul3A = arith.constant 10 : i32
    %mul3A_0 = arith.muli %arg1, %mul3A : i32
    %add3A = arith.addi %mul3A_0, %arg0 : i32
    %c0_i32 = arith.constant 0 : i32
    %c0_i32_1 = arith.constant 0 : i32
    return %add3A, %c0_i32 : i32, i32
  }
}

module attributes {stable_mosaic.version = 14 : i64} {
  func.func @_tc_final_body(%arg0: i32, %arg1: memref<1000x128xf32, #tpu.memory_space<vmem>>, %arg2: memref<1000x128xf32, #tpu.memory_space<vmem>>, %arg3: memref<1000x8xf32, #tpu.memory_space<vmem>>, %arg4: memref<1x256xf32, #tpu.memory_space<vmem>>, %arg5: memref<1000x256xf32, #tpu.memory_space<vmem>>) attributes {dimension_semantics = [#tpu.dimension_semantics<arbitrary>], iteration_bounds = array<i64: 10>, scalar_prefetch = 0 : i64, scratch_operands = 0 : i64, tpu.core_type = #tpu.core_type<tc>, window_params = [{transform_indices = @transform_0, window_bounds = array<i64: 1000, 128>}, {transform_indices = @transform_1, window_bounds = array<i64: 1000, 128>}, {transform_indices = @transform_2, window_bounds = array<i64: 1000, 8>}, {pipeline_mode = #tpu.pipeline_mode<synchronous>, transform_indices = @transform_3, window_bounds = array<i64: 1, 256>}, {transform_indices = @transform_4, window_bounds = array<i64: 1000, 256>}]} {
    %get3A = arith.constant 0 : index
    %get3A_0 = arith.constant 0 : index
    %get3A_1 = vector.load %arg3[%get3A, %get3A_0] : memref<1000x8xf32, #tpu.memory_space<vmem>>, vector<1000x1xf32>
    %get3A_2 = arith.constant 0 : index
    %get3A_3 = arith.constant 0 : index
    %get3A_4 = vector.load %arg1[%get3A_2, %get3A_3] : memref<1000x128xf32, #tpu.memory_space<vmem>>, vector<1000x128xf32>
    %get3A_5 = arith.constant 0 : index
    %get3A_6 = arith.constant 0 : index
    %get3A_7 = vector.load %arg2[%get3A_5, %get3A_6] : memref<1000x128xf32, #tpu.memory_space<vmem>>, vector<1000x128xf32>
    %concatenate3A = tpu.concatenate %get3A_4, %get3A_7 in 1 : vector<1000x128xf32>, vector<1000x128xf32> -> vector<1000x256xf32>
    %mul3A = vector.broadcast %get3A_1 : vector<1000x1xf32> to vector<1000x256xf32>
    %mul3A_8 = arith.mulf %mul3A, %concatenate3A : vector<1000x256xf32>
    %get3A_9 = arith.constant 0 : index
    %get3A_10 = arith.constant 0 : index
    %get3A_11 = vector.load %arg4[%get3A_9, %get3A_10] : memref<1x256xf32, #tpu.memory_space<vmem>>, vector<1x256xf32>
    %add3A = vector.broadcast %get3A_11 : vector<1x256xf32> to vector<1000x256xf32>
    %add3A_12 = arith.addf %mul3A_8, %add3A : vector<1000x256xf32>
    %reduce_max3A = arith.constant dense<0xFF800000> : vector<1000xf32>
    %reduce_max3A_13 = vector.multi_reduction <maximumf>, %add3A_12, %reduce_max3A [1] : vector<1000x256xf32> to vector<1000xf32>
    %broadcast_in_dim3A = vector.shape_cast %reduce_max3A_13 : vector<1000xf32> to vector<1000x1xf32>
    %sub3A = vector.broadcast %broadcast_in_dim3A : vector<1000x1xf32> to vector<1000x256xf32>
    %sub3A_14 = arith.subf %add3A_12, %sub3A : vector<1000x256xf32>
    %exp3A = math.exp %sub3A_14 : vector<1000x256xf32>
    %reduce_sum3A = arith.constant dense<0.000000e+00> : vector<1000xf32>
    %reduce_sum3A_15 = vector.multi_reduction <add>, %exp3A, %reduce_sum3A [1] : vector<1000x256xf32> to vector<1000xf32>
    %broadcast_in_dim3A_16 = vector.shape_cast %reduce_sum3A_15 : vector<1000xf32> to vector<1000x1xf32>
    %log3A = math.log %broadcast_in_dim3A_16 : vector<1000x1xf32>
    %sub3A_17 = vector.broadcast %log3A : vector<1000x1xf32> to vector<1000x256xf32>
    %sub3A_18 = arith.subf %sub3A_14, %sub3A_17 : vector<1000x256xf32>
    %swap3A = arith.constant 0 : index
    %swap3A_19 = arith.constant 0 : index
    %swap3A_20 = vector.load %arg5[%swap3A, %swap3A_19] : memref<1000x256xf32, #tpu.memory_space<vmem>>, vector<1000x256xf32>
    tpu.vector_store %arg5[%swap3A, %swap3A_19], %sub3A_18 {strides = array<i32>} : memref<1000x256xf32, #tpu.memory_space<vmem>>, vector<1000x256xf32>,
    return
  }
  func.func @transform_0(%arg0: i32) -> (i32, i32) {
    %c0_i32 = arith.constant 0 : i32
    %c0_i32_0 = arith.constant 0 : i32
    return %arg0, %c0_i32 : i32, i32
  }
  func.func @transform_1(%arg0: i32) -> (i32, i32) {
    %add3A = arith.constant 10 : i32
    %add3A_0 = arith.addi %add3A, %arg0 : i32
    %c0_i32 = arith.constant 0 : i32
    %c0_i32_1 = arith.constant 0 : i32
    return %add3A_0, %c0_i32 : i32, i32
  }
  func.func @transform_2(%arg0: i32) -> (i32, i32) {
    %c0_i32 = arith.constant 0 : i32
    %c0_i32_0 = arith.constant 0 : i32
    return %arg0, %c0_i32 : i32, i32
  }
  func.func @transform_3(%arg0: i32) -> (i32, i32) {
    %c0_i32 = arith.constant 0 : i32
    %c0_i32_0 = arith.constant 0 : i32
    %c0_i32_1 = arith.constant 0 : i32
    return %c0_i32, %c0_i32_0 : i32, i32
  }
  func.func @transform_4(%arg0: i32) -> (i32, i32) {
    %c0_i32 = arith.constant 0 : i32
    %c0_i32_0 = arith.constant 0 : i32
    return %arg0, %c0_i32 : i32, i32
  }
}

</mosaic_0001>

<sc_bundles>
// kernel: kernel.10.cloned.1.call-start
scs
__scs_entry_jumppad:
0x0: {  	(pc) =	sbr.rel $0x88, $3  }
0x1: {  	(tag) =	ssettag $0x0;
	lr =	simm.s32 $0x1  }
0x2: {  	[smem:$0x3F99] =	sst lr;
	_ =	strace $0xD0000000  }
0x3: {  	_ = 	snop  }
0x4: {  	_ = 	snop  }
0x5: {  	_ = 	snop  }
0x6: {  	_ = 	snop  }
0x7: {  	_ = 	snop  }
__scs_overlays_trampoline_lowered:
0x8: {  	[smem:$0x3FA8] =	sst s0  }
0x9: {  	[smem:$0x3FA9] =	sst s1  }
0xa: {  	[smem:$0x3FAA] =	sst s2  }
0xb: {  	[smem:$0x3FAB] =	sst s3  }
0xc: {  	[smem:$0x3FAC] =	sst s4  }
0xd: {  	[smem:$0x3FAD] =	sst s5  }
0xe: {  	[smem:$0x3FAE] =	sst s6  }
0xf: {  	[smem:$0x3FAF] =	sst s7  }
0x10: {  	[smem:$0x3FB0] =	sst s8  }
0x11: {  	[smem:$0x3FB1] =	sst s9;
	s0 =	simm.s32 @!p0 $0x0  }
0x12: {  	s1 =	sld [smem:$0x3F97];
	s0 =	simm.s32 @p0 $0x1  }
0x13: {  	[smem:$0x3FB2] =	sst s0;
	s0 =	simm.s32 @!p1 $0x0  }
0x14: {  	s2 =	sld [smem:$0x3F96];
	s0 =	simm.s32 @p1 $0x1  }
0x15: {  	[smem:$0x3FB3] =	sst s0;
	s0 =	simm.s32 @!p2 $0x0  }
0x16: {  	s3 =	sld [smem:$0x3FDB];
	s0 =	simm.s32 @p2 $0x1  }
0x17: {  	s4 =	simm.s32 $0x1BF5;
	[smem:$0x3FB5] =	sst s0  }
0x18: {  	s0 =	sld [smem:$0x3F98];
	_ =	swait.ge [sflag:s4], $0x0  }
0x19: {  	s7 =	sld [smem:$0x3F99]  }
0x1a: {  	s8 =	sadd.s32 $0xFFFFE003, lr  }
0x1b: {  	s9 =	sadd.s32 $0xFFFFFEF7, lr;
	s5 =	simm.s32 $0xFFFFFFFF;
	p2 =	slt.u32 s8, $0xFFFFF086  }
0x1c: {  	p1 =	slt.u32 s9, $0xF7A;
	s5 =	simm.s32 @!p2 $0x0  }
0x1d: {  	s5 =	simm.s32 @p1 $0x1;
	p0 =	seq.s32 s7, s2  }
0x1e: {  	s7 =	smul.u32 @!p0 $0xF7A, s2;
	p2 =	seq.s32 @!p0 s5, $0x0  }
0x1f: {  	s9 =	smul.u32 $0xF7A, s1;
	s8 =	simm.s32 @!p0 $0x1BF5;
	p2 =	por !p2, p0  }
0x20: {  	[sflag:s8] =	ssyncset.s32 @!p0 $0xFFFFF086;
	s6 =	sadd.s32 @!p0 s3, s7;
	s7 =	simm.s32 @!p0 $0x108  }
0x21: {  	s3 =	sadd.s32 s3, s9;
	s6 =	sadd.s32 @!p0 $0x88, s6;
	s7 =	simm.s32 @p2 $0x1082  }
0x22: {  	[simem:s7], [sflag:s8] =	dma.local @!p0 [hbm:s6], $0xF7A  }
0x23: {  	s9 =	sor.u32 $0xD0000000, s2;
	s6 =	simm.s32 $0x108;
	_ =	swait.ge @!p0 [sflag:s8], $0x0  }
0x24: {  	s3 =	sadd.s32 $0x88, s3;
	s6 =	simm.s32 @!p1 $0x1082;
	[sflag:s4] =	ssyncset.s32 $0xFFFFF086  }
0x25: {  	[simem:s6], [sflag:s4] =	dma.local [hbm:s3], $0xF7A  }
0x26: {  	[smem:$0x3F99] =	sst s1;
	(tag) =	ssettag s2;
	_ =	strace s9  }
0x27: {  	s1 =	sld [smem:$0x3FA9]  }
0x28: {  	s2 =	sld [smem:$0x3FAA]  }
0x29: {  	s4 =	sld [smem:$0x3FAC]  }
0x2a: {  	p0 =	seq.s32 s5, $0x0;
	s5 =	sld [smem:$0x3FAD]  }
0x2b: {  	s6 =	sld [smem:$0x3FAE]  }
0x2c: {  	s7 =	sld [smem:$0x3FAF]  }
0x2d: {  	s3 =	simm.s32 $0x108;
	s8 =	sld [smem:$0x3FB0]  }
0x2e: {  	s3 =	simm.s32 @!p0 $0x1082;
	s9 =	sld [smem:$0x3FB1]  }
0x2f: {  	lr =	sadd.s32 s0, s3;
	s0 =	sld [smem:$0x3FA8]  }
0x30: {  	s3 =	sld [smem:$0x3FAB]  }
0x31: {  	[smem:$0x3FB4] =	sst s10  }
0x32: {  	s10 =	sld [smem:$0x3FB2];
	_ =	sdelay $0x3  }
0x33: {  	p0 =	seq.s32 s10, $0x1;
	s10 =	sld [smem:$0x3FB4];
	_ =	sdelay $0x3  }
0x34: {  	[smem:$0x3FB4] =	sst s10  }
0x35: {  	s10 =	sld [smem:$0x3FB3];
	_ =	sdelay $0x3  }
0x36: {  	p1 =	seq.s32 s10, $0x1;
	s10 =	sld [smem:$0x3FB4];
	_ =	sdelay $0x3  }
0x37: {  	[smem:$0x3FB4] =	sst s10  }
0x38: {  	s10 =	sld [smem:$0x3FB5]  }
0x39: {  	_ = 	snop;
	(pc) =	sbr.ind lr, $3  }
0x3a: {  	_ = 	snop  }
0x3b: {  	_ = 	snop  }
0x3c: {  	p2 =	seq.s32 s10, $0x1;
	s10 =	sld [smem:$0x3FB4]  }
0x3d: {  	_ =	shalt  }
0x3e: {  	_ =	shalt  }
0x3f: {  	_ =	shalt  }
0x40: {  	_ =	shalt  }
0x41: {  	_ =	shalt  }
0x42: {  	_ =	shalt  }
0x43: {  	_ =	shalt  }
0x44: {  	_ =	shalt  }
0x45: {  	_ =	shalt  }
0x46: {  	_ =	shalt  }
0x47: {  	_ =	shalt  }
0x48: {  	_ =	shalt  }
0x49: {  	_ =	shalt  }
0x4a: {  	_ =	shalt  }
0x4b: {  	_ =	shalt  }
0x4c: {  	_ =	shalt  }
0x4d: {  	_ =	shalt  }
0x4e: {  	_ =	shalt  }
0x4f: {  	_ =	shalt  }
0x50: {  	_ =	shalt  }
0x51: {  	_ =	shalt  }
0x52: {  	_ =	shalt  }
0x53: {  	_ =	shalt  }
0x54: {  	_ =	shalt  }
0x55: {  	_ =	shalt  }
0x56: {  	_ =	shalt  }
0x57: {  	_ =	shalt  }
0x58: {  	_ =	shalt  }
0x59: {  	_ =	shalt  }
0x5a: {  	_ =	shalt  }
0x5b: {  	_ =	shalt  }
0x5c: {  	_ =	shalt  }
0x5d: {  	_ =	shalt  }
0x5e: {  	_ =	shalt  }
0x5f: {  	_ =	shalt  }
0x60: {  	_ =	shalt  }
0x61: {  	_ =	shalt  }
0x62: {  	_ =	shalt  }
0x63: {  	_ =	shalt  }
0x64: {  	_ =	shalt  }
0x65: {  	_ =	shalt  }
0x66: {  	_ =	shalt  }
0x67: {  	_ =	shalt  }
0x68: {  	_ =	shalt  }
0x69: {  	_ =	shalt  }
0x6a: {  	_ =	shalt  }
0x6b: {  	_ =	shalt  }
0x6c: {  	_ =	shalt  }
0x6d: {  	_ =	shalt  }
0x6e: {  	_ =	shalt  }
0x6f: {  	_ =	shalt  }
0x70: {  	_ =	shalt  }
0x71: {  	_ =	shalt  }
0x72: {  	_ =	shalt  }
0x73: {  	_ =	shalt  }
0x74: {  	_ =	shalt  }
0x75: {  	_ =	shalt  }
0x76: {  	_ =	shalt  }
0x77: {  	_ =	shalt  }
0x78: {  	_ =	shalt  }
0x79: {  	_ =	shalt  }
0x7a: {  	_ =	shalt  }
0x7b: {  	_ =	shalt  }
0x7c: {  	_ =	shalt  }
0x7d: {  	_ =	shalt  }
0x7e: {  	_ =	shalt  }
0x7f: {  	_ =	shalt  }
0x80: {  	_ =	shalt  }
0x81: {  	_ =	shalt  }
0x82: {  	_ =	shalt  }
0x83: {  	_ =	shalt  }
0x84: {  	_ =	shalt  }
0x85: {  	_ =	shalt  }
0x86: {  	_ =	shalt  }
0x87: {  	_ =	shalt  }
.Lfunc_end0:
.L_simem_size_0:
called_computation_lowered:
.L_overlay_start_0:
0x88: {  	s2 =	sld [smem:$0x3FD9]  }
0x89: {  	s3 =	sld [smem:$0x3FFE];
	_ =	sdelay $0x1  }
0x8a: {  	s1 =	srdreg.scid  }
0x8b: {  	s0 =	sand.u32 $0x1, s1  }
0x8c: {  	s17 =	sshll.u32 s0, $0xA;
	s2 =	sadd.s32 s3, s2  }
0x8d: {  	s2 =	sadd.s32 s2, s17  }
0x8e: {  	[smem:$0x3FC0] =	sst s2  }
0x8f: {  	_ = 	snop  }
0x90: {  	s2 =	sld [smem:$0x3FD0];
	(tm) =	ssettm $0x1  }
0x91: {  	s18 =	sld [smem:$0x3FFB];
	_ =	sdelay $0x3  }
0x92: {  	_ =	strace s18  }
0x93: {  	s3 =	sld [smem:$0x3FFC];
	_ =	sdelay $0x3  }
0x94: {  	_ =	strace s3  }
0x95: {  	s3 =	sld [smem:$0x3FFD];
	_ =	sdelay $0x3  }
0x96: {  	_ =	strace s3  }
0x97: {  	_ =	strace $0x8FFFFFFF  }
0x98: {  	s19 =	sld [smem:$0x3FDB];
	_ =	sdelay $0x1  }
0x99: {  	s4 =	simm.s32 $_scs_section_size  }
0x9a: {  	s5 =	simm.s32 $_size__tile_overlayer_lowered;
	s6 =	simm.s32 $_tile_overlayer_lowered  }
0x9b: {  	s22 =	simm.s32 $0x1BFF;
	s21 =	sshll.u32 s6, $0x1;
	s3 =	sadd.s32 s4, s19  }
0x9c: {  	s7 =	simm.s32 $0x0;
	s20 =	sshll.u32 s5, $0x1;
	s5 =	sadd.s32 s21, s3  }
0x9d: {  	[timem:s7], [sflag:s22] =	dma.local [hbm:s5], s20  }
0x9e: {  	_ =	swait.ge [sflag:s22], s20  }
0x9f: {  	s4 =	ssub.s32 $0x0, s20;
	[sflag:s22] =	ssyncset.done $0x0  }
0xa0: {  	[sflag:s22] =	ssyncadd.s32 s4;
	_ =	sdelay $0x1  }
0xa1: {  	s23 =	simm.s32 $0x1B8B  }
0xa2: {  	_ =	swait.ge [sflag:s23], $0x1  }
0xa3: {  	[sflag:s23] =	ssyncset.done $0x0  }
0xa4: {  	s25 =	simm.s32 $0x1B8E;
	s24 =	sld [smem:$0x3FFE];
	[sflag:s23] =	ssyncadd.s32 $0xFFFFFFFF  }
0xa5: {  	s26 =	simm.s32 $execute0_lowered;
	[smem:$0x3FD2] =	sst s25  }
0xa6: {  	s5 =	sshll.u32 s26, $0x1;
	_ =	strace $0x80000046;
	[dreg:$0x1] =	wrdreg $0xFFFFFFFF  }
0xa7: {  	s28 =	simm.s32 $_size_execute0_lowered;
	s3 =	sadd.s32 s3, s5;
	[dreg:$0x0] =	wrdreg $0x0  }
0xa8: {  	s5 =	sshll.u32 s28, $0x1;
	[dreg:$0x2] =	wrdreg s3  }
0xa9: {  	[dreg:$0x3] =	wrdreg s5  }
0xaa: {  	[dreg:$0x4] =	wrdreg $0xC0  }
0xab: {  	_ =	task [dreg:s7], $0x5FFFF  }
0xac: {  	[dreg:$0x1] =	wrdreg $0xFFFFFFFF  }
0xad: {  	[dreg:$0x0] =	wrdreg $0x60  }
0xae: {  	[dreg:$0x2] =	wrdreg s24  }
0xaf: {  	[dreg:$0x3] =	wrdreg s2  }
0xb0: {  	[dreg:$0x4] =	wrdreg $0x54000  }
0xb1: {  	[dreg:$0x5] =	wrdreg $0x9  }
0xb2: {  	_ =	task.clear_ibuf [dreg:s7], $0x6FFFF;
	_ =	strace $0x90000046  }
0xb3: {  	s29 =	simm.s32 $0x9;
	_ =	strace $0x80000048  }
0xb4: {  	_ =	swait.ge [sflag:s29], $0x1  }
0xb5: {  	[sflag:s29] =	ssyncadd.s32 $0xFFFFFFFF  }
0xb6: {  	_ =	strace $0x90000048  }
0xb7: {  	_ =	sfence  }
0xb8: {  	s30 =	sld [smem:$0x0];
	_ =	sdelay $0x2  }
0xb9: {  	s31 =	sshll.u32 s1, $0xD;
	s1 =	sshrl.u32 s1, $0x2  }
0xba: {  	s3 =	sand.u32 $0x4000, s31;
	s1 =	sadd.s32 s1, s30  }
0xbb: {  	s0 =	sor.u32 s3, s0;
	s1 =	sshll.u32 s1, $0x11  }
0xbc: {  	s0 =	sor.u32 s1, s0  }
0xbd: {  	s0 =	sadd.s32 $0x8F2B, s0  }
0xbe: {  	[sflag:s0] =	ssyncadd.remote.s32 $0x1  }
0xbf: {  	_ =	sfence.sel $0xFFFF  }
0xc0: {  	[dreg:$0x0] =	wrdreg $0xFFFFFFFF;
	(pc) =	sbr.abs _section_cstart, $3  }
0xc1: {  	[dreg:$0x1] =	wrdreg $0xFFFFFFFF  }
0xc2: {  	_ =	task.clear_ibuf [dreg:s7], $0x2FFFF;
	_ =	strace $0x9FFFFFFF  }
0xc3: {  	(tm) =	ssettm $0x7FFFFFFF  }
tec
execute0_lowered:
.L_overlay_start_1:
0x0: {  	(tag) =	ssettag $0x1  }
0x1: {  	s5 =	rddreg [dreg:$0x0]  }
0x2: {  	s1 =	srdreg.scid;
	s6 =	rddreg [dreg:$0x1]  }
0x3: {  	s0 =	stileid.u32;
	s2 =	rddreg [dreg:$0x2];
	s3 =	simm.s32 $0x0  }
0x4: {  	s13 =	simm.s32 $0x80;
	s14 =	simm.s32 $0x0;
	s4 =	sand.u32 $0x1, s1  }
0x5: {  	s29 =	sshll.u32 s0, $0x1;
	s1 =	rddreg [dreg:$0x3];
	s8 =	smul.u32 $0x2780, s0  }
0x6: {  	[smem:$0x7FF] =	sst s3;
	s11 =	smul.u32 $0x4F000, s0;
	s31 =	sshll.u32 s0, $0x6  }
0x7: {  	s7 =	sor.u32 s4, s29;
	_ =	strace $0x80000047;
	s9 =	smul.u32 $0x27800, s4  }
0x8: {  	s10 =	ssub.s32 $0x2, s4;
	s4 =	sadd.s32 $0x7200, s5;
	s7 =	smul.u32 $0x280, s7  }
0x9: {  	s12 =	sshrl.u32 s10, $0x1;
	s30 =	sshrl.u32 s11, $0x2;
	s9 =	sadd.s32 s8, s9  }
0xa: {  	s10 =	ssub.s32 s10, s12;
	s11 =	sadd.s32 s30, s2;
	s12 =	simm.s32 $0x1400  }
0xb: {  	s7 =	sadd.s32 s7, s5;
	s9 =	sadd.s32 s9, s5;
	s5 =	sadd.s32 s6, s8  }
0xc: {  	s6 =	sor.u32 $0x1C01, s31;
	s7 =	sadd.s32 $0x2200, s7;
	s8 =	sadd.s32 $0x7A00, s9  }
0xd: {  	s9 =	smax.u32 s10, $0x1;
	s10 =	sshrl.u32 s11, $0x3;
	s11 =	simm.s32 $0x1  }
.LBB2_1:
0xe: {  	[spmem:s10], [sflag:s6] =	dma.local [hbm:s5], $0x2780  }
0xf: {  	_ =	swait.ge [sflag:s11], $0x2780  }
0x10: {  	[sflag:s11] =	ssyncset.done $0x0  }
0x11: {  	[sflag:s11] =	ssyncadd.s32 $0xFFFFD880  }
0x12: {  	[tilespmem:s12], [sflag:$0x1] =	stream.linear.gather [hbm4b:s4+s3], $0x4000, $0x38;
	[tilespmem:$0x19000] =	vst v63  }
0x13: {  	_ =	swait.ge [sflag:s11], $0x4000  }
0x14: {  	[sflag:s11] =	ssyncset.done $0x0  }
0x15: {  	[sflag:s11] =	ssyncadd.s32 $0xFFFFC000  }
0x16: {  	[tilespmem:s3], [sflag:$0x1] =	stream.linear.gather [hbm4b:s7+s3], $0x1400, $0x38;
	[tilespmem:$0x19000] =	vst v63  }
0x17: {  	_ =	swait.ge [sflag:s11], $0x1400  }
0x18: {  	[sflag:s11] =	ssyncset.done $0x0  }
0x19: {  	[sflag:s11] =	ssyncadd.s32 $0xFFFFEC00  }
0x1a: {  	s15 =	simm.s32 $0x0;
	[bflag:$0x0] =	sbarrier.arrive $0xFFFF  }
0x1b: {  	[spmem:s2] =	stream.indirect.scatter.add.f32 [tilespmem:s12], [sflag:$0x1], $0x80, s15, s13, $0xb8;
	[tilespmem:$0x19000] =	vst v63  }
0x1c: {  	_ =	swait.ge [sflag:s11], $0x4000  }
0x1d: {  	s15 =	simm.s32 $0x200;
	[sflag:s11] =	ssyncset.done $0x0  }
.LBB2_2:
0x1e: {  	s16 =	sshra.s32 s15, $0x2;
	[sflag:s11] =	ssyncadd.s32 $0xFFFFC000;
	p0 =	sne.s32 s15, $0x4E00  }
0x1f: {  	[spmem:s2] =	stream.indirect.scatter.add.f32 [tilespmem:s12], [sflag:$0x1], $0x80, s16, s13, $0xb8;
	[tilespmem:$0x19000] =	vst v63  }
.Ltmp0:
0x20: {  	_ = 	snop;
	(pc) =	sbr.rel @p0 .LBB2_2-.Ltmp0, $4  }
0x21: {  	_ = 	snop  }
0x22: {  	s15 =	sadd.s32 $0x200, s15  }
0x23: {  	_ =	swait.ge [sflag:s11], $0x4000  }
0x24: {  	[sflag:s11] =	ssyncset.done $0x0  }
0x25: {  	s14 =	sadd.s32 $0x1, s14  }
0x26: {  	[sflag:s11] =	ssyncadd.s32 $0xFFFFC000;
	p0 =	sne.s32 s14, s9  }
.Ltmp1:
0x27: {  	[bflag:$0x0] =	sbarrier.arrive $0xFFFF;
	(pc) =	sbr.rel @p0 .LBB2_1-.Ltmp1, $4  }
0x28: {  	[hbm:s8], [sflag:s6] =	dma.local [spmem:s10], $0x2780  }
0x29: {  	_ =	swait.ge [sflag:s11], $0x2780  }
0x2a: {  	[sflag:s11] =	ssyncset.done $0x0  }
0x2b: {  	[sflag:s11] =	ssyncadd.s32 $0xFFFFD880  }
0x2c: {  	_ =	sfence.sel $0x180000  }
0x2d: {  	[bflag:$0x0] =	sbarrier.arrive $0xFFFF  }
0x2e: {  	p0 =	sne.s32 s0, $0x0;
	_ =	strace $0x90000047  }
0x2f: {  	s0 =	sadd.s32 @!p0 $0x100000, s1;
	[bflag:$0x2] =	sbarrier.arrive $0xFFFF  }
0x30: {  	[sflag:s0] =	ssyncadd.tile.s32 @!p0 $0x1;
	_ =	shalt  }
.Lfunc_end2:
_tile_overlayer_lowered:
.L_overlay_start_2:
0x31: {  	(tag) =	ssettag $0x2  }
0x32: {  	s0 =	rddreg [dreg:$0x0];
	s2 =	stileid.u32  }
0x33: {  	s1 =	rddreg [dreg:$0x1];
	p0 =	sne.s32 s2, $0x0  }
0x34: {  	s3 =	rddreg [dreg:$0x2];
	[bflag:$0x3] =	sbarrier.arrive $0xFFFF;
	s2 =	simm.s32 @!p0 $0x1C01  }
0x35: {  	[timem:s3], [sflag:s2] =	dma.local @!p0 [hbm:s0], s1  }
0x36: {  	s0 =	simm.s32 @!p0 $0x1  }
0x37: {  	_ =	swait.ge @!p0 [sflag:s0], s1  }
0x38: {  	s1 =	ssub.s32 @!p0 $0x0, s1;
	[sflag:s0] =	ssyncset.done @!p0 $0x0  }
0x39: {  	[sflag:s0] =	ssyncadd.s32 @!p0 s1  }
0x3a: {  	[bflag:$0x3] =	sbarrier.arrive $0xFFFF  }
0x3b: {  	_ =	shalt  }

// kernel: kernel.13.cloned.1.call-start
scs
__scs_entry_jumppad:
0x0: {  	(pc) =	sbr.rel $0x88, $3  }
0x1: {  	(tag) =	ssettag $0x0;
	lr =	simm.s32 $0x1  }
0x2: {  	[smem:$0x3F99] =	sst lr;
	_ =	strace $0xD0000000  }
0x3: {  	_ = 	snop  }
0x4: {  	_ = 	snop  }
0x5: {  	_ = 	snop  }
0x6: {  	_ = 	snop  }
0x7: {  	_ = 	snop  }
__scs_overlays_trampoline_lowered:
0x8: {  	[smem:$0x3FA8] =	sst s0  }
0x9: {  	[smem:$0x3FA9] =	sst s1  }
0xa: {  	[smem:$0x3FAA] =	sst s2  }
0xb: {  	[smem:$0x3FAB] =	sst s3  }
0xc: {  	[smem:$0x3FAC] =	sst s4  }
0xd: {  	[smem:$0x3FAD] =	sst s5  }
0xe: {  	[smem:$0x3FAE] =	sst s6  }
0xf: {  	[smem:$0x3FAF] =	sst s7  }
0x10: {  	[smem:$0x3FB0] =	sst s8  }
0x11: {  	[smem:$0x3FB1] =	sst s9;
	s0 =	simm.s32 @!p0 $0x0  }
0x12: {  	s1 =	sld [smem:$0x3F97];
	s0 =	simm.s32 @p0 $0x1  }
0x13: {  	[smem:$0x3FB2] =	sst s0;
	s0 =	simm.s32 @!p1 $0x0  }
0x14: {  	s2 =	sld [smem:$0x3F96];
	s0 =	simm.s32 @p1 $0x1  }
0x15: {  	[smem:$0x3FB3] =	sst s0;
	s0 =	simm.s32 @!p2 $0x0  }
0x16: {  	s3 =	sld [smem:$0x3FDB];
	s0 =	simm.s32 @p2 $0x1  }
0x17: {  	s4 =	simm.s32 $0x1BF5;
	[smem:$0x3FB5] =	sst s0  }
0x18: {  	s0 =	sld [smem:$0x3F98];
	_ =	swait.ge [sflag:s4], $0x0  }
0x19: {  	s7 =	sld [smem:$0x3F99]  }
0x1a: {  	s8 =	sadd.s32 $0xFFFFE003, lr  }
0x1b: {  	s9 =	sadd.s32 $0xFFFFFEF7, lr;
	s5 =	simm.s32 $0xFFFFFFFF;
	p2 =	slt.u32 s8, $0xFFFFF086  }
0x1c: {  	p1 =	slt.u32 s9, $0xF7A;
	s5 =	simm.s32 @!p2 $0x0  }
0x1d: {  	s5 =	simm.s32 @p1 $0x1;
	p0 =	seq.s32 s7, s2  }
0x1e: {  	s7 =	smul.u32 @!p0 $0xF7A, s2;
	p2 =	seq.s32 @!p0 s5, $0x0  }
0x1f: {  	s9 =	smul.u32 $0xF7A, s1;
	s8 =	simm.s32 @!p0 $0x1BF5;
	p2 =	por !p2, p0  }
0x20: {  	[sflag:s8] =	ssyncset.s32 @!p0 $0xFFFFF086;
	s6 =	sadd.s32 @!p0 s3, s7;
	s7 =	simm.s32 @!p0 $0x108  }
0x21: {  	s3 =	sadd.s32 s3, s9;
	s6 =	sadd.s32 @!p0 $0x88, s6;
	s7 =	simm.s32 @p2 $0x1082  }
0x22: {  	[simem:s7], [sflag:s8] =	dma.local @!p0 [hbm:s6], $0xF7A  }
0x23: {  	s9 =	sor.u32 $0xD0000000, s2;
	s6 =	simm.s32 $0x108;
	_ =	swait.ge @!p0 [sflag:s8], $0x0  }
0x24: {  	s3 =	sadd.s32 $0x88, s3;
	s6 =	simm.s32 @!p1 $0x1082;
	[sflag:s4] =	ssyncset.s32 $0xFFFFF086  }
0x25: {  	[simem:s6], [sflag:s4] =	dma.local [hbm:s3], $0xF7A  }
0x26: {  	[smem:$0x3F99] =	sst s1;
	(tag) =	ssettag s2;
	_ =	strace s9  }
0x27: {  	s1 =	sld [smem:$0x3FA9]  }
0x28: {  	s2 =	sld [smem:$0x3FAA]  }
0x29: {  	s4 =	sld [smem:$0x3FAC]  }
0x2a: {  	p0 =	seq.s32 s5, $0x0;
	s5 =	sld [smem:$0x3FAD]  }
0x2b: {  	s6 =	sld [smem:$0x3FAE]  }
0x2c: {  	s7 =	sld [smem:$0x3FAF]  }
0x2d: {  	s3 =	simm.s32 $0x108;
	s8 =	sld [smem:$0x3FB0]  }
0x2e: {  	s3 =	simm.s32 @!p0 $0x1082;
	s9 =	sld [smem:$0x3FB1]  }
0x2f: {  	lr =	sadd.s32 s0, s3;
	s0 =	sld [smem:$0x3FA8]  }
0x30: {  	s3 =	sld [smem:$0x3FAB]  }
0x31: {  	[smem:$0x3FB4] =	sst s10  }
0x32: {  	s10 =	sld [smem:$0x3FB2];
	_ =	sdelay $0x3  }
0x33: {  	p0 =	seq.s32 s10, $0x1;
	s10 =	sld [smem:$0x3FB4];
	_ =	sdelay $0x3  }
0x34: {  	[smem:$0x3FB4] =	sst s10  }
0x35: {  	s10 =	sld [smem:$0x3FB3];
	_ =	sdelay $0x3  }
0x36: {  	p1 =	seq.s32 s10, $0x1;
	s10 =	sld [smem:$0x3FB4];
	_ =	sdelay $0x3  }
0x37: {  	[smem:$0x3FB4] =	sst s10  }
0x38: {  	s10 =	sld [smem:$0x3FB5]  }
0x39: {  	_ = 	snop;
	(pc) =	sbr.ind lr, $3  }
0x3a: {  	_ = 	snop  }
0x3b: {  	_ = 	snop  }
0x3c: {  	p2 =	seq.s32 s10, $0x1;
	s10 =	sld [smem:$0x3FB4]  }
0x3d: {  	_ =	shalt  }
0x3e: {  	_ =	shalt  }
0x3f: {  	_ =	shalt  }
0x40: {  	_ =	shalt  }
0x41: {  	_ =	shalt  }
0x42: {  	_ =	shalt  }
0x43: {  	_ =	shalt  }
0x44: {  	_ =	shalt  }
0x45: {  	_ =	shalt  }
0x46: {  	_ =	shalt  }
0x47: {  	_ =	shalt  }
0x48: {  	_ =	shalt  }
0x49: {  	_ =	shalt  }
0x4a: {  	_ =	shalt  }
0x4b: {  	_ =	shalt  }
0x4c: {  	_ =	shalt  }
0x4d: {  	_ =	shalt  }
0x4e: {  	_ =	shalt  }
0x4f: {  	_ =	shalt  }
0x50: {  	_ =	shalt  }
0x51: {  	_ =	shalt  }
0x52: {  	_ =	shalt  }
0x53: {  	_ =	shalt  }
0x54: {  	_ =	shalt  }
0x55: {  	_ =	shalt  }
0x56: {  	_ =	shalt  }
0x57: {  	_ =	shalt  }
0x58: {  	_ =	shalt  }
0x59: {  	_ =	shalt  }
0x5a: {  	_ =	shalt  }
0x5b: {  	_ =	shalt  }
0x5c: {  	_ =	shalt  }
0x5d: {  	_ =	shalt  }
0x5e: {  	_ =	shalt  }
0x5f: {  	_ =	shalt  }
0x60: {  	_ =	shalt  }
0x61: {  	_ =	shalt  }
0x62: {  	_ =	shalt  }
0x63: {  	_ =	shalt  }
0x64: {  	_ =	shalt  }
0x65: {  	_ =	shalt  }
0x66: {  	_ =	shalt  }
0x67: {  	_ =	shalt  }
0x68: {  	_ =	shalt  }
0x69: {  	_ =	shalt  }
0x6a: {  	_ =	shalt  }
0x6b: {  	_ =	shalt  }
0x6c: {  	_ =	shalt  }
0x6d: {  	_ =	shalt  }
0x6e: {  	_ =	shalt  }
0x6f: {  	_ =	shalt  }
0x70: {  	_ =	shalt  }
0x71: {  	_ =	shalt  }
0x72: {  	_ =	shalt  }
0x73: {  	_ =	shalt  }
0x74: {  	_ =	shalt  }
0x75: {  	_ =	shalt  }
0x76: {  	_ =	shalt  }
0x77: {  	_ =	shalt  }
0x78: {  	_ =	shalt  }
0x79: {  	_ =	shalt  }
0x7a: {  	_ =	shalt  }
0x7b: {  	_ =	shalt  }
0x7c: {  	_ =	shalt  }
0x7d: {  	_ =	shalt  }
0x7e: {  	_ =	shalt  }
0x7f: {  	_ =	shalt  }
0x80: {  	_ =	shalt  }
0x81: {  	_ =	shalt  }
0x82: {  	_ =	shalt  }
0x83: {  	_ =	shalt  }
0x84: {  	_ =	shalt  }
0x85: {  	_ =	shalt  }
0x86: {  	_ =	shalt  }
0x87: {  	_ =	shalt  }
.Lfunc_end0:
.L_simem_size_0:
called_computation.1_lowered:
.L_overlay_start_0:
0x88: {  	s2 =	sld [smem:$0x3FD9]  }
0x89: {  	s3 =	sld [smem:$0x3FFE];
	_ =	sdelay $0x1  }
0x8a: {  	s1 =	srdreg.scid  }
0x8b: {  	s0 =	sand.u32 $0x1, s1  }
0x8c: {  	s17 =	sshll.u32 s0, $0xA;
	s2 =	sadd.s32 s3, s2  }
0x8d: {  	s2 =	sadd.s32 s2, s17  }
0x8e: {  	[smem:$0x3FC0] =	sst s2  }
0x8f: {  	_ = 	snop  }
0x90: {  	s2 =	sld [smem:$0x3FD0];
	(tm) =	ssettm $0x1  }
0x91: {  	s18 =	sld [smem:$0x3FFB];
	_ =	sdelay $0x3  }
0x92: {  	_ =	strace s18  }
0x93: {  	s3 =	sld [smem:$0x3FFC];
	_ =	sdelay $0x3  }
0x94: {  	_ =	strace s3  }
0x95: {  	s3 =	sld [smem:$0x3FFD];
	_ =	sdelay $0x3  }
0x96: {  	_ =	strace s3  }
0x97: {  	_ =	strace $0x8FFFFFFF  }
0x98: {  	s19 =	sld [smem:$0x3FDB];
	_ =	sdelay $0x1  }
0x99: {  	s4 =	simm.s32 $_scs_section_size  }
0x9a: {  	s5 =	simm.s32 $_size__tile_overlayer_lowered;
	s6 =	simm.s32 $_tile_overlayer_lowered  }
0x9b: {  	s22 =	simm.s32 $0x1BFF;
	s21 =	sshll.u32 s6, $0x1;
	s3 =	sadd.s32 s4, s19  }
0x9c: {  	s7 =	simm.s32 $0x0;
	s20 =	sshll.u32 s5, $0x1;
	s5 =	sadd.s32 s21, s3  }
0x9d: {  	[timem:s7], [sflag:s22] =	dma.local [hbm:s5], s20  }
0x9e: {  	_ =	swait.ge [sflag:s22], s20  }
0x9f: {  	s4 =	ssub.s32 $0x0, s20;
	[sflag:s22] =	ssyncset.done $0x0  }
0xa0: {  	[sflag:s22] =	ssyncadd.s32 s4;
	_ =	sdelay $0x1  }
0xa1: {  	s23 =	simm.s32 $0x1B8B  }
0xa2: {  	_ =	swait.ge [sflag:s23], $0x1  }
0xa3: {  	[sflag:s23] =	ssyncset.done $0x0  }
0xa4: {  	s25 =	simm.s32 $0x1B8E;
	s24 =	sld [smem:$0x3FFE];
	[sflag:s23] =	ssyncadd.s32 $0xFFFFFFFF  }
0xa5: {  	s26 =	simm.s32 $execute0_lowered;
	[smem:$0x3FD2] =	sst s25  }
0xa6: {  	s5 =	sshll.u32 s26, $0x1;
	_ =	strace $0x80000049;
	[dreg:$0x1] =	wrdreg $0xFFFFFFFF  }
0xa7: {  	s28 =	simm.s32 $_size_execute0_lowered;
	s3 =	sadd.s32 s3, s5;
	[dreg:$0x0] =	wrdreg $0x0  }
0xa8: {  	s5 =	sshll.u32 s28, $0x1;
	[dreg:$0x2] =	wrdreg s3  }
0xa9: {  	[dreg:$0x3] =	wrdreg s5  }
0xaa: {  	[dreg:$0x4] =	wrdreg $0xC0  }
0xab: {  	_ =	task [dreg:s7], $0x5FFFF  }
0xac: {  	[dreg:$0x1] =	wrdreg $0xFFFFFFFF  }
0xad: {  	[dreg:$0x0] =	wrdreg $0x60  }
0xae: {  	[dreg:$0x2] =	wrdreg s2  }
0xaf: {  	[dreg:$0x3] =	wrdreg s24  }
0xb0: {  	[dreg:$0x4] =	wrdreg $0xA8000  }
0xb1: {  	[dreg:$0x5] =	wrdreg $0x9  }
0xb2: {  	_ =	task.clear_ibuf [dreg:s7], $0x6FFFF;
	_ =	strace $0x90000049  }
0xb3: {  	s29 =	simm.s32 $0x9;
	_ =	strace $0x8000004B  }
0xb4: {  	_ =	swait.ge [sflag:s29], $0x1  }
0xb5: {  	[sflag:s29] =	ssyncadd.s32 $0xFFFFFFFF  }
0xb6: {  	_ =	strace $0x9000004B  }
0xb7: {  	_ =	sfence  }
0xb8: {  	s30 =	sld [smem:$0x0];
	_ =	sdelay $0x2  }
0xb9: {  	s31 =	sshll.u32 s1, $0xD;
	s1 =	sshrl.u32 s1, $0x2  }
0xba: {  	s3 =	sand.u32 $0x4000, s31;
	s1 =	sadd.s32 s1, s30  }
0xbb: {  	s0 =	sor.u32 s3, s0;
	s1 =	sshll.u32 s1, $0x11  }
0xbc: {  	s0 =	sor.u32 s1, s0  }
0xbd: {  	s0 =	sadd.s32 $0x8F2B, s0  }
0xbe: {  	[sflag:s0] =	ssyncadd.remote.s32 $0x1  }
0xbf: {  	_ =	sfence.sel $0xFFFF  }
0xc0: {  	[dreg:$0x0] =	wrdreg $0xFFFFFFFF;
	(pc) =	sbr.abs _section_cstart, $3  }
0xc1: {  	[dreg:$0x1] =	wrdreg $0xFFFFFFFF  }
0xc2: {  	_ =	task.clear_ibuf [dreg:s7], $0x2FFFF;
	_ =	strace $0x9FFFFFFF  }
0xc3: {  	(tm) =	ssettm $0x7FFFFFFF  }
tec
execute0_lowered:
.L_overlay_start_1:
0x0: {  	(tag) =	ssettag $0x1  }
0x1: {  	s1 =	rddreg [dreg:$0x0]  }
0x2: {  	s4 =	rddreg [dreg:$0x1]  }
0x3: {  	s2 =	rddreg [dreg:$0x2]  }
0x4: {  	s0 =	rddreg [dreg:$0x3];
	s3 =	simm.s32 $0x0;
	s14 =	stileid.u32  }
0x5: {  	s5 =	srdreg.scid;
	s21 =	simm.s32 $0x1;
	s6 =	smul.u32 $0x4E000, s14  }
0x6: {  	[smem:$0x7FF] =	sst s3;
	s9 =	sadd.s32 $0x56A00, s4;
	s11 =	smul.u32 $0x270, s14  }
0x7: {  	s5 =	sand.u32 $0x1, s5;
	s10 =	sadd.s32 $0x2200, s4;
	s26 =	smul.u32 $0x50, s14  }
0x8: {  	s12 =	sadd.s32 $0x7200, s4;
	s28 =	sshll.u32 s14, $0x6;
	s19 =	smul.u32 $0x500, s14  }
0x9: {  	s17 =	sadd.s32 $0x138000, s2;
	p0 =	sne.s32 s14, $0x0;
	s8 =	smul.u32 $0x2710, s5  }
0xa: {  	_ =	strace $0x8000004A;
	s7 =	ssub.s32 $0x2, s5;
	s24 =	smul.u32 $0x138800, s5  }
0xb: {  	s16 =	smul.u32 $0x500, s5;
	s5 =	sor.u32 $0x1C02, s28;
	s22 =	sshrl.u32 s7, $0x1  }
0xc: {  	s23 =	sshrl.u32 s6, $0x2;
	s20 =	sadd.s32 $0x28, s26;
	s13 =	ssub.s32 s7, s22  }
0xd: {  	s15 =	sadd.s32 s23, s2;
	s25 =	sadd.s32 s11, s8;
	s6 =	sshrl.u32 s24, $0x3  }
0xe: {  	s29 =	sadd.s32 s26, s16;
	s16 =	sadd.s32 s16, s20;
	s8 =	sadd.s32 s10, s19  }
0xf: {  	s31 =	sshll.u32 s20, $0x4;
	s19 =	simm.s32 $0x2800;
	s20 =	simm.s32 $0x6800  }
0x10: {  	s22 =	simm.s32 $0x1380;
	s23 =	simm.s32 $0x2700;
	s24 =	simm.s32 $0x2780  }
0x11: {  	s11 =	sshll.u32 s25, $0x4;
	s18 =	sadd.s32 $0x27000, s6;
	s30 =	sshll.u32 s29, $0x4  }
0x12: {  	s16 =	sshll.u32 s16, $0x4;
	s10 =	sadd.s32 s10, s31;
	s13 =	smax.u32 s13, $0x1  }
0x13: {  	s14 =	sshrl.u32 s15, $0x3;
	s15 =	simm.s32 $0x2;
	s25 =	simm.s32 $0x0  }
0x14: {  	s4 =	sadd.s32 s1, s11;
	s6 =	sadd.s32 s1, s18;
	s7 =	sadd.s32 s9, s30  }
0x15: {  	s9 =	sadd.s32 s9, s16;
	s11 =	sadd.s32 s12, s11;
	s12 =	sadd.s32 s12, s18  }
0x16: {  	s16 =	sshrl.u32 @!p0 s17, $0x3;
	s17 =	simm.s32 $0x1400;
	s18 =	simm.s32 $0x80  }
.LBB2_1:
0x17: {  	[spmem:s14], [sflag:s5] =	dma.local [hbm:s4], $0x2700  }
0x18: {  	_ =	swait.ge [sflag:s15], $0x2700  }
0x19: {  	[sflag:s15] =	ssyncset.done $0x0  }
0x1a: {  	s26 =	simm.s32 @!p0 $0x2;
	[sflag:s15] =	ssyncadd.s32 $0xFFFFD900  }
0x1b: {  	[spmem:s16], [sflag:s5] =	dma.local @!p0 [hbm:s6], $0x100  }
0x1c: {  	_ =	swait.ge @!p0 [sflag:s26], $0x100  }
0x1d: {  	[sflag:s26] =	ssyncset.done @!p0 $0x0  }
0x1e: {  	[sflag:s26] =	ssyncadd.s32 @!p0 $0xFFFFFF00  }
0x1f: {  	[bflag:$0x0] =	sbarrier.arrive $0xFFFF  }
0x20: {  	[tilespmem:s3], [sflag:$0x2] =	stream.linear.gather [hbm4b:s7+s3], $0x1400, $0x38;
	[tilespmem:$0x1E400] =	vst v63  }
0x21: {  	_ =	swait.ge [sflag:s15], $0x1400  }
0x22: {  	[sflag:s15] =	ssyncset.done $0x0  }
0x23: {  	[sflag:s15] =	ssyncadd.s32 $0xFFFFEC00  }
0x24: {  	[tilespmem:s17], [sflag:$0x2] =	stream.linear.gather [hbm4b:s8+s3], $0x1400, $0x38;
	[tilespmem:$0x1E400] =	vst v63  }
0x25: {  	_ =	swait.ge [sflag:s15], $0x1400  }
0x26: {  	[sflag:s15] =	ssyncset.done $0x0  }
0x27: {  	[sflag:s15] =	ssyncadd.s32 $0xFFFFEC00  }
0x28: {  	[tilespmem:s19], [sflag:$0x1] =	stream.indirect.gather [hbm4b:s1+s18], $0x80, s3, s18, $0xb8;
	[tilespmem:$0x1E400] =	vst v63  }
0x29: {  	s31 =	simm.s32 $0x80  }
0x2a: {  	[tilespmem:s20], [sflag:$0x1] =	stream.indirect.gather [hbm4b:s1+s18], $0x80, s31, s18, $0xb8;
	[tilespmem:$0x1E400] =	vst v63  }
0x2b: {  	_ =	swait.ge [sflag:s21], $0x4000  }
0x2c: {  	[sflag:s21] =	ssyncset.done $0x0  }
0x2d: {  	s29 =	simm.s32 $0x1400;
	[sflag:s21] =	ssyncadd.s32 $0xFFFFC000  }
0x2e: {  	[spmem:s2] =	stream.indirect.scatter.add.f32 [tilespmem:s19], [sflag:$0x2], $0x80, s29, s18, $0xb8;
	[tilespmem:$0x1E400] =	vst v63  }
0x2f: {  	_ =	swait.ge [sflag:s15], $0x4000  }
0x30: {  	[sflag:s15] =	ssyncset.done $0x0  }
0x31: {  	s30 =	simm.s32 $0x100;
	[sflag:s15] =	ssyncadd.s32 $0xFFFFC000  }
0x32: {  	[tilespmem:s19], [sflag:$0x1] =	stream.indirect.gather [hbm4b:s1+s18], $0x80, s30, s18, $0xb8;
	[tilespmem:$0x1E400] =	vst v63  }
0x33: {  	_ =	swait.ge [sflag:s21], $0x4000  }
0x34: {  	[sflag:s21] =	ssyncset.done $0x0  }
0x35: {  	s31 =	simm.s32 $0x1480;
	[sflag:s21] =	ssyncadd.s32 $0xFFFFC000  }
0x36: {  	[spmem:s2] =	stream.indirect.scatter.add.f32 [tilespmem:s20], [sflag:$0x2], $0x80, s31, s18, $0xb8;
	[tilespmem:$0x1E400] =	vst v63  }
0x37: {  	_ =	swait.ge [sflag:s15], $0x4000  }
0x38: {  	s28 =	simm.s32 $0x800;
	s26 =	simm.s32 $0x100;
	[sflag:s15] =	ssyncset.done $0x0  }
.LBB2_2:
0x39: {  	s29 =	sadd.s32 $0x80, s26  }
0x3a: {  	[sflag:s15] =	ssyncadd.s32 $0xFFFFC000;
	s30 =	smov.u32 s28;
	s31 =	sadd.s32 $0x400, s28  }
0x3b: {  	[tilespmem:s20], [sflag:$0x1] =	stream.indirect.gather [hbm4b:s1+s18], $0x80, s29, s18, $0xb8;
	[tilespmem:$0x1E400] =	vst v63  }
0x3c: {  	p1 =	sne.s32 s28, $0x4800;
	_ =	swait.ge [sflag:s21], $0x4000  }
0x3d: {  	[sflag:s21] =	ssyncset.done $0x0  }
0x3e: {  	s28 =	sadd.s32 $0x1400, s26;
	[sflag:s21] =	ssyncadd.s32 $0xFFFFC000  }
0x3f: {  	[spmem:s2] =	stream.indirect.scatter.add.f32 [tilespmem:s19], [sflag:$0x2], $0x80, s28, s18, $0xb8;
	[tilespmem:$0x1E400] =	vst v63  }
0x40: {  	_ =	swait.ge [sflag:s15], $0x4000  }
0x41: {  	[sflag:s15] =	ssyncset.done $0x0  }
0x42: {  	s28 =	sadd.s32 $0x100, s26;
	[sflag:s15] =	ssyncadd.s32 $0xFFFFC000  }
0x43: {  	[tilespmem:s19], [sflag:$0x1] =	stream.indirect.gather [hbm4b:s1+s18], $0x80, s28, s18, $0xb8;
	[tilespmem:$0x1E400] =	vst v63  }
0x44: {  	_ =	swait.ge [sflag:s21], $0x4000  }
.Ltmp0:
0x45: {  	[sflag:s21] =	ssyncset.done $0x0;
	(pc) =	sbr.rel @p1 .LBB2_2-.Ltmp0, $4  }
0x46: {  	s26 =	sadd.s32 $0x1480, s26;
	[sflag:s21] =	ssyncadd.s32 $0xFFFFC000  }
0x47: {  	[spmem:s2] =	stream.indirect.scatter.add.f32 [tilespmem:s20], [sflag:$0x2], $0x80, s26, s18, $0xb8;
	[tilespmem:$0x1E400] =	vst v63  }
0x48: {  	_ =	swait.ge [sflag:s15], $0x4000  }
0x49: {  	s28 =	smov.u32 s31;
	s26 =	sshra.s32 s30, $0x2;
	[sflag:s15] =	ssyncset.done $0x0  }
0x4a: {  	s28 =	sadd.s32 $0x80, s26;
	[sflag:s15] =	ssyncadd.s32 $0xFFFFC000  }
0x4b: {  	[tilespmem:s20], [sflag:$0x1] =	stream.indirect.gather [hbm4b:s1+s18], $0x80, s28, s18, $0xb8;
	[tilespmem:$0x1E400] =	vst v63  }
0x4c: {  	_ =	swait.ge [sflag:s21], $0x4000  }
0x4d: {  	[sflag:s21] =	ssyncset.done $0x0  }
0x4e: {  	s28 =	sadd.s32 $0x1400, s26;
	[sflag:s21] =	ssyncadd.s32 $0xFFFFC000  }
0x4f: {  	[spmem:s2] =	stream.indirect.scatter.add.f32 [tilespmem:s19], [sflag:$0x2], $0x80, s28, s18, $0xb8;
	[tilespmem:$0x1E400] =	vst v63  }
0x50: {  	_ =	swait.ge [sflag:s15], $0x4000  }
0x51: {  	[sflag:s15] =	ssyncset.done $0x0  }
0x52: {  	s28 =	sadd.s32 $0x100, s26;
	[sflag:s15] =	ssyncadd.s32 $0xFFFFC000  }
0x53: {  	[tilespmem:s19], [sflag:$0x1] =	stream.indirect.gather [hbm4b:s1+s18], $0x80, s28, s18, $0xb8;
	[tilespmem:$0x1E400] =	vst v63  }
0x54: {  	_ =	swait.ge [sflag:s21], $0x4000  }
0x55: {  	[sflag:s21] =	ssyncset.done $0x0  }
0x56: {  	s29 =	sadd.s32 $0x1480, s26;
	[sflag:s21] =	ssyncadd.s32 $0xFFFFC000  }
0x57: {  	[spmem:s2] =	stream.indirect.scatter.add.f32 [tilespmem:s20], [sflag:$0x2], $0x80, s29, s18, $0xb8;
	[tilespmem:$0x1E400] =	vst v63  }
0x58: {  	_ =	swait.ge [sflag:s15], $0x4000  }
0x59: {  	[sflag:s15] =	ssyncset.done $0x0  }
0x5a: {  	[sflag:s15] =	ssyncadd.s32 $0xFFFFC000  }
0x5b: {  	[tilespmem:s20], [sflag:$0x1] =	stream.indirect.gather [hbm4b:s1+s18], $0x80, s22, s18, $0xb8;
	[tilespmem:$0x1E400] =	vst v63  }
0x5c: {  	_ =	swait.ge [sflag:s21], $0x4000  }
0x5d: {  	[sflag:s21] =	ssyncset.done $0x0  }
0x5e: {  	[sflag:s21] =	ssyncadd.s32 $0xFFFFC000  }
0x5f: {  	[spmem:s2] =	stream.indirect.scatter.add.f32 [tilespmem:s19], [sflag:$0x2], $0x80, s23, s18, $0xb8;
	[tilespmem:$0x1E400] =	vst v63  }
0x60: {  	_ =	swait.ge [sflag:s15], $0x4000  }
0x61: {  	[sflag:s15] =	ssyncset.done $0x0  }
0x62: {  	[sflag:s15] =	ssyncadd.s32 $0xFFFFC000  }
0x63: {  	_ =	swait.ge [sflag:s21], $0x4000  }
0x64: {  	[sflag:s21] =	ssyncset.done $0x0  }
0x65: {  	[sflag:s21] =	ssyncadd.s32 $0xFFFFC000  }
0x66: {  	[spmem:s2] =	stream.indirect.scatter.add.f32 [tilespmem:s20], [sflag:$0x2], $0x80, s24, s18, $0xb8;
	[tilespmem:$0x1E400] =	vst v63  }
0x67: {  	_ =	swait.ge [sflag:s15], $0x4000  }
0x68: {  	[sflag:s15] =	ssyncset.done $0x0  }
0x69: {  	s30 =	simm.s32 $0x0;
	[sflag:s15] =	ssyncadd.s32 $0xFFFFC000  }
0x6a: {  	[tilespmem:s30], [sflag:$0x2] =	stream.linear.gather [hbm4b:s9+s30], $0x1400, $0x38;
	[tilespmem:$0x1E400] =	vst v63  }
0x6b: {  	_ =	swait.ge [sflag:s15], $0x1400  }
0x6c: {  	[sflag:s15] =	ssyncset.done $0x0  }
0x6d: {  	[sflag:s15] =	ssyncadd.s32 $0xFFFFEC00  }
0x6e: {  	[tilespmem:s17], [sflag:$0x2] =	stream.linear.gather [hbm4b:s10+s30], $0x1400, $0x38;
	[tilespmem:$0x1E400] =	vst v63  }
0x6f: {  	_ =	swait.ge [sflag:s15], $0x1400  }
0x70: {  	[sflag:s15] =	ssyncset.done $0x0  }
0x71: {  	[sflag:s15] =	ssyncadd.s32 $0xFFFFEC00  }
0x72: {  	[tilespmem:s19], [sflag:$0x1] =	stream.indirect.gather [hbm4b:s1+s18], $0x80, s30, s18, $0xb8;
	[tilespmem:$0x1E400] =	vst v63  }
0x73: {  	s31 =	simm.s32 $0x80  }
0x74: {  	[tilespmem:s20], [sflag:$0x1] =	stream.indirect.gather [hbm4b:s1+s18], $0x80, s31, s18, $0xb8;
	[tilespmem:$0x1E400] =	vst v63  }
0x75: {  	_ =	swait.ge [sflag:s21], $0x4000  }
0x76: {  	[sflag:s21] =	ssyncset.done $0x0  }
0x77: {  	s29 =	simm.s32 $0x1400;
	[sflag:s21] =	ssyncadd.s32 $0xFFFFC000  }
0x78: {  	[spmem:s2] =	stream.indirect.scatter.add.f32 [tilespmem:s19], [sflag:$0x2], $0x80, s29, s18, $0xb8;
	[tilespmem:$0x1E400] =	vst v63  }
0x79: {  	_ =	swait.ge [sflag:s15], $0x4000  }
0x7a: {  	[sflag:s15] =	ssyncset.done $0x0  }
0x7b: {  	s30 =	simm.s32 $0x100;
	[sflag:s15] =	ssyncadd.s32 $0xFFFFC000  }
0x7c: {  	[tilespmem:s19], [sflag:$0x1] =	stream.indirect.gather [hbm4b:s1+s18], $0x80, s30, s18, $0xb8;
	[tilespmem:$0x1E400] =	vst v63  }
0x7d: {  	_ =	swait.ge [sflag:s21], $0x4000  }
0x7e: {  	[sflag:s21] =	ssyncset.done $0x0  }
0x7f: {  	s31 =	simm.s32 $0x1480;
	[sflag:s21] =	ssyncadd.s32 $0xFFFFC000  }
0x80: {  	[spmem:s2] =	stream.indirect.scatter.add.f32 [tilespmem:s20], [sflag:$0x2], $0x80, s31, s18, $0xb8;
	[tilespmem:$0x1E400] =	vst v63  }
0x81: {  	_ =	swait.ge [sflag:s15], $0x4000  }
0x82: {  	s26 =	simm.s32 $0x100;
	s28 =	simm.s32 $0x800;
	[sflag:s15] =	ssyncset.done $0x0  }
.LBB2_4:
0x83: {  	s29 =	sadd.s32 $0x80, s26  }
0x84: {  	[sflag:s15] =	ssyncadd.s32 $0xFFFFC000;
	s30 =	smov.u32 s28;
	s31 =	sadd.s32 $0x400, s28  }
0x85: {  	[tilespmem:s20], [sflag:$0x1] =	stream.indirect.gather [hbm4b:s1+s18], $0x80, s29, s18, $0xb8;
	[tilespmem:$0x1E400] =	vst v63  }
0x86: {  	p1 =	sne.s32 s28, $0x4800;
	_ =	swait.ge [sflag:s21], $0x4000  }
0x87: {  	[sflag:s21] =	ssyncset.done $0x0  }
0x88: {  	s28 =	sadd.s32 $0x1400, s26;
	[sflag:s21] =	ssyncadd.s32 $0xFFFFC000  }
0x89: {  	[spmem:s2] =	stream.indirect.scatter.add.f32 [tilespmem:s19], [sflag:$0x2], $0x80, s28, s18, $0xb8;
	[tilespmem:$0x1E400] =	vst v63  }
0x8a: {  	_ =	swait.ge [sflag:s15], $0x4000  }
0x8b: {  	[sflag:s15] =	ssyncset.done $0x0  }
0x8c: {  	s28 =	sadd.s32 $0x100, s26;
	[sflag:s15] =	ssyncadd.s32 $0xFFFFC000  }
0x8d: {  	[tilespmem:s19], [sflag:$0x1] =	stream.indirect.gather [hbm4b:s1+s18], $0x80, s28, s18, $0xb8;
	[tilespmem:$0x1E400] =	vst v63  }
0x8e: {  	_ =	swait.ge [sflag:s21], $0x4000  }
.Ltmp1:
0x8f: {  	[sflag:s21] =	ssyncset.done $0x0;
	(pc) =	sbr.rel @p1 .LBB2_4-.Ltmp1, $4  }
0x90: {  	s26 =	sadd.s32 $0x1480, s26;
	[sflag:s21] =	ssyncadd.s32 $0xFFFFC000  }
0x91: {  	[spmem:s2] =	stream.indirect.scatter.add.f32 [tilespmem:s20], [sflag:$0x2], $0x80, s26, s18, $0xb8;
	[tilespmem:$0x1E400] =	vst v63  }
0x92: {  	_ =	swait.ge [sflag:s15], $0x4000  }
0x93: {  	s28 =	smov.u32 s31;
	s26 =	sshra.s32 s30, $0x2;
	[sflag:s15] =	ssyncset.done $0x0  }
0x94: {  	s28 =	sadd.s32 $0x80, s26;
	[sflag:s15] =	ssyncadd.s32 $0xFFFFC000  }
0x95: {  	[tilespmem:s20], [sflag:$0x1] =	stream.indirect.gather [hbm4b:s1+s18], $0x80, s28, s18, $0xb8;
	[tilespmem:$0x1E400] =	vst v63  }
0x96: {  	_ =	swait.ge [sflag:s21], $0x4000  }
0x97: {  	[sflag:s21] =	ssyncset.done $0x0  }
0x98: {  	s29 =	sadd.s32 $0x1400, s26;
	[sflag:s21] =	ssyncadd.s32 $0xFFFFC000  }
0x99: {  	[spmem:s2] =	stream.indirect.scatter.add.f32 [tilespmem:s19], [sflag:$0x2], $0x80, s29, s18, $0xb8;
	[tilespmem:$0x1E400] =	vst v63  }
0x9a: {  	_ =	swait.ge [sflag:s15], $0x4000  }
0x9b: {  	[sflag:s15] =	ssyncset.done $0x0  }
0x9c: {  	s30 =	sadd.s32 $0x100, s26;
	[sflag:s15] =	ssyncadd.s32 $0xFFFFC000  }
0x9d: {  	[tilespmem:s19], [sflag:$0x1] =	stream.indirect.gather [hbm4b:s1+s18], $0x80, s30, s18, $0xb8;
	[tilespmem:$0x1E400] =	vst v63  }
0x9e: {  	_ =	swait.ge [sflag:s21], $0x4000  }
0x9f: {  	[sflag:s21] =	ssyncset.done $0x0  }
0xa0: {  	s31 =	sadd.s32 $0x1480, s26;
	[sflag:s21] =	ssyncadd.s32 $0xFFFFC000  }
0xa1: {  	[spmem:s2] =	stream.indirect.scatter.add.f32 [tilespmem:s20], [sflag:$0x2], $0x80, s31, s18, $0xb8;
	[tilespmem:$0x1E400] =	vst v63  }
0xa2: {  	_ =	swait.ge [sflag:s15], $0x4000  }
0xa3: {  	[sflag:s15] =	ssyncset.done $0x0  }
0xa4: {  	[sflag:s15] =	ssyncadd.s32 $0xFFFFC000  }
0xa5: {  	[tilespmem:s20], [sflag:$0x1] =	stream.indirect.gather [hbm4b:s1+s18], $0x80, s22, s18, $0xb8;
	[tilespmem:$0x1E400] =	vst v63  }
0xa6: {  	_ =	swait.ge [sflag:s21], $0x4000  }
0xa7: {  	[sflag:s21] =	ssyncset.done $0x0  }
0xa8: {  	[sflag:s21] =	ssyncadd.s32 $0xFFFFC000  }
0xa9: {  	[spmem:s2] =	stream.indirect.scatter.add.f32 [tilespmem:s19], [sflag:$0x2], $0x80, s23, s18, $0xb8;
	[tilespmem:$0x1E400] =	vst v63  }
0xaa: {  	_ =	swait.ge [sflag:s15], $0x4000  }
0xab: {  	[sflag:s15] =	ssyncset.done $0x0  }
0xac: {  	[sflag:s15] =	ssyncadd.s32 $0xFFFFC000  }
0xad: {  	_ =	swait.ge [sflag:s21], $0x4000  }
0xae: {  	[sflag:s21] =	ssyncset.done $0x0  }
0xaf: {  	[sflag:s21] =	ssyncadd.s32 $0xFFFFC000  }
0xb0: {  	[spmem:s2] =	stream.indirect.scatter.add.f32 [tilespmem:s20], [sflag:$0x2], $0x80, s24, s18, $0xb8;
	[tilespmem:$0x1E400] =	vst v63  }
0xb1: {  	_ =	swait.ge [sflag:s15], $0x4000  }
0xb2: {  	[sflag:s15] =	ssyncset.done $0x0  }
0xb3: {  	[sflag:s15] =	ssyncadd.s32 $0xFFFFC000  }
0xb4: {  	[bflag:$0x0] =	sbarrier.arrive $0xFFFF  }
0xb5: {  	[hbm:s11], [sflag:s5] =	dma.local [spmem:s14], $0x2700  }
0xb6: {  	s25 =	sadd.s32 $0x1, s25;
	_ =	swait.ge [sflag:s15], $0x2700  }
0xb7: {  	p1 =	sne.s32 s25, s13;
	[sflag:s15] =	ssyncset.done $0x0  }
.Ltmp2:
0xb8: {  	s26 =	simm.s32 @!p0 $0x2;
	[sflag:s15] =	ssyncadd.s32 $0xFFFFD900;
	(pc) =	sbr.rel @p1 .LBB2_1-.Ltmp2, $4  }
0xb9: {  	[hbm:s12], [sflag:s5] =	dma.local @!p0 [spmem:s16], $0x100  }
0xba: {  	_ =	swait.ge @!p0 [sflag:s26], $0x100  }
0xbb: {  	[sflag:s26] =	ssyncset.done @!p0 $0x0  }
0xbc: {  	[sflag:s26] =	ssyncadd.s32 @!p0 $0xFFFFFF00  }
0xbd: {  	_ =	sfence.sel $0x180000  }
0xbe: {  	[bflag:$0x0] =	sbarrier.arrive $0xFFFF  }
0xbf: {  	_ =	strace $0x9000004A  }
0xc0: {  	s0 =	sadd.s32 @!p0 $0x100000, s0;
	[bflag:$0x2] =	sbarrier.arrive $0xFFFF  }
0xc1: {  	[sflag:s0] =	ssyncadd.tile.s32 @!p0 $0x1;
	_ =	shalt  }
.Lfunc_end2:
_tile_overlayer_lowered:
.L_overlay_start_2:
0xc2: {  	(tag) =	ssettag $0x2  }
0xc3: {  	s0 =	rddreg [dreg:$0x0];
	s2 =	stileid.u32  }
0xc4: {  	s1 =	rddreg [dreg:$0x1];
	p0 =	sne.s32 s2, $0x0  }
0xc5: {  	s3 =	rddreg [dreg:$0x2];
	[bflag:$0x3] =	sbarrier.arrive $0xFFFF;
	s2 =	simm.s32 @!p0 $0x1C02  }
0xc6: {  	[timem:s3], [sflag:s2] =	dma.local @!p0 [hbm:s0], s1  }
0xc7: {  	s0 =	simm.s32 @!p0 $0x2  }
0xc8: {  	_ =	swait.ge @!p0 [sflag:s0], s1  }
0xc9: {  	s1 =	ssub.s32 @!p0 $0x0, s1;
	[sflag:s0] =	ssyncset.done @!p0 $0x0  }
0xca: {  	[sflag:s0] =	ssyncadd.s32 @!p0 s1  }
0xcb: {  	[bflag:$0x3] =	sbarrier.arrive $0xFFFF  }
0xcc: {  	_ =	shalt  }

// kernel: kernel.16.cloned.1.call-start
scs
__scs_entry_jumppad:
0x0: {  	(pc) =	sbr.rel $0x88, $3  }
0x1: {  	(tag) =	ssettag $0x0;
	lr =	simm.s32 $0x1  }
0x2: {  	[smem:$0x3F99] =	sst lr;
	_ =	strace $0xD0000000  }
0x3: {  	_ = 	snop  }
0x4: {  	_ = 	snop  }
0x5: {  	_ = 	snop  }
0x6: {  	_ = 	snop  }
0x7: {  	_ = 	snop  }
__scs_overlays_trampoline_lowered:
0x8: {  	[smem:$0x3FA8] =	sst s0  }
0x9: {  	[smem:$0x3FA9] =	sst s1  }
0xa: {  	[smem:$0x3FAA] =	sst s2  }
0xb: {  	[smem:$0x3FAB] =	sst s3  }
0xc: {  	[smem:$0x3FAC] =	sst s4  }
0xd: {  	[smem:$0x3FAD] =	sst s5  }
0xe: {  	[smem:$0x3FAE] =	sst s6  }
0xf: {  	[smem:$0x3FAF] =	sst s7  }
0x10: {  	[smem:$0x3FB0] =	sst s8  }
0x11: {  	[smem:$0x3FB1] =	sst s9;
	s0 =	simm.s32 @!p0 $0x0  }
0x12: {  	s1 =	sld [smem:$0x3F97];
	s0 =	simm.s32 @p0 $0x1  }
0x13: {  	[smem:$0x3FB2] =	sst s0;
	s0 =	simm.s32 @!p1 $0x0  }
0x14: {  	s2 =	sld [smem:$0x3F96];
	s0 =	simm.s32 @p1 $0x1  }
0x15: {  	[smem:$0x3FB3] =	sst s0;
	s0 =	simm.s32 @!p2 $0x0  }
0x16: {  	s3 =	sld [smem:$0x3FDB];
	s0 =	simm.s32 @p2 $0x1  }
0x17: {  	s4 =	simm.s32 $0x1BF5;
	[smem:$0x3FB5] =	sst s0  }
0x18: {  	s0 =	sld [smem:$0x3F98];
	_ =	swait.ge [sflag:s4], $0x0  }
0x19: {  	s7 =	sld [smem:$0x3F99]  }
0x1a: {  	s8 =	sadd.s32 $0xFFFFE003, lr  }
0x1b: {  	s9 =	sadd.s32 $0xFFFFFEF7, lr;
	s5 =	simm.s32 $0xFFFFFFFF;
	p2 =	slt.u32 s8, $0xFFFFF086  }
0x1c: {  	p1 =	slt.u32 s9, $0xF7A;
	s5 =	simm.s32 @!p2 $0x0  }
0x1d: {  	s5 =	simm.s32 @p1 $0x1;
	p0 =	seq.s32 s7, s2  }
0x1e: {  	s7 =	smul.u32 @!p0 $0xF7A, s2;
	p2 =	seq.s32 @!p0 s5, $0x0  }
0x1f: {  	s9 =	smul.u32 $0xF7A, s1;
	s8 =	simm.s32 @!p0 $0x1BF5;
	p2 =	por !p2, p0  }
0x20: {  	[sflag:s8] =	ssyncset.s32 @!p0 $0xFFFFF086;
	s6 =	sadd.s32 @!p0 s3, s7;
	s7 =	simm.s32 @!p0 $0x108  }
0x21: {  	s3 =	sadd.s32 s3, s9;
	s6 =	sadd.s32 @!p0 $0x88, s6;
	s7 =	simm.s32 @p2 $0x1082  }
0x22: {  	[simem:s7], [sflag:s8] =	dma.local @!p0 [hbm:s6], $0xF7A  }
0x23: {  	s9 =	sor.u32 $0xD0000000, s2;
	s6 =	simm.s32 $0x108;
	_ =	swait.ge @!p0 [sflag:s8], $0x0  }
0x24: {  	s3 =	sadd.s32 $0x88, s3;
	s6 =	simm.s32 @!p1 $0x1082;
	[sflag:s4] =	ssyncset.s32 $0xFFFFF086  }
0x25: {  	[simem:s6], [sflag:s4] =	dma.local [hbm:s3], $0xF7A  }
0x26: {  	[smem:$0x3F99] =	sst s1;
	(tag) =	ssettag s2;
	_ =	strace s9  }
0x27: {  	s1 =	sld [smem:$0x3FA9]  }
0x28: {  	s2 =	sld [smem:$0x3FAA]  }
0x29: {  	s4 =	sld [smem:$0x3FAC]  }
0x2a: {  	p0 =	seq.s32 s5, $0x0;
	s5 =	sld [smem:$0x3FAD]  }
0x2b: {  	s6 =	sld [smem:$0x3FAE]  }
0x2c: {  	s7 =	sld [smem:$0x3FAF]  }
0x2d: {  	s3 =	simm.s32 $0x108;
	s8 =	sld [smem:$0x3FB0]  }
0x2e: {  	s3 =	simm.s32 @!p0 $0x1082;
	s9 =	sld [smem:$0x3FB1]  }
0x2f: {  	lr =	sadd.s32 s0, s3;
	s0 =	sld [smem:$0x3FA8]  }
0x30: {  	s3 =	sld [smem:$0x3FAB]  }
0x31: {  	[smem:$0x3FB4] =	sst s10  }
0x32: {  	s10 =	sld [smem:$0x3FB2];
	_ =	sdelay $0x3  }
0x33: {  	p0 =	seq.s32 s10, $0x1;
	s10 =	sld [smem:$0x3FB4];
	_ =	sdelay $0x3  }
0x34: {  	[smem:$0x3FB4] =	sst s10  }
0x35: {  	s10 =	sld [smem:$0x3FB3];
	_ =	sdelay $0x3  }
0x36: {  	p1 =	seq.s32 s10, $0x1;
	s10 =	sld [smem:$0x3FB4];
	_ =	sdelay $0x3  }
0x37: {  	[smem:$0x3FB4] =	sst s10  }
0x38: {  	s10 =	sld [smem:$0x3FB5]  }
0x39: {  	_ = 	snop;
	(pc) =	sbr.ind lr, $3  }
0x3a: {  	_ = 	snop  }
0x3b: {  	_ = 	snop  }
0x3c: {  	p2 =	seq.s32 s10, $0x1;
	s10 =	sld [smem:$0x3FB4]  }
0x3d: {  	_ =	shalt  }
0x3e: {  	_ =	shalt  }
0x3f: {  	_ =	shalt  }
0x40: {  	_ =	shalt  }
0x41: {  	_ =	shalt  }
0x42: {  	_ =	shalt  }
0x43: {  	_ =	shalt  }
0x44: {  	_ =	shalt  }
0x45: {  	_ =	shalt  }
0x46: {  	_ =	shalt  }
0x47: {  	_ =	shalt  }
0x48: {  	_ =	shalt  }
0x49: {  	_ =	shalt  }
0x4a: {  	_ =	shalt  }
0x4b: {  	_ =	shalt  }
0x4c: {  	_ =	shalt  }
0x4d: {  	_ =	shalt  }
0x4e: {  	_ =	shalt  }
0x4f: {  	_ =	shalt  }
0x50: {  	_ =	shalt  }
0x51: {  	_ =	shalt  }
0x52: {  	_ =	shalt  }
0x53: {  	_ =	shalt  }
0x54: {  	_ =	shalt  }
0x55: {  	_ =	shalt  }
0x56: {  	_ =	shalt  }
0x57: {  	_ =	shalt  }
0x58: {  	_ =	shalt  }
0x59: {  	_ =	shalt  }
0x5a: {  	_ =	shalt  }
0x5b: {  	_ =	shalt  }
0x5c: {  	_ =	shalt  }
0x5d: {  	_ =	shalt  }
0x5e: {  	_ =	shalt  }
0x5f: {  	_ =	shalt  }
0x60: {  	_ =	shalt  }
0x61: {  	_ =	shalt  }
0x62: {  	_ =	shalt  }
0x63: {  	_ =	shalt  }
0x64: {  	_ =	shalt  }
0x65: {  	_ =	shalt  }
0x66: {  	_ =	shalt  }
0x67: {  	_ =	shalt  }
0x68: {  	_ =	shalt  }
0x69: {  	_ =	shalt  }
0x6a: {  	_ =	shalt  }
0x6b: {  	_ =	shalt  }
0x6c: {  	_ =	shalt  }
0x6d: {  	_ =	shalt  }
0x6e: {  	_ =	shalt  }
0x6f: {  	_ =	shalt  }
0x70: {  	_ =	shalt  }
0x71: {  	_ =	shalt  }
0x72: {  	_ =	shalt  }
0x73: {  	_ =	shalt  }
0x74: {  	_ =	shalt  }
0x75: {  	_ =	shalt  }
0x76: {  	_ =	shalt  }
0x77: {  	_ =	shalt  }
0x78: {  	_ =	shalt  }
0x79: {  	_ =	shalt  }
0x7a: {  	_ =	shalt  }
0x7b: {  	_ =	shalt  }
0x7c: {  	_ =	shalt  }
0x7d: {  	_ =	shalt  }
0x7e: {  	_ =	shalt  }
0x7f: {  	_ =	shalt  }
0x80: {  	_ =	shalt  }
0x81: {  	_ =	shalt  }
0x82: {  	_ =	shalt  }
0x83: {  	_ =	shalt  }
0x84: {  	_ =	shalt  }
0x85: {  	_ =	shalt  }
0x86: {  	_ =	shalt  }
0x87: {  	_ =	shalt  }
.Lfunc_end0:
.L_simem_size_0:
called_computation.2_lowered:
.L_overlay_start_0:
0x88: {  	s2 =	sld [smem:$0x3FD9]  }
0x89: {  	s3 =	sld [smem:$0x3FFE];
	_ =	sdelay $0x1  }
0x8a: {  	s1 =	srdreg.scid  }
0x8b: {  	s0 =	sand.u32 $0x1, s1  }
0x8c: {  	s17 =	sshll.u32 s0, $0xA;
	s2 =	sadd.s32 s3, s2  }
0x8d: {  	s2 =	sadd.s32 s2, s17  }
0x8e: {  	[smem:$0x3FC0] =	sst s2  }
0x8f: {  	_ = 	snop  }
0x90: {  	s2 =	sld [smem:$0x3FD0];
	(tm) =	ssettm $0x1  }
0x91: {  	s18 =	sld [smem:$0x3FFB];
	_ =	sdelay $0x3  }
0x92: {  	_ =	strace s18  }
0x93: {  	s3 =	sld [smem:$0x3FFC];
	_ =	sdelay $0x3  }
0x94: {  	_ =	strace s3  }
0x95: {  	s3 =	sld [smem:$0x3FFD];
	_ =	sdelay $0x3  }
0x96: {  	_ =	strace s3  }
0x97: {  	_ =	strace $0x8FFFFFFF  }
0x98: {  	s19 =	sld [smem:$0x3FDB];
	_ =	sdelay $0x1  }
0x99: {  	s4 =	simm.s32 $_scs_section_size  }
0x9a: {  	s5 =	simm.s32 $_size__tile_overlayer_lowered;
	s6 =	simm.s32 $_tile_overlayer_lowered  }
0x9b: {  	s22 =	simm.s32 $0x1BFF;
	s21 =	sshll.u32 s6, $0x1;
	s3 =	sadd.s32 s4, s19  }
0x9c: {  	s7 =	simm.s32 $0x0;
	s20 =	sshll.u32 s5, $0x1;
	s5 =	sadd.s32 s21, s3  }
0x9d: {  	[timem:s7], [sflag:s22] =	dma.local [hbm:s5], s20  }
0x9e: {  	_ =	swait.ge [sflag:s22], s20  }
0x9f: {  	s4 =	ssub.s32 $0x0, s20;
	[sflag:s22] =	ssyncset.done $0x0  }
0xa0: {  	[sflag:s22] =	ssyncadd.s32 s4;
	_ =	sdelay $0x1  }
0xa1: {  	s23 =	simm.s32 $0x1B8B  }
0xa2: {  	_ =	swait.ge [sflag:s23], $0x1  }
0xa3: {  	[sflag:s23] =	ssyncset.done $0x0  }
0xa4: {  	s25 =	simm.s32 $0x1B8E;
	s24 =	sld [smem:$0x3FFE];
	[sflag:s23] =	ssyncadd.s32 $0xFFFFFFFF  }
0xa5: {  	s26 =	simm.s32 $execute0_lowered;
	[smem:$0x3FD2] =	sst s25  }
0xa6: {  	s5 =	sshll.u32 s26, $0x1;
	_ =	strace $0x8000004C;
	[dreg:$0x1] =	wrdreg $0xFFFFFFFF  }
0xa7: {  	s28 =	simm.s32 $_size_execute0_lowered;
	s3 =	sadd.s32 s3, s5;
	[dreg:$0x0] =	wrdreg $0x0  }
0xa8: {  	s5 =	sshll.u32 s28, $0x1;
	[dreg:$0x2] =	wrdreg s3  }
0xa9: {  	[dreg:$0x3] =	wrdreg s5  }
0xaa: {  	[dreg:$0x4] =	wrdreg $0xC0  }
0xab: {  	_ =	task [dreg:s7], $0x5FFFF  }
0xac: {  	[dreg:$0x1] =	wrdreg $0xFFFFFFFF  }
0xad: {  	[dreg:$0x0] =	wrdreg $0x60  }
0xae: {  	[dreg:$0x2] =	wrdreg s2  }
0xaf: {  	[dreg:$0x3] =	wrdreg s24  }
0xb0: {  	[dreg:$0x4] =	wrdreg $0xA8000  }
0xb1: {  	[dreg:$0x5] =	wrdreg $0x9  }
0xb2: {  	_ =	task.clear_ibuf [dreg:s7], $0x6FFFF;
	_ =	strace $0x9000004C  }
0xb3: {  	s29 =	simm.s32 $0x9;
	_ =	strace $0x8000004E  }
0xb4: {  	_ =	swait.ge [sflag:s29], $0x1  }
0xb5: {  	[sflag:s29] =	ssyncadd.s32 $0xFFFFFFFF  }
0xb6: {  	_ =	strace $0x9000004E  }
0xb7: {  	_ =	sfence  }
0xb8: {  	s30 =	sld [smem:$0x0];
	_ =	sdelay $0x2  }
0xb9: {  	s31 =	sshll.u32 s1, $0xD;
	s1 =	sshrl.u32 s1, $0x2  }
0xba: {  	s3 =	sand.u32 $0x4000, s31;
	s1 =	sadd.s32 s1, s30  }
0xbb: {  	s0 =	sor.u32 s3, s0;
	s1 =	sshll.u32 s1, $0x11  }
0xbc: {  	s0 =	sor.u32 s1, s0  }
0xbd: {  	s0 =	sadd.s32 $0x8F2B, s0  }
0xbe: {  	[sflag:s0] =	ssyncadd.remote.s32 $0x1  }
0xbf: {  	_ =	sfence.sel $0xFFFF  }
0xc0: {  	[dreg:$0x0] =	wrdreg $0xFFFFFFFF;
	(pc) =	sbr.abs _section_cstart, $3  }
0xc1: {  	[dreg:$0x1] =	wrdreg $0xFFFFFFFF  }
0xc2: {  	_ =	task.clear_ibuf [dreg:s7], $0x2FFFF;
	_ =	strace $0x9FFFFFFF  }
0xc3: {  	(tm) =	ssettm $0x7FFFFFFF  }
tec
execute0_lowered:
.L_overlay_start_1:
0x0: {  	(tag) =	ssettag $0x1  }
0x1: {  	s1 =	rddreg [dreg:$0x0]  }
0x2: {  	s4 =	rddreg [dreg:$0x1]  }
0x3: {  	s2 =	rddreg [dreg:$0x2]  }
0x4: {  	s0 =	rddreg [dreg:$0x3];
	s3 =	simm.s32 $0x0;
	s14 =	stileid.u32  }
0x5: {  	s5 =	srdreg.scid;
	s21 =	simm.s32 $0x1;
	s6 =	smul.u32 $0x4E000, s14  }
0x6: {  	[smem:$0x7FF] =	sst s3;
	s9 =	sadd.s32 $0x56A00, s4;
	s11 =	smul.u32 $0x270, s14  }
0x7: {  	s5 =	sand.u32 $0x1, s5;
	s10 =	sadd.s32 $0x2200, s4;
	s26 =	smul.u32 $0x50, s14  }
0x8: {  	s12 =	sadd.s32 $0x7200, s4;
	s28 =	sshll.u32 s14, $0x6;
	s19 =	smul.u32 $0x500, s14  }
0x9: {  	s17 =	sadd.s32 $0x138000, s2;
	p0 =	sne.s32 s14, $0x0;
	s8 =	smul.u32 $0x2710, s5  }
0xa: {  	_ =	strace $0x8000004D;
	s7 =	ssub.s32 $0x2, s5;
	s24 =	smul.u32 $0x138800, s5  }
0xb: {  	s16 =	smul.u32 $0x500, s5;
	s5 =	sor.u32 $0x1C02, s28;
	s22 =	sshrl.u32 s7, $0x1  }
0xc: {  	s23 =	sshrl.u32 s6, $0x2;
	s20 =	sadd.s32 $0x28, s26;
	s13 =	ssub.s32 s7, s22  }
0xd: {  	s15 =	sadd.s32 s23, s2;
	s25 =	sadd.s32 s11, s8;
	s6 =	sshrl.u32 s24, $0x3  }
0xe: {  	s29 =	sadd.s32 s26, s16;
	s16 =	sadd.s32 s16, s20;
	s8 =	sadd.s32 s10, s19  }
0xf: {  	s31 =	sshll.u32 s20, $0x4;
	s19 =	simm.s32 $0x2800;
	s20 =	simm.s32 $0x6800  }
0x10: {  	s22 =	simm.s32 $0x1380;
	s23 =	simm.s32 $0x2700;
	s24 =	simm.s32 $0x2780  }
0x11: {  	s11 =	sshll.u32 s25, $0x4;
	s18 =	sadd.s32 $0x27000, s6;
	s30 =	sshll.u32 s29, $0x4  }
0x12: {  	s16 =	sshll.u32 s16, $0x4;
	s10 =	sadd.s32 s10, s31;
	s13 =	smax.u32 s13, $0x1  }
0x13: {  	s14 =	sshrl.u32 s15, $0x3;
	s15 =	simm.s32 $0x2;
	s25 =	simm.s32 $0x0  }
0x14: {  	s4 =	sadd.s32 s1, s11;
	s6 =	sadd.s32 s1, s18;
	s7 =	sadd.s32 s9, s30  }
0x15: {  	s9 =	sadd.s32 s9, s16;
	s11 =	sadd.s32 s12, s11;
	s12 =	sadd.s32 s12, s18  }
0x16: {  	s16 =	sshrl.u32 @!p0 s17, $0x3;
	s17 =	simm.s32 $0x1400;
	s18 =	simm.s32 $0x80  }
.LBB2_1:
0x17: {  	[spmem:s14], [sflag:s5] =	dma.local [hbm:s4], $0x2700  }
0x18: {  	_ =	swait.ge [sflag:s15], $0x2700  }
0x19: {  	[sflag:s15] =	ssyncset.done $0x0  }
0x1a: {  	s26 =	simm.s32 @!p0 $0x2;
	[sflag:s15] =	ssyncadd.s32 $0xFFFFD900  }
0x1b: {  	[spmem:s16], [sflag:s5] =	dma.local @!p0 [hbm:s6], $0x100  }
0x1c: {  	_ =	swait.ge @!p0 [sflag:s26], $0x100  }
0x1d: {  	[sflag:s26] =	ssyncset.done @!p0 $0x0  }
0x1e: {  	[sflag:s26] =	ssyncadd.s32 @!p0 $0xFFFFFF00  }
0x1f: {  	[bflag:$0x0] =	sbarrier.arrive $0xFFFF  }
0x20: {  	[tilespmem:s3], [sflag:$0x2] =	stream.linear.gather [hbm4b:s7+s3], $0x1400, $0x38;
	[tilespmem:$0x1E400] =	vst v63  }
0x21: {  	_ =	swait.ge [sflag:s15], $0x1400  }
0x22: {  	[sflag:s15] =	ssyncset.done $0x0  }
0x23: {  	[sflag:s15] =	ssyncadd.s32 $0xFFFFEC00  }
0x24: {  	[tilespmem:s17], [sflag:$0x2] =	stream.linear.gather [hbm4b:s8+s3], $0x1400, $0x38;
	[tilespmem:$0x1E400] =	vst v63  }
0x25: {  	_ =	swait.ge [sflag:s15], $0x1400  }
0x26: {  	[sflag:s15] =	ssyncset.done $0x0  }
0x27: {  	[sflag:s15] =	ssyncadd.s32 $0xFFFFEC00  }
0x28: {  	[tilespmem:s19], [sflag:$0x1] =	stream.indirect.gather [hbm4b:s1+s18], $0x80, s3, s18, $0xb8;
	[tilespmem:$0x1E400] =	vst v63  }
0x29: {  	s31 =	simm.s32 $0x80  }
0x2a: {  	[tilespmem:s20], [sflag:$0x1] =	stream.indirect.gather [hbm4b:s1+s18], $0x80, s31, s18, $0xb8;
	[tilespmem:$0x1E400] =	vst v63  }
0x2b: {  	_ =	swait.ge [sflag:s21], $0x4000  }
0x2c: {  	[sflag:s21] =	ssyncset.done $0x0  }
0x2d: {  	s29 =	simm.s32 $0x1400;
	[sflag:s21] =	ssyncadd.s32 $0xFFFFC000  }
0x2e: {  	[spmem:s2] =	stream.indirect.scatter.add.f32 [tilespmem:s19], [sflag:$0x2], $0x80, s29, s18, $0xb8;
	[tilespmem:$0x1E400] =	vst v63  }
0x2f: {  	_ =	swait.ge [sflag:s15], $0x4000  }
0x30: {  	[sflag:s15] =	ssyncset.done $0x0  }
0x31: {  	s30 =	simm.s32 $0x100;
	[sflag:s15] =	ssyncadd.s32 $0xFFFFC000  }
0x32: {  	[tilespmem:s19], [sflag:$0x1] =	stream.indirect.gather [hbm4b:s1+s18], $0x80, s30, s18, $0xb8;
	[tilespmem:$0x1E400] =	vst v63  }
0x33: {  	_ =	swait.ge [sflag:s21], $0x4000  }
0x34: {  	[sflag:s21] =	ssyncset.done $0x0  }
0x35: {  	s31 =	simm.s32 $0x1480;
	[sflag:s21] =	ssyncadd.s32 $0xFFFFC000  }
0x36: {  	[spmem:s2] =	stream.indirect.scatter.add.f32 [tilespmem:s20], [sflag:$0x2], $0x80, s31, s18, $0xb8;
	[tilespmem:$0x1E400] =	vst v63  }
0x37: {  	_ =	swait.ge [sflag:s15], $0x4000  }
0x38: {  	s28 =	simm.s32 $0x800;
	s26 =	simm.s32 $0x100;
	[sflag:s15] =	ssyncset.done $0x0  }
.LBB2_2:
0x39: {  	s29 =	sadd.s32 $0x80, s26  }
0x3a: {  	[sflag:s15] =	ssyncadd.s32 $0xFFFFC000;
	s30 =	smov.u32 s28;
	s31 =	sadd.s32 $0x400, s28  }
0x3b: {  	[tilespmem:s20], [sflag:$0x1] =	stream.indirect.gather [hbm4b:s1+s18], $0x80, s29, s18, $0xb8;
	[tilespmem:$0x1E400] =	vst v63  }
0x3c: {  	p1 =	sne.s32 s28, $0x4800;
	_ =	swait.ge [sflag:s21], $0x4000  }
0x3d: {  	[sflag:s21] =	ssyncset.done $0x0  }
0x3e: {  	s28 =	sadd.s32 $0x1400, s26;
	[sflag:s21] =	ssyncadd.s32 $0xFFFFC000  }
0x3f: {  	[spmem:s2] =	stream.indirect.scatter.add.f32 [tilespmem:s19], [sflag:$0x2], $0x80, s28, s18, $0xb8;
	[tilespmem:$0x1E400] =	vst v63  }
0x40: {  	_ =	swait.ge [sflag:s15], $0x4000  }
0x41: {  	[sflag:s15] =	ssyncset.done $0x0  }
0x42: {  	s28 =	sadd.s32 $0x100, s26;
	[sflag:s15] =	ssyncadd.s32 $0xFFFFC000  }
0x43: {  	[tilespmem:s19], [sflag:$0x1] =	stream.indirect.gather [hbm4b:s1+s18], $0x80, s28, s18, $0xb8;
	[tilespmem:$0x1E400] =	vst v63  }
0x44: {  	_ =	swait.ge [sflag:s21], $0x4000  }
.Ltmp0:
0x45: {  	[sflag:s21] =	ssyncset.done $0x0;
	(pc) =	sbr.rel @p1 .LBB2_2-.Ltmp0, $4  }
0x46: {  	s26 =	sadd.s32 $0x1480, s26;
	[sflag:s21] =	ssyncadd.s32 $0xFFFFC000  }
0x47: {  	[spmem:s2] =	stream.indirect.scatter.add.f32 [tilespmem:s20], [sflag:$0x2], $0x80, s26, s18, $0xb8;
	[tilespmem:$0x1E400] =	vst v63  }
0x48: {  	_ =	swait.ge [sflag:s15], $0x4000  }
0x49: {  	s28 =	smov.u32 s31;
	s26 =	sshra.s32 s30, $0x2;
	[sflag:s15] =	ssyncset.done $0x0  }
0x4a: {  	s28 =	sadd.s32 $0x80, s26;
	[sflag:s15] =	ssyncadd.s32 $0xFFFFC000  }
0x4b: {  	[tilespmem:s20], [sflag:$0x1] =	stream.indirect.gather [hbm4b:s1+s18], $0x80, s28, s18, $0xb8;
	[tilespmem:$0x1E400] =	vst v63  }
0x4c: {  	_ =	swait.ge [sflag:s21], $0x4000  }
0x4d: {  	[sflag:s21] =	ssyncset.done $0x0  }
0x4e: {  	s28 =	sadd.s32 $0x1400, s26;
	[sflag:s21] =	ssyncadd.s32 $0xFFFFC000  }
0x4f: {  	[spmem:s2] =	stream.indirect.scatter.add.f32 [tilespmem:s19], [sflag:$0x2], $0x80, s28, s18, $0xb8;
	[tilespmem:$0x1E400] =	vst v63  }
0x50: {  	_ =	swait.ge [sflag:s15], $0x4000  }
0x51: {  	[sflag:s15] =	ssyncset.done $0x0  }
0x52: {  	s28 =	sadd.s32 $0x100, s26;
	[sflag:s15] =	ssyncadd.s32 $0xFFFFC000  }
0x53: {  	[tilespmem:s19], [sflag:$0x1] =	stream.indirect.gather [hbm4b:s1+s18], $0x80, s28, s18, $0xb8;
	[tilespmem:$0x1E400] =	vst v63  }
0x54: {  	_ =	swait.ge [sflag:s21], $0x4000  }
0x55: {  	[sflag:s21] =	ssyncset.done $0x0  }
0x56: {  	s29 =	sadd.s32 $0x1480, s26;
	[sflag:s21] =	ssyncadd.s32 $0xFFFFC000  }
0x57: {  	[spmem:s2] =	stream.indirect.scatter.add.f32 [tilespmem:s20], [sflag:$0x2], $0x80, s29, s18, $0xb8;
	[tilespmem:$0x1E400] =	vst v63  }
0x58: {  	_ =	swait.ge [sflag:s15], $0x4000  }
0x59: {  	[sflag:s15] =	ssyncset.done $0x0  }
0x5a: {  	[sflag:s15] =	ssyncadd.s32 $0xFFFFC000  }
0x5b: {  	[tilespmem:s20], [sflag:$0x1] =	stream.indirect.gather [hbm4b:s1+s18], $0x80, s22, s18, $0xb8;
	[tilespmem:$0x1E400] =	vst v63  }
0x5c: {  	_ =	swait.ge [sflag:s21], $0x4000  }
0x5d: {  	[sflag:s21] =	ssyncset.done $0x0  }
0x5e: {  	[sflag:s21] =	ssyncadd.s32 $0xFFFFC000  }
0x5f: {  	[spmem:s2] =	stream.indirect.scatter.add.f32 [tilespmem:s19], [sflag:$0x2], $0x80, s23, s18, $0xb8;
	[tilespmem:$0x1E400] =	vst v63  }
0x60: {  	_ =	swait.ge [sflag:s15], $0x4000  }
0x61: {  	[sflag:s15] =	ssyncset.done $0x0  }
0x62: {  	[sflag:s15] =	ssyncadd.s32 $0xFFFFC000  }
0x63: {  	_ =	swait.ge [sflag:s21], $0x4000  }
0x64: {  	[sflag:s21] =	ssyncset.done $0x0  }
0x65: {  	[sflag:s21] =	ssyncadd.s32 $0xFFFFC000  }
0x66: {  	[spmem:s2] =	stream.indirect.scatter.add.f32 [tilespmem:s20], [sflag:$0x2], $0x80, s24, s18, $0xb8;
	[tilespmem:$0x1E400] =	vst v63  }
0x67: {  	_ =	swait.ge [sflag:s15], $0x4000  }
0x68: {  	[sflag:s15] =	ssyncset.done $0x0  }
0x69: {  	s30 =	simm.s32 $0x0;
	[sflag:s15] =	ssyncadd.s32 $0xFFFFC000  }
0x6a: {  	[tilespmem:s30], [sflag:$0x2] =	stream.linear.gather [hbm4b:s9+s30], $0x1400, $0x38;
	[tilespmem:$0x1E400] =	vst v63  }
0x6b: {  	_ =	swait.ge [sflag:s15], $0x1400  }
0x6c: {  	[sflag:s15] =	ssyncset.done $0x0  }
0x6d: {  	[sflag:s15] =	ssyncadd.s32 $0xFFFFEC00  }
0x6e: {  	[tilespmem:s17], [sflag:$0x2] =	stream.linear.gather [hbm4b:s10+s30], $0x1400, $0x38;
	[tilespmem:$0x1E400] =	vst v63  }
0x6f: {  	_ =	swait.ge [sflag:s15], $0x1400  }
0x70: {  	[sflag:s15] =	ssyncset.done $0x0  }
0x71: {  	[sflag:s15] =	ssyncadd.s32 $0xFFFFEC00  }
0x72: {  	[tilespmem:s19], [sflag:$0x1] =	stream.indirect.gather [hbm4b:s1+s18], $0x80, s30, s18, $0xb8;
	[tilespmem:$0x1E400] =	vst v63  }
0x73: {  	s31 =	simm.s32 $0x80  }
0x74: {  	[tilespmem:s20], [sflag:$0x1] =	stream.indirect.gather [hbm4b:s1+s18], $0x80, s31, s18, $0xb8;
	[tilespmem:$0x1E400] =	vst v63  }
0x75: {  	_ =	swait.ge [sflag:s21], $0x4000  }
0x76: {  	[sflag:s21] =	ssyncset.done $0x0  }
0x77: {  	s29 =	simm.s32 $0x1400;
	[sflag:s21] =	ssyncadd.s32 $0xFFFFC000  }
0x78: {  	[spmem:s2] =	stream.indirect.scatter.add.f32 [tilespmem:s19], [sflag:$0x2], $0x80, s29, s18, $0xb8;
	[tilespmem:$0x1E400] =	vst v63  }
0x79: {  	_ =	swait.ge [sflag:s15], $0x4000  }
0x7a: {  	[sflag:s15] =	ssyncset.done $0x0  }
0x7b: {  	s30 =	simm.s32 $0x100;
	[sflag:s15] =	ssyncadd.s32 $0xFFFFC000  }
0x7c: {  	[tilespmem:s19], [sflag:$0x1] =	stream.indirect.gather [hbm4b:s1+s18], $0x80, s30, s18, $0xb8;
	[tilespmem:$0x1E400] =	vst v63  }
0x7d: {  	_ =	swait.ge [sflag:s21], $0x4000  }
0x7e: {  	[sflag:s21] =	ssyncset.done $0x0  }
0x7f: {  	s31 =	simm.s32 $0x1480;
	[sflag:s21] =	ssyncadd.s32 $0xFFFFC000  }
0x80: {  	[spmem:s2] =	stream.indirect.scatter.add.f32 [tilespmem:s20], [sflag:$0x2], $0x80, s31, s18, $0xb8;
	[tilespmem:$0x1E400] =	vst v63  }
0x81: {  	_ =	swait.ge [sflag:s15], $0x4000  }
0x82: {  	s26 =	simm.s32 $0x100;
	s28 =	simm.s32 $0x800;
	[sflag:s15] =	ssyncset.done $0x0  }
.LBB2_4:
0x83: {  	s29 =	sadd.s32 $0x80, s26  }
0x84: {  	[sflag:s15] =	ssyncadd.s32 $0xFFFFC000;
	s30 =	smov.u32 s28;
	s31 =	sadd.s32 $0x400, s28  }
0x85: {  	[tilespmem:s20], [sflag:$0x1] =	stream.indirect.gather [hbm4b:s1+s18], $0x80, s29, s18, $0xb8;
	[tilespmem:$0x1E400] =	vst v63  }
0x86: {  	p1 =	sne.s32 s28, $0x4800;
	_ =	swait.ge [sflag:s21], $0x4000  }
0x87: {  	[sflag:s21] =	ssyncset.done $0x0  }
0x88: {  	s28 =	sadd.s32 $0x1400, s26;
	[sflag:s21] =	ssyncadd.s32 $0xFFFFC000  }
0x89: {  	[spmem:s2] =	stream.indirect.scatter.add.f32 [tilespmem:s19], [sflag:$0x2], $0x80, s28, s18, $0xb8;
	[tilespmem:$0x1E400] =	vst v63  }
0x8a: {  	_ =	swait.ge [sflag:s15], $0x4000  }
0x8b: {  	[sflag:s15] =	ssyncset.done $0x0  }
0x8c: {  	s28 =	sadd.s32 $0x100, s26;
	[sflag:s15] =	ssyncadd.s32 $0xFFFFC000  }
0x8d: {  	[tilespmem:s19], [sflag:$0x1] =	stream.indirect.gather [hbm4b:s1+s18], $0x80, s28, s18, $0xb8;
	[tilespmem:$0x1E400] =	vst v63  }
0x8e: {  	_ =	swait.ge [sflag:s21], $0x4000  }
.Ltmp1:
0x8f: {  	[sflag:s21] =	ssyncset.done $0x0;
	(pc) =	sbr.rel @p1 .LBB2_4-.Ltmp1, $4  }
0x90: {  	s26 =	sadd.s32 $0x1480, s26;
	[sflag:s21] =	ssyncadd.s32 $0xFFFFC000  }
0x91: {  	[spmem:s2] =	stream.indirect.scatter.add.f32 [tilespmem:s20], [sflag:$0x2], $0x80, s26, s18, $0xb8;
	[tilespmem:$0x1E400] =	vst v63  }
0x92: {  	_ =	swait.ge [sflag:s15], $0x4000  }
0x93: {  	s28 =	smov.u32 s31;
	s26 =	sshra.s32 s30, $0x2;
	[sflag:s15] =	ssyncset.done $0x0  }
0x94: {  	s28 =	sadd.s32 $0x80, s26;
	[sflag:s15] =	ssyncadd.s32 $0xFFFFC000  }
0x95: {  	[tilespmem:s20], [sflag:$0x1] =	stream.indirect.gather [hbm4b:s1+s18], $0x80, s28, s18, $0xb8;
	[tilespmem:$0x1E400] =	vst v63  }
0x96: {  	_ =	swait.ge [sflag:s21], $0x4000  }
0x97: {  	[sflag:s21] =	ssyncset.done $0x0  }
0x98: {  	s29 =	sadd.s32 $0x1400, s26;
	[sflag:s21] =	ssyncadd.s32 $0xFFFFC000  }
0x99: {  	[spmem:s2] =	stream.indirect.scatter.add.f32 [tilespmem:s19], [sflag:$0x2], $0x80, s29, s18, $0xb8;
	[tilespmem:$0x1E400] =	vst v63  }
0x9a: {  	_ =	swait.ge [sflag:s15], $0x4000  }
0x9b: {  	[sflag:s15] =	ssyncset.done $0x0  }
0x9c: {  	s30 =	sadd.s32 $0x100, s26;
	[sflag:s15] =	ssyncadd.s32 $0xFFFFC000  }
0x9d: {  	[tilespmem:s19], [sflag:$0x1] =	stream.indirect.gather [hbm4b:s1+s18], $0x80, s30, s18, $0xb8;
	[tilespmem:$0x1E400] =	vst v63  }
0x9e: {  	_ =	swait.ge [sflag:s21], $0x4000  }
0x9f: {  	[sflag:s21] =	ssyncset.done $0x0  }
0xa0: {  	s31 =	sadd.s32 $0x1480, s26;
	[sflag:s21] =	ssyncadd.s32 $0xFFFFC000  }
0xa1: {  	[spmem:s2] =	stream.indirect.scatter.add.f32 [tilespmem:s20], [sflag:$0x2], $0x80, s31, s18, $0xb8;
	[tilespmem:$0x1E400] =	vst v63  }
0xa2: {  	_ =	swait.ge [sflag:s15], $0x4000  }
0xa3: {  	[sflag:s15] =	ssyncset.done $0x0  }
0xa4: {  	[sflag:s15] =	ssyncadd.s32 $0xFFFFC000  }
0xa5: {  	[tilespmem:s20], [sflag:$0x1] =	stream.indirect.gather [hbm4b:s1+s18], $0x80, s22, s18, $0xb8;
	[tilespmem:$0x1E400] =	vst v63  }
0xa6: {  	_ =	swait.ge [sflag:s21], $0x4000  }
0xa7: {  	[sflag:s21] =	ssyncset.done $0x0  }
0xa8: {  	[sflag:s21] =	ssyncadd.s32 $0xFFFFC000  }
0xa9: {  	[spmem:s2] =	stream.indirect.scatter.add.f32 [tilespmem:s19], [sflag:$0x2], $0x80, s23, s18, $0xb8;
	[tilespmem:$0x1E400] =	vst v63  }
0xaa: {  	_ =	swait.ge [sflag:s15], $0x4000  }
0xab: {  	[sflag:s15] =	ssyncset.done $0x0  }
0xac: {  	[sflag:s15] =	ssyncadd.s32 $0xFFFFC000  }
0xad: {  	_ =	swait.ge [sflag:s21], $0x4000  }
0xae: {  	[sflag:s21] =	ssyncset.done $0x0  }
0xaf: {  	[sflag:s21] =	ssyncadd.s32 $0xFFFFC000  }
0xb0: {  	[spmem:s2] =	stream.indirect.scatter.add.f32 [tilespmem:s20], [sflag:$0x2], $0x80, s24, s18, $0xb8;
	[tilespmem:$0x1E400] =	vst v63  }
0xb1: {  	_ =	swait.ge [sflag:s15], $0x4000  }
0xb2: {  	[sflag:s15] =	ssyncset.done $0x0  }
0xb3: {  	[sflag:s15] =	ssyncadd.s32 $0xFFFFC000  }
0xb4: {  	[bflag:$0x0] =	sbarrier.arrive $0xFFFF  }
0xb5: {  	[hbm:s11], [sflag:s5] =	dma.local [spmem:s14], $0x2700  }
0xb6: {  	s25 =	sadd.s32 $0x1, s25;
	_ =	swait.ge [sflag:s15], $0x2700  }
0xb7: {  	p1 =	sne.s32 s25, s13;
	[sflag:s15] =	ssyncset.done $0x0  }
.Ltmp2:
0xb8: {  	s26 =	simm.s32 @!p0 $0x2;
	[sflag:s15] =	ssyncadd.s32 $0xFFFFD900;
	(pc) =	sbr.rel @p1 .LBB2_1-.Ltmp2, $4  }
0xb9: {  	[hbm:s12], [sflag:s5] =	dma.local @!p0 [spmem:s16], $0x100  }
0xba: {  	_ =	swait.ge @!p0 [sflag:s26], $0x100  }
0xbb: {  	[sflag:s26] =	ssyncset.done @!p0 $0x0  }
0xbc: {  	[sflag:s26] =	ssyncadd.s32 @!p0 $0xFFFFFF00  }
0xbd: {  	_ =	sfence.sel $0x180000  }
0xbe: {  	[bflag:$0x0] =	sbarrier.arrive $0xFFFF  }
0xbf: {  	_ =	strace $0x9000004D  }
0xc0: {  	s0 =	sadd.s32 @!p0 $0x100000, s0;
	[bflag:$0x2] =	sbarrier.arrive $0xFFFF  }
0xc1: {  	[sflag:s0] =	ssyncadd.tile.s32 @!p0 $0x1;
	_ =	shalt  }
.Lfunc_end2:
_tile_overlayer_lowered:
.L_overlay_start_2:
0xc2: {  	(tag) =	ssettag $0x2  }
0xc3: {  	s0 =	rddreg [dreg:$0x0];
	s2 =	stileid.u32  }
0xc4: {  	s1 =	rddreg [dreg:$0x1];
	p0 =	sne.s32 s2, $0x0  }
0xc5: {  	s3 =	rddreg [dreg:$0x2];
	[bflag:$0x3] =	sbarrier.arrive $0xFFFF;
	s2 =	simm.s32 @!p0 $0x1C02  }
0xc6: {  	[timem:s3], [sflag:s2] =	dma.local @!p0 [hbm:s0], s1  }
0xc7: {  	s0 =	simm.s32 @!p0 $0x2  }
0xc8: {  	_ =	swait.ge @!p0 [sflag:s0], s1  }
0xc9: {  	s1 =	ssub.s32 @!p0 $0x0, s1;
	[sflag:s0] =	ssyncset.done @!p0 $0x0  }
0xca: {  	[sflag:s0] =	ssyncadd.s32 @!p0 s1  }
0xcb: {  	[bflag:$0x3] =	sbarrier.arrive $0xFFFF  }
0xcc: {  	_ =	shalt  }

// kernel: kernel.19.cloned.1.call-start
scs
__scs_entry_jumppad:
0x0: {  	(pc) =	sbr.rel $0x88, $3  }
0x1: {  	(tag) =	ssettag $0x0;
	lr =	simm.s32 $0x1  }
0x2: {  	[smem:$0x3F99] =	sst lr;
	_ =	strace $0xD0000000  }
0x3: {  	_ = 	snop  }
0x4: {  	_ = 	snop  }
0x5: {  	_ = 	snop  }
0x6: {  	_ = 	snop  }
0x7: {  	_ = 	snop  }
__scs_overlays_trampoline_lowered:
0x8: {  	[smem:$0x3FA8] =	sst s0  }
0x9: {  	[smem:$0x3FA9] =	sst s1  }
0xa: {  	[smem:$0x3FAA] =	sst s2  }
0xb: {  	[smem:$0x3FAB] =	sst s3  }
0xc: {  	[smem:$0x3FAC] =	sst s4  }
0xd: {  	[smem:$0x3FAD] =	sst s5  }
0xe: {  	[smem:$0x3FAE] =	sst s6  }
0xf: {  	[smem:$0x3FAF] =	sst s7  }
0x10: {  	[smem:$0x3FB0] =	sst s8  }
0x11: {  	[smem:$0x3FB1] =	sst s9;
	s0 =	simm.s32 @!p0 $0x0  }
0x12: {  	s1 =	sld [smem:$0x3F97];
	s0 =	simm.s32 @p0 $0x1  }
0x13: {  	[smem:$0x3FB2] =	sst s0;
	s0 =	simm.s32 @!p1 $0x0  }
0x14: {  	s2 =	sld [smem:$0x3F96];
	s0 =	simm.s32 @p1 $0x1  }
0x15: {  	[smem:$0x3FB3] =	sst s0;
	s0 =	simm.s32 @!p2 $0x0  }
0x16: {  	s3 =	sld [smem:$0x3FDB];
	s0 =	simm.s32 @p2 $0x1  }
0x17: {  	s4 =	simm.s32 $0x1BF5;
	[smem:$0x3FB5] =	sst s0  }
0x18: {  	s0 =	sld [smem:$0x3F98];
	_ =	swait.ge [sflag:s4], $0x0  }
0x19: {  	s7 =	sld [smem:$0x3F99]  }
0x1a: {  	s8 =	sadd.s32 $0xFFFFE003, lr  }
0x1b: {  	s9 =	sadd.s32 $0xFFFFFEF7, lr;
	s5 =	simm.s32 $0xFFFFFFFF;
	p2 =	slt.u32 s8, $0xFFFFF086  }
0x1c: {  	p1 =	slt.u32 s9, $0xF7A;
	s5 =	simm.s32 @!p2 $0x0  }
0x1d: {  	s5 =	simm.s32 @p1 $0x1;
	p0 =	seq.s32 s7, s2  }
0x1e: {  	s7 =	smul.u32 @!p0 $0xF7A, s2;
	p2 =	seq.s32 @!p0 s5, $0x0  }
0x1f: {  	s9 =	smul.u32 $0xF7A, s1;
	s8 =	simm.s32 @!p0 $0x1BF5;
	p2 =	por !p2, p0  }
0x20: {  	[sflag:s8] =	ssyncset.s32 @!p0 $0xFFFFF086;
	s6 =	sadd.s32 @!p0 s3, s7;
	s7 =	simm.s32 @!p0 $0x108  }
0x21: {  	s3 =	sadd.s32 s3, s9;
	s6 =	sadd.s32 @!p0 $0x88, s6;
	s7 =	simm.s32 @p2 $0x1082  }
0x22: {  	[simem:s7], [sflag:s8] =	dma.local @!p0 [hbm:s6], $0xF7A  }
0x23: {  	s9 =	sor.u32 $0xD0000000, s2;
	s6 =	simm.s32 $0x108;
	_ =	swait.ge @!p0 [sflag:s8], $0x0  }
0x24: {  	s3 =	sadd.s32 $0x88, s3;
	s6 =	simm.s32 @!p1 $0x1082;
	[sflag:s4] =	ssyncset.s32 $0xFFFFF086  }
0x25: {  	[simem:s6], [sflag:s4] =	dma.local [hbm:s3], $0xF7A  }
0x26: {  	[smem:$0x3F99] =	sst s1;
	(tag) =	ssettag s2;
	_ =	strace s9  }
0x27: {  	s1 =	sld [smem:$0x3FA9]  }
0x28: {  	s2 =	sld [smem:$0x3FAA]  }
0x29: {  	s4 =	sld [smem:$0x3FAC]  }
0x2a: {  	p0 =	seq.s32 s5, $0x0;
	s5 =	sld [smem:$0x3FAD]  }
0x2b: {  	s6 =	sld [smem:$0x3FAE]  }
0x2c: {  	s7 =	sld [smem:$0x3FAF]  }
0x2d: {  	s3 =	simm.s32 $0x108;
	s8 =	sld [smem:$0x3FB0]  }
0x2e: {  	s3 =	simm.s32 @!p0 $0x1082;
	s9 =	sld [smem:$0x3FB1]  }
0x2f: {  	lr =	sadd.s32 s0, s3;
	s0 =	sld [smem:$0x3FA8]  }
0x30: {  	s3 =	sld [smem:$0x3FAB]  }
0x31: {  	[smem:$0x3FB4] =	sst s10  }
0x32: {  	s10 =	sld [smem:$0x3FB2];
	_ =	sdelay $0x3  }
0x33: {  	p0 =	seq.s32 s10, $0x1;
	s10 =	sld [smem:$0x3FB4];
	_ =	sdelay $0x3  }
0x34: {  	[smem:$0x3FB4] =	sst s10  }
0x35: {  	s10 =	sld [smem:$0x3FB3];
	_ =	sdelay $0x3  }
0x36: {  	p1 =	seq.s32 s10, $0x1;
	s10 =	sld [smem:$0x3FB4];
	_ =	sdelay $0x3  }
0x37: {  	[smem:$0x3FB4] =	sst s10  }
0x38: {  	s10 =	sld [smem:$0x3FB5]  }
0x39: {  	_ = 	snop;
	(pc) =	sbr.ind lr, $3  }
0x3a: {  	_ = 	snop  }
0x3b: {  	_ = 	snop  }
0x3c: {  	p2 =	seq.s32 s10, $0x1;
	s10 =	sld [smem:$0x3FB4]  }
0x3d: {  	_ =	shalt  }
0x3e: {  	_ =	shalt  }
0x3f: {  	_ =	shalt  }
0x40: {  	_ =	shalt  }
0x41: {  	_ =	shalt  }
0x42: {  	_ =	shalt  }
0x43: {  	_ =	shalt  }
0x44: {  	_ =	shalt  }
0x45: {  	_ =	shalt  }
0x46: {  	_ =	shalt  }
0x47: {  	_ =	shalt  }
0x48: {  	_ =	shalt  }
0x49: {  	_ =	shalt  }
0x4a: {  	_ =	shalt  }
0x4b: {  	_ =	shalt  }
0x4c: {  	_ =	shalt  }
0x4d: {  	_ =	shalt  }
0x4e: {  	_ =	shalt  }
0x4f: {  	_ =	shalt  }
0x50: {  	_ =	shalt  }
0x51: {  	_ =	shalt  }
0x52: {  	_ =	shalt  }
0x53: {  	_ =	shalt  }
0x54: {  	_ =	shalt  }
0x55: {  	_ =	shalt  }
0x56: {  	_ =	shalt  }
0x57: {  	_ =	shalt  }
0x58: {  	_ =	shalt  }
0x59: {  	_ =	shalt  }
0x5a: {  	_ =	shalt  }
0x5b: {  	_ =	shalt  }
0x5c: {  	_ =	shalt  }
0x5d: {  	_ =	shalt  }
0x5e: {  	_ =	shalt  }
0x5f: {  	_ =	shalt  }
0x60: {  	_ =	shalt  }
0x61: {  	_ =	shalt  }
0x62: {  	_ =	shalt  }
0x63: {  	_ =	shalt  }
0x64: {  	_ =	shalt  }
0x65: {  	_ =	shalt  }
0x66: {  	_ =	shalt  }
0x67: {  	_ =	shalt  }
0x68: {  	_ =	shalt  }
0x69: {  	_ =	shalt  }
0x6a: {  	_ =	shalt  }
0x6b: {  	_ =	shalt  }
0x6c: {  	_ =	shalt  }
0x6d: {  	_ =	shalt  }
0x6e: {  	_ =	shalt  }
0x6f: {  	_ =	shalt  }
0x70: {  	_ =	shalt  }
0x71: {  	_ =	shalt  }
0x72: {  	_ =	shalt  }
0x73: {  	_ =	shalt  }
0x74: {  	_ =	shalt  }
0x75: {  	_ =	shalt  }
0x76: {  	_ =	shalt  }
0x77: {  	_ =	shalt  }
0x78: {  	_ =	shalt  }
0x79: {  	_ =	shalt  }
0x7a: {  	_ =	shalt  }
0x7b: {  	_ =	shalt  }
0x7c: {  	_ =	shalt  }
0x7d: {  	_ =	shalt  }
0x7e: {  	_ =	shalt  }
0x7f: {  	_ =	shalt  }
0x80: {  	_ =	shalt  }
0x81: {  	_ =	shalt  }
0x82: {  	_ =	shalt  }
0x83: {  	_ =	shalt  }
0x84: {  	_ =	shalt  }
0x85: {  	_ =	shalt  }
0x86: {  	_ =	shalt  }
0x87: {  	_ =	shalt  }
.Lfunc_end0:
.L_simem_size_0:
called_computation.3_lowered:
.L_overlay_start_0:
0x88: {  	s2 =	sld [smem:$0x3FD9]  }
0x89: {  	s3 =	sld [smem:$0x3FFE];
	_ =	sdelay $0x1  }
0x8a: {  	s1 =	srdreg.scid  }
0x8b: {  	s0 =	sand.u32 $0x1, s1  }
0x8c: {  	s17 =	sshll.u32 s0, $0xA;
	s2 =	sadd.s32 s3, s2  }
0x8d: {  	s2 =	sadd.s32 s2, s17  }
0x8e: {  	[smem:$0x3FC0] =	sst s2  }
0x8f: {  	_ = 	snop  }
0x90: {  	s2 =	sld [smem:$0x3FD0];
	(tm) =	ssettm $0x1  }
0x91: {  	s18 =	sld [smem:$0x3FFB];
	_ =	sdelay $0x3  }
0x92: {  	_ =	strace s18  }
0x93: {  	s3 =	sld [smem:$0x3FFC];
	_ =	sdelay $0x3  }
0x94: {  	_ =	strace s3  }
0x95: {  	s3 =	sld [smem:$0x3FFD];
	_ =	sdelay $0x3  }
0x96: {  	_ =	strace s3  }
0x97: {  	_ =	strace $0x8FFFFFFF  }
0x98: {  	s19 =	sld [smem:$0x3FDB];
	_ =	sdelay $0x1  }
0x99: {  	s4 =	simm.s32 $_scs_section_size  }
0x9a: {  	s5 =	simm.s32 $_size__tile_overlayer_lowered;
	s6 =	simm.s32 $_tile_overlayer_lowered  }
0x9b: {  	s22 =	simm.s32 $0x1BFF;
	s21 =	sshll.u32 s6, $0x1;
	s3 =	sadd.s32 s4, s19  }
0x9c: {  	s7 =	simm.s32 $0x0;
	s20 =	sshll.u32 s5, $0x1;
	s5 =	sadd.s32 s21, s3  }
0x9d: {  	[timem:s7], [sflag:s22] =	dma.local [hbm:s5], s20  }
0x9e: {  	_ =	swait.ge [sflag:s22], s20  }
0x9f: {  	s4 =	ssub.s32 $0x0, s20;
	[sflag:s22] =	ssyncset.done $0x0  }
0xa0: {  	[sflag:s22] =	ssyncadd.s32 s4;
	_ =	sdelay $0x1  }
0xa1: {  	s23 =	simm.s32 $0x1B8B  }
0xa2: {  	_ =	swait.ge [sflag:s23], $0x1  }
0xa3: {  	[sflag:s23] =	ssyncset.done $0x0  }
0xa4: {  	s25 =	simm.s32 $0x1B8E;
	s24 =	sld [smem:$0x3FFE];
	[sflag:s23] =	ssyncadd.s32 $0xFFFFFFFF  }
0xa5: {  	s26 =	simm.s32 $execute0_lowered;
	[smem:$0x3FD2] =	sst s25  }
0xa6: {  	s5 =	sshll.u32 s26, $0x1;
	_ =	strace $0x8000004F;
	[dreg:$0x1] =	wrdreg $0xFFFFFFFF  }
0xa7: {  	s28 =	simm.s32 $_size_execute0_lowered;
	s3 =	sadd.s32 s3, s5;
	[dreg:$0x0] =	wrdreg $0x0  }
0xa8: {  	s5 =	sshll.u32 s28, $0x1;
	[dreg:$0x2] =	wrdreg s3  }
0xa9: {  	[dreg:$0x3] =	wrdreg s5  }
0xaa: {  	[dreg:$0x4] =	wrdreg $0xC0  }
0xab: {  	_ =	task [dreg:s7], $0x5FFFF  }
0xac: {  	[dreg:$0x1] =	wrdreg $0xFFFFFFFF  }
0xad: {  	[dreg:$0x0] =	wrdreg $0x60  }
0xae: {  	[dreg:$0x2] =	wrdreg s2  }
0xaf: {  	[dreg:$0x3] =	wrdreg s24  }
0xb0: {  	[dreg:$0x4] =	wrdreg $0xA8000  }
0xb1: {  	[dreg:$0x5] =	wrdreg $0x9  }
0xb2: {  	_ =	task.clear_ibuf [dreg:s7], $0x6FFFF;
	_ =	strace $0x9000004F  }
0xb3: {  	s29 =	simm.s32 $0x9;
	_ =	strace $0x80000051  }
0xb4: {  	_ =	swait.ge [sflag:s29], $0x1  }
0xb5: {  	[sflag:s29] =	ssyncadd.s32 $0xFFFFFFFF  }
0xb6: {  	_ =	strace $0x90000051  }
0xb7: {  	_ =	sfence  }
0xb8: {  	s30 =	sld [smem:$0x0];
	_ =	sdelay $0x2  }
0xb9: {  	s31 =	sshll.u32 s1, $0xD;
	s1 =	sshrl.u32 s1, $0x2  }
0xba: {  	s3 =	sand.u32 $0x4000, s31;
	s1 =	sadd.s32 s1, s30  }
0xbb: {  	s0 =	sor.u32 s3, s0;
	s1 =	sshll.u32 s1, $0x11  }
0xbc: {  	s0 =	sor.u32 s1, s0  }
0xbd: {  	s0 =	sadd.s32 $0x8F2B, s0  }
0xbe: {  	[sflag:s0] =	ssyncadd.remote.s32 $0x1  }
0xbf: {  	_ =	sfence.sel $0xFFFF  }
0xc0: {  	[dreg:$0x0] =	wrdreg $0xFFFFFFFF;
	(pc) =	sbr.abs _section_cstart, $3  }
0xc1: {  	[dreg:$0x1] =	wrdreg $0xFFFFFFFF  }
0xc2: {  	_ =	task.clear_ibuf [dreg:s7], $0x2FFFF;
	_ =	strace $0x9FFFFFFF  }
0xc3: {  	(tm) =	ssettm $0x7FFFFFFF  }
tec
execute0_lowered:
.L_overlay_start_1:
0x0: {  	(tag) =	ssettag $0x1  }
0x1: {  	s1 =	rddreg [dreg:$0x0]  }
0x2: {  	s4 =	rddreg [dreg:$0x1]  }
0x3: {  	s2 =	rddreg [dreg:$0x2]  }
0x4: {  	s0 =	rddreg [dreg:$0x3];
	s3 =	simm.s32 $0x0;
	s14 =	stileid.u32  }
0x5: {  	s5 =	srdreg.scid;
	s21 =	simm.s32 $0x1;
	s6 =	smul.u32 $0x4E000, s14  }
0x6: {  	[smem:$0x7FF] =	sst s3;
	s9 =	sadd.s32 $0x56A00, s4;
	s11 =	smul.u32 $0x270, s14  }
0x7: {  	s5 =	sand.u32 $0x1, s5;
	s10 =	sadd.s32 $0x2200, s4;
	s26 =	smul.u32 $0x50, s14  }
0x8: {  	s12 =	sadd.s32 $0x7200, s4;
	s28 =	sshll.u32 s14, $0x6;
	s19 =	smul.u32 $0x500, s14  }
0x9: {  	s17 =	sadd.s32 $0x138000, s2;
	p0 =	sne.s32 s14, $0x0;
	s8 =	smul.u32 $0x2710, s5  }
0xa: {  	_ =	strace $0x80000050;
	s7 =	ssub.s32 $0x2, s5;
	s24 =	smul.u32 $0x138800, s5  }
0xb: {  	s16 =	smul.u32 $0x500, s5;
	s5 =	sor.u32 $0x1C02, s28;
	s22 =	sshrl.u32 s7, $0x1  }
0xc: {  	s23 =	sshrl.u32 s6, $0x2;
	s20 =	sadd.s32 $0x28, s26;
	s13 =	ssub.s32 s7, s22  }
0xd: {  	s15 =	sadd.s32 s23, s2;
	s25 =	sadd.s32 s11, s8;
	s6 =	sshrl.u32 s24, $0x3  }
0xe: {  	s29 =	sadd.s32 s26, s16;
	s16 =	sadd.s32 s16, s20;
	s8 =	sadd.s32 s10, s19  }
0xf: {  	s31 =	sshll.u32 s20, $0x4;
	s19 =	simm.s32 $0x2800;
	s20 =	simm.s32 $0x6800  }
0x10: {  	s22 =	simm.s32 $0x1380;
	s23 =	simm.s32 $0x2700;
	s24 =	simm.s32 $0x2780  }
0x11: {  	s11 =	sshll.u32 s25, $0x4;
	s18 =	sadd.s32 $0x27000, s6;
	s30 =	sshll.u32 s29, $0x4  }
0x12: {  	s16 =	sshll.u32 s16, $0x4;
	s10 =	sadd.s32 s10, s31;
	s13 =	smax.u32 s13, $0x1  }
0x13: {  	s14 =	sshrl.u32 s15, $0x3;
	s15 =	simm.s32 $0x2;
	s25 =	simm.s32 $0x0  }
0x14: {  	s4 =	sadd.s32 s1, s11;
	s6 =	sadd.s32 s1, s18;
	s7 =	sadd.s32 s9, s30  }
0x15: {  	s9 =	sadd.s32 s9, s16;
	s11 =	sadd.s32 s12, s11;
	s12 =	sadd.s32 s12, s18  }
0x16: {  	s16 =	sshrl.u32 @!p0 s17, $0x3;
	s17 =	simm.s32 $0x1400;
	s18 =	simm.s32 $0x80  }
.LBB2_1:
0x17: {  	[spmem:s14], [sflag:s5] =	dma.local [hbm:s4], $0x2700  }
0x18: {  	_ =	swait.ge [sflag:s15], $0x2700  }
0x19: {  	[sflag:s15] =	ssyncset.done $0x0  }
0x1a: {  	s26 =	simm.s32 @!p0 $0x2;
	[sflag:s15] =	ssyncadd.s32 $0xFFFFD900  }
0x1b: {  	[spmem:s16], [sflag:s5] =	dma.local @!p0 [hbm:s6], $0x100  }
0x1c: {  	_ =	swait.ge @!p0 [sflag:s26], $0x100  }
0x1d: {  	[sflag:s26] =	ssyncset.done @!p0 $0x0  }
0x1e: {  	[sflag:s26] =	ssyncadd.s32 @!p0 $0xFFFFFF00  }
0x1f: {  	[bflag:$0x0] =	sbarrier.arrive $0xFFFF  }
0x20: {  	[tilespmem:s3], [sflag:$0x2] =	stream.linear.gather [hbm4b:s7+s3], $0x1400, $0x38;
	[tilespmem:$0x1E400] =	vst v63  }
0x21: {  	_ =	swait.ge [sflag:s15], $0x1400  }
0x22: {  	[sflag:s15] =	ssyncset.done $0x0  }
0x23: {  	[sflag:s15] =	ssyncadd.s32 $0xFFFFEC00  }
0x24: {  	[tilespmem:s17], [sflag:$0x2] =	stream.linear.gather [hbm4b:s8+s3], $0x1400, $0x38;
	[tilespmem:$0x1E400] =	vst v63  }
0x25: {  	_ =	swait.ge [sflag:s15], $0x1400  }
0x26: {  	[sflag:s15] =	ssyncset.done $0x0  }
0x27: {  	[sflag:s15] =	ssyncadd.s32 $0xFFFFEC00  }
0x28: {  	[tilespmem:s19], [sflag:$0x1] =	stream.indirect.gather [hbm4b:s1+s18], $0x80, s3, s18, $0xb8;
	[tilespmem:$0x1E400] =	vst v63  }
0x29: {  	s31 =	simm.s32 $0x80  }
0x2a: {  	[tilespmem:s20], [sflag:$0x1] =	stream.indirect.gather [hbm4b:s1+s18], $0x80, s31, s18, $0xb8;
	[tilespmem:$0x1E400] =	vst v63  }
0x2b: {  	_ =	swait.ge [sflag:s21], $0x4000  }
0x2c: {  	[sflag:s21] =	ssyncset.done $0x0  }
0x2d: {  	s29 =	simm.s32 $0x1400;
	[sflag:s21] =	ssyncadd.s32 $0xFFFFC000  }
0x2e: {  	[spmem:s2] =	stream.indirect.scatter.add.f32 [tilespmem:s19], [sflag:$0x2], $0x80, s29, s18, $0xb8;
	[tilespmem:$0x1E400] =	vst v63  }
0x2f: {  	_ =	swait.ge [sflag:s15], $0x4000  }
0x30: {  	[sflag:s15] =	ssyncset.done $0x0  }
0x31: {  	s30 =	simm.s32 $0x100;
	[sflag:s15] =	ssyncadd.s32 $0xFFFFC000  }
0x32: {  	[tilespmem:s19], [sflag:$0x1] =	stream.indirect.gather [hbm4b:s1+s18], $0x80, s30, s18, $0xb8;
	[tilespmem:$0x1E400] =	vst v63  }
0x33: {  	_ =	swait.ge [sflag:s21], $0x4000  }
0x34: {  	[sflag:s21] =	ssyncset.done $0x0  }
0x35: {  	s31 =	simm.s32 $0x1480;
	[sflag:s21] =	ssyncadd.s32 $0xFFFFC000  }
0x36: {  	[spmem:s2] =	stream.indirect.scatter.add.f32 [tilespmem:s20], [sflag:$0x2], $0x80, s31, s18, $0xb8;
	[tilespmem:$0x1E400] =	vst v63  }
0x37: {  	_ =	swait.ge [sflag:s15], $0x4000  }
0x38: {  	s28 =	simm.s32 $0x800;
	s26 =	simm.s32 $0x100;
	[sflag:s15] =	ssyncset.done $0x0  }
.LBB2_2:
0x39: {  	s29 =	sadd.s32 $0x80, s26  }
0x3a: {  	[sflag:s15] =	ssyncadd.s32 $0xFFFFC000;
	s30 =	smov.u32 s28;
	s31 =	sadd.s32 $0x400, s28  }
0x3b: {  	[tilespmem:s20], [sflag:$0x1] =	stream.indirect.gather [hbm4b:s1+s18], $0x80, s29, s18, $0xb8;
	[tilespmem:$0x1E400] =	vst v63  }
0x3c: {  	p1 =	sne.s32 s28, $0x4800;
	_ =	swait.ge [sflag:s21], $0x4000  }
0x3d: {  	[sflag:s21] =	ssyncset.done $0x0  }
0x3e: {  	s28 =	sadd.s32 $0x1400, s26;
	[sflag:s21] =	ssyncadd.s32 $0xFFFFC000  }
0x3f: {  	[spmem:s2] =	stream.indirect.scatter.add.f32 [tilespmem:s19], [sflag:$0x2], $0x80, s28, s18, $0xb8;
	[tilespmem:$0x1E400] =	vst v63  }
0x40: {  	_ =	swait.ge [sflag:s15], $0x4000  }
0x41: {  	[sflag:s15] =	ssyncset.done $0x0  }
0x42: {  	s28 =	sadd.s32 $0x100, s26;
	[sflag:s15] =	ssyncadd.s32 $0xFFFFC000  }
0x43: {  	[tilespmem:s19], [sflag:$0x1] =	stream.indirect.gather [hbm4b:s1+s18], $0x80, s28, s18, $0xb8;
	[tilespmem:$0x1E400] =	vst v63  }
0x44: {  	_ =	swait.ge [sflag:s21], $0x4000  }
.Ltmp0:
0x45: {  	[sflag:s21] =	ssyncset.done $0x0;
	(pc) =	sbr.rel @p1 .LBB2_2-.Ltmp0, $4  }
0x46: {  	s26 =	sadd.s32 $0x1480, s26;
	[sflag:s21] =	ssyncadd.s32 $0xFFFFC000  }
0x47: {  	[spmem:s2] =	stream.indirect.scatter.add.f32 [tilespmem:s20], [sflag:$0x2], $0x80, s26, s18, $0xb8;
	[tilespmem:$0x1E400] =	vst v63  }
0x48: {  	_ =	swait.ge [sflag:s15], $0x4000  }
0x49: {  	s28 =	smov.u32 s31;
	s26 =	sshra.s32 s30, $0x2;
	[sflag:s15] =	ssyncset.done $0x0  }
0x4a: {  	s28 =	sadd.s32 $0x80, s26;
	[sflag:s15] =	ssyncadd.s32 $0xFFFFC000  }
0x4b: {  	[tilespmem:s20], [sflag:$0x1] =	stream.indirect.gather [hbm4b:s1+s18], $0x80, s28, s18, $0xb8;
	[tilespmem:$0x1E400] =	vst v63  }
0x4c: {  	_ =	swait.ge [sflag:s21], $0x4000  }
0x4d: {  	[sflag:s21] =	ssyncset.done $0x0  }
0x4e: {  	s28 =	sadd.s32 $0x1400, s26;
	[sflag:s21] =	ssyncadd.s32 $0xFFFFC000  }
0x4f: {  	[spmem:s2] =	stream.indirect.scatter.add.f32 [tilespmem:s19], [sflag:$0x2], $0x80, s28, s18, $0xb8;
	[tilespmem:$0x1E400] =	vst v63  }
0x50: {  	_ =	swait.ge [sflag:s15], $0x4000  }
0x51: {  	[sflag:s15] =	ssyncset.done $0x0  }
0x52: {  	s28 =	sadd.s32 $0x100, s26;
	[sflag:s15] =	ssyncadd.s32 $0xFFFFC000  }
0x53: {  	[tilespmem:s19], [sflag:$0x1] =	stream.indirect.gather [hbm4b:s1+s18], $0x80, s28, s18, $0xb8;
	[tilespmem:$0x1E400] =	vst v63  }
0x54: {  	_ =	swait.ge [sflag:s21], $0x4000  }
0x55: {  	[sflag:s21] =	ssyncset.done $0x0  }
0x56: {  	s29 =	sadd.s32 $0x1480, s26;
	[sflag:s21] =	ssyncadd.s32 $0xFFFFC000  }
0x57: {  	[spmem:s2] =	stream.indirect.scatter.add.f32 [tilespmem:s20], [sflag:$0x2], $0x80, s29, s18, $0xb8;
	[tilespmem:$0x1E400] =	vst v63  }
0x58: {  	_ =	swait.ge [sflag:s15], $0x4000  }
0x59: {  	[sflag:s15] =	ssyncset.done $0x0  }
0x5a: {  	[sflag:s15] =	ssyncadd.s32 $0xFFFFC000  }
0x5b: {  	[tilespmem:s20], [sflag:$0x1] =	stream.indirect.gather [hbm4b:s1+s18], $0x80, s22, s18, $0xb8;
	[tilespmem:$0x1E400] =	vst v63  }
0x5c: {  	_ =	swait.ge [sflag:s21], $0x4000  }
0x5d: {  	[sflag:s21] =	ssyncset.done $0x0  }
0x5e: {  	[sflag:s21] =	ssyncadd.s32 $0xFFFFC000  }
0x5f: {  	[spmem:s2] =	stream.indirect.scatter.add.f32 [tilespmem:s19], [sflag:$0x2], $0x80, s23, s18, $0xb8;
	[tilespmem:$0x1E400] =	vst v63  }
0x60: {  	_ =	swait.ge [sflag:s15], $0x4000  }
0x61: {  	[sflag:s15] =	ssyncset.done $0x0  }
0x62: {  	[sflag:s15] =	ssyncadd.s32 $0xFFFFC000  }
0x63: {  	_ =	swait.ge [sflag:s21], $0x4000  }
0x64: {  	[sflag:s21] =	ssyncset.done $0x0  }
0x65: {  	[sflag:s21] =	ssyncadd.s32 $0xFFFFC000  }
0x66: {  	[spmem:s2] =	stream.indirect.scatter.add.f32 [tilespmem:s20], [sflag:$0x2], $0x80, s24, s18, $0xb8;
	[tilespmem:$0x1E400] =	vst v63  }
0x67: {  	_ =	swait.ge [sflag:s15], $0x4000  }
0x68: {  	[sflag:s15] =	ssyncset.done $0x0  }
0x69: {  	s30 =	simm.s32 $0x0;
	[sflag:s15] =	ssyncadd.s32 $0xFFFFC000  }
0x6a: {  	[tilespmem:s30], [sflag:$0x2] =	stream.linear.gather [hbm4b:s9+s30], $0x1400, $0x38;
	[tilespmem:$0x1E400] =	vst v63  }
0x6b: {  	_ =	swait.ge [sflag:s15], $0x1400  }
0x6c: {  	[sflag:s15] =	ssyncset.done $0x0  }
0x6d: {  	[sflag:s15] =	ssyncadd.s32 $0xFFFFEC00  }
0x6e: {  	[tilespmem:s17], [sflag:$0x2] =	stream.linear.gather [hbm4b:s10+s30], $0x1400, $0x38;
	[tilespmem:$0x1E400] =	vst v63  }
0x6f: {  	_ =	swait.ge [sflag:s15], $0x1400  }
0x70: {  	[sflag:s15] =	ssyncset.done $0x0  }
0x71: {  	[sflag:s15] =	ssyncadd.s32 $0xFFFFEC00  }
0x72: {  	[tilespmem:s19], [sflag:$0x1] =	stream.indirect.gather [hbm4b:s1+s18], $0x80, s30, s18, $0xb8;
	[tilespmem:$0x1E400] =	vst v63  }
0x73: {  	s31 =	simm.s32 $0x80  }
0x74: {  	[tilespmem:s20], [sflag:$0x1] =	stream.indirect.gather [hbm4b:s1+s18], $0x80, s31, s18, $0xb8;
	[tilespmem:$0x1E400] =	vst v63  }
0x75: {  	_ =	swait.ge [sflag:s21], $0x4000  }
0x76: {  	[sflag:s21] =	ssyncset.done $0x0  }
0x77: {  	s29 =	simm.s32 $0x1400;
	[sflag:s21] =	ssyncadd.s32 $0xFFFFC000  }
0x78: {  	[spmem:s2] =	stream.indirect.scatter.add.f32 [tilespmem:s19], [sflag:$0x2], $0x80, s29, s18, $0xb8;
	[tilespmem:$0x1E400] =	vst v63  }
0x79: {  	_ =	swait.ge [sflag:s15], $0x4000  }
0x7a: {  	[sflag:s15] =	ssyncset.done $0x0  }
0x7b: {  	s30 =	simm.s32 $0x100;
	[sflag:s15] =	ssyncadd.s32 $0xFFFFC000  }
0x7c: {  	[tilespmem:s19], [sflag:$0x1] =	stream.indirect.gather [hbm4b:s1+s18], $0x80, s30, s18, $0xb8;
	[tilespmem:$0x1E400] =	vst v63  }
0x7d: {  	_ =	swait.ge [sflag:s21], $0x4000  }
0x7e: {  	[sflag:s21] =	ssyncset.done $0x0  }
0x7f: {  	s31 =	simm.s32 $0x1480;
	[sflag:s21] =	ssyncadd.s32 $0xFFFFC000  }
0x80: {  	[spmem:s2] =	stream.indirect.scatter.add.f32 [tilespmem:s20], [sflag:$0x2], $0x80, s31, s18, $0xb8;
	[tilespmem:$0x1E400] =	vst v63  }
0x81: {  	_ =	swait.ge [sflag:s15], $0x4000  }
0x82: {  	s26 =	simm.s32 $0x100;
	s28 =	simm.s32 $0x800;
	[sflag:s15] =	ssyncset.done $0x0  }
.LBB2_4:
0x83: {  	s29 =	sadd.s32 $0x80, s26  }
0x84: {  	[sflag:s15] =	ssyncadd.s32 $0xFFFFC000;
	s30 =	smov.u32 s28;
	s31 =	sadd.s32 $0x400, s28  }
0x85: {  	[tilespmem:s20], [sflag:$0x1] =	stream.indirect.gather [hbm4b:s1+s18], $0x80, s29, s18, $0xb8;
	[tilespmem:$0x1E400] =	vst v63  }
0x86: {  	p1 =	sne.s32 s28, $0x4800;
	_ =	swait.ge [sflag:s21], $0x4000  }
0x87: {  	[sflag:s21] =	ssyncset.done $0x0  }
0x88: {  	s28 =	sadd.s32 $0x1400, s26;
	[sflag:s21] =	ssyncadd.s32 $0xFFFFC000  }
0x89: {  	[spmem:s2] =	stream.indirect.scatter.add.f32 [tilespmem:s19], [sflag:$0x2], $0x80, s28, s18, $0xb8;
	[tilespmem:$0x1E400] =	vst v63  }
0x8a: {  	_ =	swait.ge [sflag:s15], $0x4000  }
0x8b: {  	[sflag:s15] =	ssyncset.done $0x0  }
0x8c: {  	s28 =	sadd.s32 $0x100, s26;
	[sflag:s15] =	ssyncadd.s32 $0xFFFFC000  }
0x8d: {  	[tilespmem:s19], [sflag:$0x1] =	stream.indirect.gather [hbm4b:s1+s18], $0x80, s28, s18, $0xb8;
	[tilespmem:$0x1E400] =	vst v63  }
0x8e: {  	_ =	swait.ge [sflag:s21], $0x4000  }
.Ltmp1:
0x8f: {  	[sflag:s21] =	ssyncset.done $0x0;
	(pc) =	sbr.rel @p1 .LBB2_4-.Ltmp1, $4  }
0x90: {  	s26 =	sadd.s32 $0x1480, s26;
	[sflag:s21] =	ssyncadd.s32 $0xFFFFC000  }
0x91: {  	[spmem:s2] =	stream.indirect.scatter.add.f32 [tilespmem:s20], [sflag:$0x2], $0x80, s26, s18, $0xb8;
	[tilespmem:$0x1E400] =	vst v63  }
0x92: {  	_ =	swait.ge [sflag:s15], $0x4000  }
0x93: {  	s28 =	smov.u32 s31;
	s26 =	sshra.s32 s30, $0x2;
	[sflag:s15] =	ssyncset.done $0x0  }
0x94: {  	s28 =	sadd.s32 $0x80, s26;
	[sflag:s15] =	ssyncadd.s32 $0xFFFFC000  }
0x95: {  	[tilespmem:s20], [sflag:$0x1] =	stream.indirect.gather [hbm4b:s1+s18], $0x80, s28, s18, $0xb8;
	[tilespmem:$0x1E400] =	vst v63  }
0x96: {  	_ =	swait.ge [sflag:s21], $0x4000  }
0x97: {  	[sflag:s21] =	ssyncset.done $0x0  }
0x98: {  	s29 =	sadd.s32 $0x1400, s26;
	[sflag:s21] =	ssyncadd.s32 $0xFFFFC000  }
0x99: {  	[spmem:s2] =	stream.indirect.scatter.add.f32 [tilespmem:s19], [sflag:$0x2], $0x80, s29, s18, $0xb8;
	[tilespmem:$0x1E400] =	vst v63  }
0x9a: {  	_ =	swait.ge [sflag:s15], $0x4000  }
0x9b: {  	[sflag:s15] =	ssyncset.done $0x0  }
0x9c: {  	s30 =	sadd.s32 $0x100, s26;
	[sflag:s15] =	ssyncadd.s32 $0xFFFFC000  }
0x9d: {  	[tilespmem:s19], [sflag:$0x1] =	stream.indirect.gather [hbm4b:s1+s18], $0x80, s30, s18, $0xb8;
	[tilespmem:$0x1E400] =	vst v63  }
0x9e: {  	_ =	swait.ge [sflag:s21], $0x4000  }
0x9f: {  	[sflag:s21] =	ssyncset.done $0x0  }
0xa0: {  	s31 =	sadd.s32 $0x1480, s26;
	[sflag:s21] =	ssyncadd.s32 $0xFFFFC000  }
0xa1: {  	[spmem:s2] =	stream.indirect.scatter.add.f32 [tilespmem:s20], [sflag:$0x2], $0x80, s31, s18, $0xb8;
	[tilespmem:$0x1E400] =	vst v63  }
0xa2: {  	_ =	swait.ge [sflag:s15], $0x4000  }
0xa3: {  	[sflag:s15] =	ssyncset.done $0x0  }
0xa4: {  	[sflag:s15] =	ssyncadd.s32 $0xFFFFC000  }
0xa5: {  	[tilespmem:s20], [sflag:$0x1] =	stream.indirect.gather [hbm4b:s1+s18], $0x80, s22, s18, $0xb8;
	[tilespmem:$0x1E400] =	vst v63  }
0xa6: {  	_ =	swait.ge [sflag:s21], $0x4000  }
0xa7: {  	[sflag:s21] =	ssyncset.done $0x0  }
0xa8: {  	[sflag:s21] =	ssyncadd.s32 $0xFFFFC000  }
0xa9: {  	[spmem:s2] =	stream.indirect.scatter.add.f32 [tilespmem:s19], [sflag:$0x2], $0x80, s23, s18, $0xb8;
	[tilespmem:$0x1E400] =	vst v63  }
0xaa: {  	_ =	swait.ge [sflag:s15], $0x4000  }
0xab: {  	[sflag:s15] =	ssyncset.done $0x0  }
0xac: {  	[sflag:s15] =	ssyncadd.s32 $0xFFFFC000  }
0xad: {  	_ =	swait.ge [sflag:s21], $0x4000  }
0xae: {  	[sflag:s21] =	ssyncset.done $0x0  }
0xaf: {  	[sflag:s21] =	ssyncadd.s32 $0xFFFFC000  }
0xb0: {  	[spmem:s2] =	stream.indirect.scatter.add.f32 [tilespmem:s20], [sflag:$0x2], $0x80, s24, s18, $0xb8;
	[tilespmem:$0x1E400] =	vst v63  }
0xb1: {  	_ =	swait.ge [sflag:s15], $0x4000  }
0xb2: {  	[sflag:s15] =	ssyncset.done $0x0  }
0xb3: {  	[sflag:s15] =	ssyncadd.s32 $0xFFFFC000  }
0xb4: {  	[bflag:$0x0] =	sbarrier.arrive $0xFFFF  }
0xb5: {  	[hbm:s11], [sflag:s5] =	dma.local [spmem:s14], $0x2700  }
0xb6: {  	s25 =	sadd.s32 $0x1, s25;
	_ =	swait.ge [sflag:s15], $0x2700  }
0xb7: {  	p1 =	sne.s32 s25, s13;
	[sflag:s15] =	ssyncset.done $0x0  }
.Ltmp2:
0xb8: {  	s26 =	simm.s32 @!p0 $0x2;
	[sflag:s15] =	ssyncadd.s32 $0xFFFFD900;
	(pc) =	sbr.rel @p1 .LBB2_1-.Ltmp2, $4  }
0xb9: {  	[hbm:s12], [sflag:s5] =	dma.local @!p0 [spmem:s16], $0x100  }
0xba: {  	_ =	swait.ge @!p0 [sflag:s26], $0x100  }
0xbb: {  	[sflag:s26] =	ssyncset.done @!p0 $0x0  }
0xbc: {  	[sflag:s26] =	ssyncadd.s32 @!p0 $0xFFFFFF00  }
0xbd: {  	_ =	sfence.sel $0x180000  }
0xbe: {  	[bflag:$0x0] =	sbarrier.arrive $0xFFFF  }
0xbf: {  	_ =	strace $0x90000050  }
0xc0: {  	s0 =	sadd.s32 @!p0 $0x100000, s0;
	[bflag:$0x2] =	sbarrier.arrive $0xFFFF  }
0xc1: {  	[sflag:s0] =	ssyncadd.tile.s32 @!p0 $0x1;
	_ =	shalt  }
.Lfunc_end2:
_tile_overlayer_lowered:
.L_overlay_start_2:
0xc2: {  	(tag) =	ssettag $0x2  }
0xc3: {  	s0 =	rddreg [dreg:$0x0];
	s2 =	stileid.u32  }
0xc4: {  	s1 =	rddreg [dreg:$0x1];
	p0 =	sne.s32 s2, $0x0  }
0xc5: {  	s3 =	rddreg [dreg:$0x2];
	[bflag:$0x3] =	sbarrier.arrive $0xFFFF;
	s2 =	simm.s32 @!p0 $0x1C02  }
0xc6: {  	[timem:s3], [sflag:s2] =	dma.local @!p0 [hbm:s0], s1  }
0xc7: {  	s0 =	simm.s32 @!p0 $0x2  }
0xc8: {  	_ =	swait.ge @!p0 [sflag:s0], s1  }
0xc9: {  	s1 =	ssub.s32 @!p0 $0x0, s1;
	[sflag:s0] =	ssyncset.done @!p0 $0x0  }
0xca: {  	[sflag:s0] =	ssyncadd.s32 @!p0 s1  }
0xcb: {  	[bflag:$0x3] =	sbarrier.arrive $0xFFFF  }
0xcc: {  	_ =	shalt  }

</sc_bundles>
